<compile_context>
chip_gen: v7x
topology: tpu7x:2x2x1
jax: 0.10.2.dev20260603
libtpu: 0.0.44.dev20260713+nightly
codegen_flags: <defaults>
</compile_context>

<pallas_src>
import functools

import jax
import jax.numpy as jnp
from jax import lax
from jax.experimental import pallas as pl
from jax.experimental.pallas import tpu as pltpu
from jax.experimental.pallas import tpu_sc as plsc

_L = 16
_W = 128


def _make_sc_kernel(B: int, C: int, NC: int, NS: int):
    NW = NC * NS
    per_w = B // NW
    n_blk = per_w // _W
    mesh = plsc.VectorSubcoreMesh(core_axis_name="c", subcore_axis_name="s")

    @functools.partial(
        pl.kernel,
        mesh=mesh,
        out_type=jax.ShapeDtypeStruct((NW, _L), jnp.float32),
        compiler_params=pltpu.CompilerParams(needs_layout_passes=False),
        scratch_types=[
            pltpu.VMEM((per_w,), jnp.int32),
            pltpu.VMEM((per_w,), jnp.float32),
            pltpu.VMEM((per_w, _W), jnp.float32),
            pltpu.VMEM((_L,), jnp.float32),
            pltpu.SemaphoreType.DMA,
            pltpu.SemaphoreType.DMA,
        ],
    )
    def sc_kernel(pt_hbm, tgt_hbm, mar_hbm, out_hbm,
                  tgt_v, mar_v, buf_v, acc_v, sem, msem):
        wid = lax.axis_index("s") * NC + lax.axis_index("c")
        base = wid * per_w
        mar_cp = pltpu.async_copy(mar_hbm.at[pl.ds(base, per_w)], mar_v, msem)
        pltpu.sync_copy(tgt_hbm.at[pl.ds(base, per_w)], tgt_v)

        copies = []
        for sub in range(n_blk):
            copies.append(pltpu.async_copy(
                pt_hbm.at[tgt_v.at[pl.ds(sub * _W, _W)], pl.ds(base + sub * _W, _W)],
                buf_v.at[pl.ds(sub * _W, _W)],
                sem,
            ))
        mar_cp.wait()

        lane = lax.iota(jnp.int32, _L)
        steps_per_blk = _W // _L

        def extract_body(step, acc):
            rowc = step * _L + lane
            ln = lax.bitwise_and(rowc, _W - 1)
            g = plsc.load_gather(buf_v, [rowc, ln])
            m = mar_v[pl.ds(step * _L, _L)]
            w = jnp.exp(-0.5 * m * m)
            nz = (m > 0) | (m < 0)
            return acc + jnp.where(nz, w, 0.0) * g

        acc = jnp.zeros((_L,), jnp.float32)
        for sub in range(n_blk):
            copies[sub].wait()
            acc = lax.fori_loop(
                sub * steps_per_blk, (sub + 1) * steps_per_blk, extract_body, acc
            )
        acc_v[...] = acc
        pltpu.sync_copy(acc_v, out_hbm.at[wid])

    return sc_kernel


def kernel(preds, targets, margin):
    B, C = preds.shape
    info = plsc.get_sparse_core_info()
    NC, NS = info.num_cores, info.num_subcores
    sc_kernel = _make_sc_kernel(B, C, NC, NS)
    partials = sc_kernel(preds.T, targets.astype(jnp.int32), margin)
    return -jnp.sum(partials) / B

# --- scband reference (transcript-rebuilt; emitter-appended) ---
"""Pipeline reference for scband-similar-distribution-7670811590932 (READ-ONLY COPY).

The authoritative reference and input builder live on the scoring server;
editing this copy changes nothing except your own understanding.
"""

import jax, jax.numpy as jnp
import numpy as np

WEIGHT1 = 1.0
WEIGHT2 = 1.0
SIGMA1 = 0.5
SIGMA2 = 0.5


def setup_inputs(seed: int = 0) -> dict:
    key = jax.random.key(seed)
    k1, k2, k3 = jax.random.split(key, 3)
    B, C = 16384, 1000
    preds = jax.random.normal(k1, (B, C), dtype=jnp.float32)
    targets = jax.random.randint(k2, (B,), 0, C, dtype=jnp.int32)
    margin = jax.random.normal(k3, (B,), dtype=jnp.float32)
    return {"preds": preds, "targets": targets, "margin": margin}


def reference(preds, targets, margin):
    B = preds.shape[0]
    # N = preds[arange(B), targets]  (row-wise gather of the target-class logit)
    N = jnp.take_along_axis(preds, targets[:, None].astype(jnp.int32), axis=1)[:, 0]
    pos = margin > 0
    neg = margin < 0
    # filtered_N1 / filtered_N: N values masked by margin sign (zeros elsewhere)
    filtered_N1 = jnp.where(pos, N, jnp.zeros_like(N))
    filtered_N = jnp.where(neg, N, jnp.zeros_like(N))
    # filtered margins (computed under no_grad in the original)
    x_pos = jnp.where(pos, margin, jnp.zeros_like(margin))
    x_neg = jnp.where(neg, margin, jnp.zeros_like(margin))
    # f(x, alpha, beta) = alpha * exp(-beta * x**2); weights are non-differentiable constants
    w1 = jax.lax.stop_gradient(WEIGHT1 * jnp.exp(-SIGMA1 * x_pos ** 2))
    w2 = jax.lax.stop_gradient(WEIGHT2 * jnp.exp(-SIGMA2 * x_neg ** 2))
    loss1 = jnp.sum(w1 * filtered_N1)
    loss2 = jnp.sum(w2 * filtered_N)
    loss = -(loss1 + loss2) / margin.shape[0]
    return loss

if __name__ == "__main__":
    import jax
    _d = setup_inputs()
    print(jax.jit(kernel)(*tuple(_d.values())))

</pallas_src>

<mosaic_0001>
#map = affine_map<(d0, d1) -> (0, 0)>
#map1 = affine_map<(d0, d1) -> (0)>
module attributes {stable_mosaic.version = 14 : i64} {
  func.func @sc_kernel(%arg0: i32, %arg1: i32, %arg2: memref<1000x16384xf32, #tpu.memory_space<hbm>>, %arg3: memref<16384xi32, #tpu.memory_space<hbm>>, %arg4: memref<16384xf32, #tpu.memory_space<hbm>>, %arg5: memref<32x16xf32, #tpu.memory_space<hbm>>, %arg6: memref<512xi32, #tpu.memory_space<vmem>>, %arg7: memref<512xf32, #tpu.memory_space<vmem>>, %arg8: memref<512x128xf32, #tpu.memory_space<vmem>>, %arg9: memref<16xf32, #tpu.memory_space<vmem>>, %arg10: memref<!tpu.dma_semaphore, #tpu.memory_space<semaphore_mem>>, %arg11: memref<!tpu.dma_semaphore, #tpu.memory_space<semaphore_mem>>) attributes {dimension_semantics = [#tpu.dimension_semantics<core_parallel>, #tpu.dimension_semantics<subcore_parallel>], iteration_bounds = array<i64: 2, 16>, scalar_prefetch = 0 : i64, scratch_operands = 6 : i64, tpu.core_type = #tpu.core_type<sc_vector_subcore>, window_params = [{transform_indices = #map}, {transform_indices = #map1}, {transform_indices = #map1}, {transform_indices = #map}]} {
    %mul3A = arith.constant 2 : i32
    %mul3A_0 = arith.muli %arg1, %mul3A : i32
    %add3A = arith.addi %mul3A_0, %arg0 : i32
    %mul3A_1 = arith.constant 512 : i32
    %mul3A_2 = arith.muli %add3A, %mul3A_1 : i32
    %dma_start3A = tpu.memref_slice %arg4[%mul3A_2] : memref<16384xf32, #tpu.memory_space<hbm>> -> memref<512xf32, #tpu.memory_space<hbm>>
    %dma_start3A_3 = tpu.memref_slice %arg4[%mul3A_2] : memref<16384xf32, #tpu.memory_space<hbm>> -> memref<512xf32, #tpu.memory_space<hbm>>
    tpu.enqueue_dma source(%dma_start3A_3 : memref<512xf32, #tpu.memory_space<hbm>>) target(%arg7 : memref<512xf32, #tpu.memory_space<vmem>>) target_semaphore(%arg11 : memref<!tpu.dma_semaphore, #tpu.memory_space<semaphore_mem>>)
    "tpu.region"() ({
      %run_scoped3A = tpu.sem_alloc : memref<!tpu.dma_semaphore, #tpu.memory_space<semaphore_mem>>
      %dma_start3A_94 = tpu.memref_slice %arg3[%mul3A_2] : memref<16384xi32, #tpu.memory_space<hbm>> -> memref<512xi32, #tpu.memory_space<hbm>>
      %dma_start3A_95 = tpu.memref_slice %arg3[%mul3A_2] : memref<16384xi32, #tpu.memory_space<hbm>> -> memref<512xi32, #tpu.memory_space<hbm>>
      tpu.enqueue_dma source(%dma_start3A_95 : memref<512xi32, #tpu.memory_space<hbm>>) target(%arg6 : memref<512xi32, #tpu.memory_space<vmem>>) target_semaphore(%run_scoped3A : memref<!tpu.dma_semaphore, #tpu.memory_space<semaphore_mem>>)
      %dma_wait3A_96 = tpu.memref_slice %arg3[%mul3A_2] : memref<16384xi32, #tpu.memory_space<hbm>> -> memref<512xi32, #tpu.memory_space<hbm>>
      %dma_wait3A_97 = tpu.memref_slice %arg3[%mul3A_2] : memref<16384xi32, #tpu.memory_space<hbm>> -> memref<512xi32, #tpu.memory_space<hbm>>
      tpu.wait_dma2 semaphore(%run_scoped3A : memref<!tpu.dma_semaphore, #tpu.memory_space<semaphore_mem>>) src(%dma_wait3A_97 : memref<512xi32, #tpu.memory_space<hbm>>) dst(%arg6 : memref<512xi32, #tpu.memory_space<vmem>>)
      tpu.yield
    }) : () -> ()
    %add3A_4 = arith.constant 0 : i32
    %add3A_5 = arith.addi %mul3A_2, %add3A_4 : i32
    %dma_start3A_6 = arith.constant 0 : i32
    %dma_start3A_7 = arith.constant 0 : i32
    %dma_start3A_8 = tpu.memref_slice %arg8[%dma_start3A_6, %dma_start3A_7] : memref<512x128xf32, #tpu.memory_space<vmem>> -> memref<128x128xf32, #tpu.memory_space<vmem>>
    %dma_start3A_9 = arith.constant 0 : i32
    %dma_start3A_10 = tpu.memref_slice %arg6[%dma_start3A_9] : memref<512xi32, #tpu.memory_space<vmem>> -> memref<128xi32, #tpu.memory_space<vmem>>
    %dma_start3A_11 = arith.constant 0 : i32
    %dma_start3A_12 = tpu.memref_slice %arg2[%dma_start3A_11, %add3A_5] : memref<1000x16384xf32, #tpu.memory_space<hbm>> -> memref<1000x128xf32, #tpu.memory_space<hbm>>
    tpu.enqueue_indirect_dma source(%dma_start3A_12 : memref<1000x128xf32, #tpu.memory_space<hbm>>) target(%dma_start3A_8 : memref<128x128xf32, #tpu.memory_space<vmem>>) offsets(%dma_start3A_10 : memref<128xi32, #tpu.memory_space<vmem>>) semaphore(%arg10 : memref<!tpu.dma_semaphore, #tpu.memory_space<semaphore_mem>>)
    %add3A_13 = arith.constant 128 : i32
    %add3A_14 = arith.addi %mul3A_2, %add3A_13 : i32
    %dma_start3A_15 = arith.constant 128 : i32
    %dma_start3A_16 = arith.constant 0 : i32
    %dma_start3A_17 = tpu.memref_slice %arg8[%dma_start3A_15, %dma_start3A_16] : memref<512x128xf32, #tpu.memory_space<vmem>> -> memref<128x128xf32, #tpu.memory_space<vmem>>
    %dma_start3A_18 = arith.constant 128 : i32
    %dma_start3A_19 = tpu.memref_slice %arg6[%dma_start3A_18] : memref<512xi32, #tpu.memory_space<vmem>> -> memref<128xi32, #tpu.memory_space<vmem>>
    %dma_start3A_20 = arith.constant 0 : i32
    %dma_start3A_21 = tpu.memref_slice %arg2[%dma_start3A_20, %add3A_14] : memref<1000x16384xf32, #tpu.memory_space<hbm>> -> memref<1000x128xf32, #tpu.memory_space<hbm>>
    tpu.enqueue_indirect_dma source(%dma_start3A_21 : memref<1000x128xf32, #tpu.memory_space<hbm>>) target(%dma_start3A_17 : memref<128x128xf32, #tpu.memory_space<vmem>>) offsets(%dma_start3A_19 : memref<128xi32, #tpu.memory_space<vmem>>) semaphore(%arg10 : memref<!tpu.dma_semaphore, #tpu.memory_space<semaphore_mem>>)
    %add3A_22 = arith.constant 256 : i32
    %add3A_23 = arith.addi %mul3A_2, %add3A_22 : i32
    %dma_start3A_24 = arith.constant 256 : i32
    %dma_start3A_25 = arith.constant 0 : i32
    %dma_start3A_26 = tpu.memref_slice %arg8[%dma_start3A_24, %dma_start3A_25] : memref<512x128xf32, #tpu.memory_space<vmem>> -> memref<128x128xf32, #tpu.memory_space<vmem>>
    %dma_start3A_27 = arith.constant 256 : i32
    %dma_start3A_28 = tpu.memref_slice %arg6[%dma_start3A_27] : memref<512xi32, #tpu.memory_space<vmem>> -> memref<128xi32, #tpu.memory_space<vmem>>
    %dma_start3A_29 = arith.constant 0 : i32
    %dma_start3A_30 = tpu.memref_slice %arg2[%dma_start3A_29, %add3A_23] : memref<1000x16384xf32, #tpu.memory_space<hbm>> -> memref<1000x128xf32, #tpu.memory_space<hbm>>
    tpu.enqueue_indirect_dma source(%dma_start3A_30 : memref<1000x128xf32, #tpu.memory_space<hbm>>) target(%dma_start3A_26 : memref<128x128xf32, #tpu.memory_space<vmem>>) offsets(%dma_start3A_28 : memref<128xi32, #tpu.memory_space<vmem>>) semaphore(%arg10 : memref<!tpu.dma_semaphore, #tpu.memory_space<semaphore_mem>>)
    %add3A_31 = arith.constant 384 : i32
    %add3A_32 = arith.addi %mul3A_2, %add3A_31 : i32
    %dma_start3A_33 = arith.constant 384 : i32
    %dma_start3A_34 = arith.constant 0 : i32
    %dma_start3A_35 = tpu.memref_slice %arg8[%dma_start3A_33, %dma_start3A_34] : memref<512x128xf32, #tpu.memory_space<vmem>> -> memref<128x128xf32, #tpu.memory_space<vmem>>
    %dma_start3A_36 = arith.constant 384 : i32
    %dma_start3A_37 = tpu.memref_slice %arg6[%dma_start3A_36] : memref<512xi32, #tpu.memory_space<vmem>> -> memref<128xi32, #tpu.memory_space<vmem>>
    %dma_start3A_38 = arith.constant 0 : i32
    %dma_start3A_39 = tpu.memref_slice %arg2[%dma_start3A_38, %add3A_32] : memref<1000x16384xf32, #tpu.memory_space<hbm>> -> memref<1000x128xf32, #tpu.memory_space<hbm>>
    tpu.enqueue_indirect_dma source(%dma_start3A_39 : memref<1000x128xf32, #tpu.memory_space<hbm>>) target(%dma_start3A_35 : memref<128x128xf32, #tpu.memory_space<vmem>>) offsets(%dma_start3A_37 : memref<128xi32, #tpu.memory_space<vmem>>) semaphore(%arg10 : memref<!tpu.dma_semaphore, #tpu.memory_space<semaphore_mem>>)
    %dma_wait3A = tpu.memref_slice %arg4[%mul3A_2] : memref<16384xf32, #tpu.memory_space<hbm>> -> memref<512xf32, #tpu.memory_space<hbm>>
    %dma_wait3A_40 = tpu.memref_slice %arg4[%mul3A_2] : memref<16384xf32, #tpu.memory_space<hbm>> -> memref<512xf32, #tpu.memory_space<hbm>>
    tpu.wait_dma2 semaphore(%arg11 : memref<!tpu.dma_semaphore, #tpu.memory_space<semaphore_mem>>) src(%dma_wait3A_40 : memref<512xf32, #tpu.memory_space<hbm>>) dst(%arg7 : memref<512xf32, #tpu.memory_space<vmem>>)
    %iota3A = tpu.iota {dimensions = array<i32: 0>} : vector<16xi32>
    %broadcast_in_dim3A = arith.constant 0.000000e+00 : f32
    %broadcast_in_dim3A_41 = vector.broadcast %broadcast_in_dim3A : f32 to vector<16xf32>
    %dma_wait3A_42 = arith.constant 0 : i32
    %dma_wait3A_43 = arith.constant 0 : i32
    %dma_wait3A_44 = tpu.memref_slice %arg8[%dma_wait3A_42, %dma_wait3A_43] : memref<512x128xf32, #tpu.memory_space<vmem>> -> memref<128x128xf32, #tpu.memory_space<vmem>>
    %dma_wait3A_45 = arith.constant 0 : i32
    %dma_wait3A_46 = tpu.memref_slice %arg6[%dma_wait3A_45] : memref<512xi32, #tpu.memory_space<vmem>> -> memref<128xi32, #tpu.memory_space<vmem>>
    %dma_wait3A_47 = arith.constant 0 : i32
    %dma_wait3A_48 = tpu.memref_slice %arg2[%dma_wait3A_47, %add3A_5] : memref<1000x16384xf32, #tpu.memory_space<hbm>> -> memref<1000x128xf32, #tpu.memory_space<hbm>>
    tpu.wait_indirect_dma semaphore(%arg10 : memref<!tpu.dma_semaphore, #tpu.memory_space<semaphore_mem>>) src(%dma_wait3A_48 : memref<1000x128xf32, #tpu.memory_space<hbm>>) dst(%dma_wait3A_44 : memref<128x128xf32, #tpu.memory_space<vmem>>)
    %scan3A = arith.constant 0 : i32
    %scan3A_49 = arith.constant 8 : i32
    %scan3A_50 = arith.addi %scan3A, %scan3A_49 : i32
    %scan3A_51 = arith.constant 1 : i32
    %scan3A_52 = scf.for %scan3A_94 = %scan3A to %scan3A_50 step %scan3A_51 iter_args(%scan3A_95 = %broadcast_in_dim3A_41) -> (vector<16xf32>)  : i32 {
      %mul3A_96 = arith.constant 16 : i32
      %mul3A_97 = arith.muli %scan3A_94, %mul3A_96 : i32
      %add3A_98 = vector.broadcast %mul3A_97 : i32 to vector<16xi32>
      %add3A_99 = arith.addi %add3A_98, %iota3A : vector<16xi32>
      %and3A = arith.constant 127 : i32
      %and3A_100 = vector.broadcast %and3A : i32 to vector<16xi32>
      %and3A_101 = arith.andi %add3A_99, %and3A_100 : vector<16xi32>
      %gather3A = tpu.vector_load_idx %arg8[%add3A_99, %and3A_101] : memref<512x128xf32, #tpu.memory_space<vmem>>[vector<16xi32>, vector<16xi32>], vector<16xf32>,
      %mul3A_102 = arith.constant 16 : i32
      %mul3A_103 = arith.muli %scan3A_94, %mul3A_102 : i32
      %get3A = arith.index_cast %mul3A_103 : i32 to index
      %get3A_104 = tpu.vector_load %arg7[%get3A] {strides = array<i32>} : memref<512xf32, #tpu.memory_space<vmem>>, vector<16xf32>,
      %mul3A_105 = arith.constant -5.000000e-01 : f32
      %mul3A_106 = vector.broadcast %mul3A_105 : f32 to vector<16xf32>
      %mul3A_107 = arith.mulf %mul3A_106, %get3A_104 : vector<16xf32>
      %mul3A_108 = arith.mulf %mul3A_107, %get3A_104 : vector<16xf32>
      %exp3A = math.exp %mul3A_108 : vector<16xf32>
      %gt3A = arith.constant 0.000000e+00 : f32
      %gt3A_109 = vector.broadcast %gt3A : f32 to vector<16xf32>
      %gt3A_110 = arith.cmpf ogt, %get3A_104, %gt3A_109 : vector<16xf32>
      %lt3A = arith.constant 0.000000e+00 : f32
      %lt3A_111 = vector.broadcast %lt3A : f32 to vector<16xf32>
      %lt3A_112 = arith.cmpf olt, %get3A_104, %lt3A_111 : vector<16xf32>
      %or3A = arith.ori %gt3A_110, %lt3A_112 : vector<16xi1>
      %jit3A = arith.constant 0.000000e+00 : f32
      %broadcast_in_dim3A_113 = vector.broadcast %jit3A : f32 to vector<16xf32>
      %select_n3A = arith.select %or3A, %exp3A, %broadcast_in_dim3A_113 : vector<16xi1>, vector<16xf32>
      %mul3A_114 = arith.mulf %select_n3A, %gather3A : vector<16xf32>
      %add3A_115 = arith.addf %scan3A_95, %mul3A_114 : vector<16xf32>
      scf.yield %add3A_115 : vector<16xf32>
    }
    %scan3A_53 = arith.constant 8 : i32
    %dma_wait3A_54 = arith.constant 128 : i32
    %dma_wait3A_55 = arith.constant 0 : i32
    %dma_wait3A_56 = tpu.memref_slice %arg8[%dma_wait3A_54, %dma_wait3A_55] : memref<512x128xf32, #tpu.memory_space<vmem>> -> memref<128x128xf32, #tpu.memory_space<vmem>>
    %dma_wait3A_57 = arith.constant 128 : i32
    %dma_wait3A_58 = tpu.memref_slice %arg6[%dma_wait3A_57] : memref<512xi32, #tpu.memory_space<vmem>> -> memref<128xi32, #tpu.memory_space<vmem>>
    %dma_wait3A_59 = arith.constant 0 : i32
    %dma_wait3A_60 = tpu.memref_slice %arg2[%dma_wait3A_59, %add3A_14] : memref<1000x16384xf32, #tpu.memory_space<hbm>> -> memref<1000x128xf32, #tpu.memory_space<hbm>>
    tpu.wait_indirect_dma semaphore(%arg10 : memref<!tpu.dma_semaphore, #tpu.memory_space<semaphore_mem>>) src(%dma_wait3A_60 : memref<1000x128xf32, #tpu.memory_space<hbm>>) dst(%dma_wait3A_56 : memref<128x128xf32, #tpu.memory_space<vmem>>)
    %scan3A_61 = arith.constant 8 : i32
    %scan3A_62 = arith.constant 8 : i32
    %scan3A_63 = arith.addi %scan3A_61, %scan3A_62 : i32
    %scan3A_64 = arith.constant 1 : i32
    %scan3A_65 = scf.for %scan3A_94 = %scan3A_61 to %scan3A_63 step %scan3A_64 iter_args(%scan3A_95 = %scan3A_52) -> (vector<16xf32>)  : i32 {
      %mul3A_96 = arith.constant 16 : i32
      %mul3A_97 = arith.muli %scan3A_94, %mul3A_96 : i32
      %add3A_98 = vector.broadcast %mul3A_97 : i32 to vector<16xi32>
      %add3A_99 = arith.addi %add3A_98, %iota3A : vector<16xi32>
      %and3A = arith.constant 127 : i32
      %and3A_100 = vector.broadcast %and3A : i32 to vector<16xi32>
      %and3A_101 = arith.andi %add3A_99, %and3A_100 : vector<16xi32>
      %gather3A = tpu.vector_load_idx %arg8[%add3A_99, %and3A_101] : memref<512x128xf32, #tpu.memory_space<vmem>>[vector<16xi32>, vector<16xi32>], vector<16xf32>,
      %mul3A_102 = arith.constant 16 : i32
      %mul3A_103 = arith.muli %scan3A_94, %mul3A_102 : i32
      %get3A = arith.index_cast %mul3A_103 : i32 to index
      %get3A_104 = tpu.vector_load %arg7[%get3A] {strides = array<i32>} : memref<512xf32, #tpu.memory_space<vmem>>, vector<16xf32>,
      %mul3A_105 = arith.constant -5.000000e-01 : f32
      %mul3A_106 = vector.broadcast %mul3A_105 : f32 to vector<16xf32>
      %mul3A_107 = arith.mulf %mul3A_106, %get3A_104 : vector<16xf32>
      %mul3A_108 = arith.mulf %mul3A_107, %get3A_104 : vector<16xf32>
      %exp3A = math.exp %mul3A_108 : vector<16xf32>
      %gt3A = arith.constant 0.000000e+00 : f32
      %gt3A_109 = vector.broadcast %gt3A : f32 to vector<16xf32>
      %gt3A_110 = arith.cmpf ogt, %get3A_104, %gt3A_109 : vector<16xf32>
      %lt3A = arith.constant 0.000000e+00 : f32
      %lt3A_111 = vector.broadcast %lt3A : f32 to vector<16xf32>
      %lt3A_112 = arith.cmpf olt, %get3A_104, %lt3A_111 : vector<16xf32>
      %or3A = arith.ori %gt3A_110, %lt3A_112 : vector<16xi1>
      %jit3A = arith.constant 0.000000e+00 : f32
      %broadcast_in_dim3A_113 = vector.broadcast %jit3A : f32 to vector<16xf32>
      %select_n3A = arith.select %or3A, %exp3A, %broadcast_in_dim3A_113 : vector<16xi1>, vector<16xf32>
      %mul3A_114 = arith.mulf %select_n3A, %gather3A : vector<16xf32>
      %add3A_115 = arith.addf %scan3A_95, %mul3A_114 : vector<16xf32>
      scf.yield %add3A_115 : vector<16xf32>
    }
    %scan3A_66 = arith.constant 8 : i32
    %dma_wait3A_67 = arith.constant 256 : i32
    %dma_wait3A_68 = arith.constant 0 : i32
    %dma_wait3A_69 = tpu.memref_slice %arg8[%dma_wait3A_67, %dma_wait3A_68] : memref<512x128xf32, #tpu.memory_space<vmem>> -> memref<128x128xf32, #tpu.memory_space<vmem>>
    %dma_wait3A_70 = arith.constant 256 : i32
    %dma_wait3A_71 = tpu.memref_slice %arg6[%dma_wait3A_70] : memref<512xi32, #tpu.memory_space<vmem>> -> memref<128xi32, #tpu.memory_space<vmem>>
    %dma_wait3A_72 = arith.constant 0 : i32
    %dma_wait3A_73 = tpu.memref_slice %arg2[%dma_wait3A_72, %add3A_23] : memref<1000x16384xf32, #tpu.memory_space<hbm>> -> memref<1000x128xf32, #tpu.memory_space<hbm>>
    tpu.wait_indirect_dma semaphore(%arg10 : memref<!tpu.dma_semaphore, #tpu.memory_space<semaphore_mem>>) src(%dma_wait3A_73 : memref<1000x128xf32, #tpu.memory_space<hbm>>) dst(%dma_wait3A_69 : memref<128x128xf32, #tpu.memory_space<vmem>>)
    %scan3A_74 = arith.constant 16 : i32
    %scan3A_75 = arith.constant 8 : i32
    %scan3A_76 = arith.addi %scan3A_74, %scan3A_75 : i32
    %scan3A_77 = arith.constant 1 : i32
    %scan3A_78 = scf.for %scan3A_94 = %scan3A_74 to %scan3A_76 step %scan3A_77 iter_args(%scan3A_95 = %scan3A_65) -> (vector<16xf32>)  : i32 {
      %mul3A_96 = arith.constant 16 : i32
      %mul3A_97 = arith.muli %scan3A_94, %mul3A_96 : i32
      %add3A_98 = vector.broadcast %mul3A_97 : i32 to vector<16xi32>
      %add3A_99 = arith.addi %add3A_98, %iota3A : vector<16xi32>
      %and3A = arith.constant 127 : i32
      %and3A_100 = vector.broadcast %and3A : i32 to vector<16xi32>
      %and3A_101 = arith.andi %add3A_99, %and3A_100 : vector<16xi32>
      %gather3A = tpu.vector_load_idx %arg8[%add3A_99, %and3A_101] : memref<512x128xf32, #tpu.memory_space<vmem>>[vector<16xi32>, vector<16xi32>], vector<16xf32>,
      %mul3A_102 = arith.constant 16 : i32
      %mul3A_103 = arith.muli %scan3A_94, %mul3A_102 : i32
      %get3A = arith.index_cast %mul3A_103 : i32 to index
      %get3A_104 = tpu.vector_load %arg7[%get3A] {strides = array<i32>} : memref<512xf32, #tpu.memory_space<vmem>>, vector<16xf32>,
      %mul3A_105 = arith.constant -5.000000e-01 : f32
      %mul3A_106 = vector.broadcast %mul3A_105 : f32 to vector<16xf32>
      %mul3A_107 = arith.mulf %mul3A_106, %get3A_104 : vector<16xf32>
      %mul3A_108 = arith.mulf %mul3A_107, %get3A_104 : vector<16xf32>
      %exp3A = math.exp %mul3A_108 : vector<16xf32>
      %gt3A = arith.constant 0.000000e+00 : f32
      %gt3A_109 = vector.broadcast %gt3A : f32 to vector<16xf32>
      %gt3A_110 = arith.cmpf ogt, %get3A_104, %gt3A_109 : vector<16xf32>
      %lt3A = arith.constant 0.000000e+00 : f32
      %lt3A_111 = vector.broadcast %lt3A : f32 to vector<16xf32>
      %lt3A_112 = arith.cmpf olt, %get3A_104, %lt3A_111 : vector<16xf32>
      %or3A = arith.ori %gt3A_110, %lt3A_112 : vector<16xi1>
      %jit3A = arith.constant 0.000000e+00 : f32
      %broadcast_in_dim3A_113 = vector.broadcast %jit3A : f32 to vector<16xf32>
      %select_n3A = arith.select %or3A, %exp3A, %broadcast_in_dim3A_113 : vector<16xi1>, vector<16xf32>
      %mul3A_114 = arith.mulf %select_n3A, %gather3A : vector<16xf32>
      %add3A_115 = arith.addf %scan3A_95, %mul3A_114 : vector<16xf32>
      scf.yield %add3A_115 : vector<16xf32>
    }
    %scan3A_79 = arith.constant 8 : i32
    %dma_wait3A_80 = arith.constant 384 : i32
    %dma_wait3A_81 = arith.constant 0 : i32
    %dma_wait3A_82 = tpu.memref_slice %arg8[%dma_wait3A_80, %dma_wait3A_81] : memref<512x128xf32, #tpu.memory_space<vmem>> -> memref<128x128xf32, #tpu.memory_space<vmem>>
    %dma_wait3A_83 = arith.constant 384 : i32
    %dma_wait3A_84 = tpu.memref_slice %arg6[%dma_wait3A_83] : memref<512xi32, #tpu.memory_space<vmem>> -> memref<128xi32, #tpu.memory_space<vmem>>
    %dma_wait3A_85 = arith.constant 0 : i32
    %dma_wait3A_86 = tpu.memref_slice %arg2[%dma_wait3A_85, %add3A_32] : memref<1000x16384xf32, #tpu.memory_space<hbm>> -> memref<1000x128xf32, #tpu.memory_space<hbm>>
    tpu.wait_indirect_dma semaphore(%arg10 : memref<!tpu.dma_semaphore, #tpu.memory_space<semaphore_mem>>) src(%dma_wait3A_86 : memref<1000x128xf32, #tpu.memory_space<hbm>>) dst(%dma_wait3A_82 : memref<128x128xf32, #tpu.memory_space<vmem>>)
    %scan3A_87 = arith.constant 24 : i32
    %scan3A_88 = arith.constant 8 : i32
    %scan3A_89 = arith.addi %scan3A_87, %scan3A_88 : i32
    %scan3A_90 = arith.constant 1 : i32
    %scan3A_91 = scf.for %scan3A_94 = %scan3A_87 to %scan3A_89 step %scan3A_90 iter_args(%scan3A_95 = %scan3A_78) -> (vector<16xf32>)  : i32 {
      %mul3A_96 = arith.constant 16 : i32
      %mul3A_97 = arith.muli %scan3A_94, %mul3A_96 : i32
      %add3A_98 = vector.broadcast %mul3A_97 : i32 to vector<16xi32>
      %add3A_99 = arith.addi %add3A_98, %iota3A : vector<16xi32>
      %and3A = arith.constant 127 : i32
      %and3A_100 = vector.broadcast %and3A : i32 to vector<16xi32>
      %and3A_101 = arith.andi %add3A_99, %and3A_100 : vector<16xi32>
      %gather3A = tpu.vector_load_idx %arg8[%add3A_99, %and3A_101] : memref<512x128xf32, #tpu.memory_space<vmem>>[vector<16xi32>, vector<16xi32>], vector<16xf32>,
      %mul3A_102 = arith.constant 16 : i32
      %mul3A_103 = arith.muli %scan3A_94, %mul3A_102 : i32
      %get3A = arith.index_cast %mul3A_103 : i32 to index
      %get3A_104 = tpu.vector_load %arg7[%get3A] {strides = array<i32>} : memref<512xf32, #tpu.memory_space<vmem>>, vector<16xf32>,
      %mul3A_105 = arith.constant -5.000000e-01 : f32
      %mul3A_106 = vector.broadcast %mul3A_105 : f32 to vector<16xf32>
      %mul3A_107 = arith.mulf %mul3A_106, %get3A_104 : vector<16xf32>
      %mul3A_108 = arith.mulf %mul3A_107, %get3A_104 : vector<16xf32>
      %exp3A = math.exp %mul3A_108 : vector<16xf32>
      %gt3A = arith.constant 0.000000e+00 : f32
      %gt3A_109 = vector.broadcast %gt3A : f32 to vector<16xf32>
      %gt3A_110 = arith.cmpf ogt, %get3A_104, %gt3A_109 : vector<16xf32>
      %lt3A = arith.constant 0.000000e+00 : f32
      %lt3A_111 = vector.broadcast %lt3A : f32 to vector<16xf32>
      %lt3A_112 = arith.cmpf olt, %get3A_104, %lt3A_111 : vector<16xf32>
      %or3A = arith.ori %gt3A_110, %lt3A_112 : vector<16xi1>
      %jit3A = arith.constant 0.000000e+00 : f32
      %broadcast_in_dim3A_113 = vector.broadcast %jit3A : f32 to vector<16xf32>
      %select_n3A = arith.select %or3A, %exp3A, %broadcast_in_dim3A_113 : vector<16xi1>, vector<16xf32>
      %mul3A_114 = arith.mulf %select_n3A, %gather3A : vector<16xf32>
      %add3A_115 = arith.addf %scan3A_95, %mul3A_114 : vector<16xf32>
      scf.yield %add3A_115 : vector<16xf32>
    }
    %scan3A_92 = arith.constant 8 : i32
    %swap3A = arith.constant 0 : index
    %swap3A_93 = tpu.vector_load %arg9[%swap3A] {strides = array<i32>} : memref<16xf32, #tpu.memory_space<vmem>>, vector<16xf32>,
    tpu.vector_store %arg9[%swap3A], %scan3A_91 {strides = array<i32>} : memref<16xf32, #tpu.memory_space<vmem>>, vector<16xf32>,
    "tpu.region"() ({
      %run_scoped3A = tpu.sem_alloc : memref<!tpu.dma_semaphore, #tpu.memory_space<semaphore_mem>>
      %dma_start3A_94 = arith.constant 0 : i32
      %dma_start3A_95 = tpu.memref_slice %arg5[%add3A, %dma_start3A_94] : memref<32x16xf32, #tpu.memory_space<hbm>> -> memref<1x16xf32, #tpu.memory_space<hbm>>
      %dma_start3A_96 = tpu.memref_squeeze %dma_start3A_95 : memref<1x16xf32, #tpu.memory_space<hbm>> -> memref<16xf32, #tpu.memory_space<hbm>>
      %dma_start3A_97 = arith.constant 0 : i32
      %dma_start3A_98 = tpu.memref_slice %arg5[%add3A, %dma_start3A_97] : memref<32x16xf32, #tpu.memory_space<hbm>> -> memref<1x16xf32, #tpu.memory_space<hbm>>
      %dma_start3A_99 = tpu.memref_squeeze %dma_start3A_98 : memref<1x16xf32, #tpu.memory_space<hbm>> -> memref<16xf32, #tpu.memory_space<hbm>>
      tpu.enqueue_dma source(%arg9 : memref<16xf32, #tpu.memory_space<vmem>>) target(%dma_start3A_99 : memref<16xf32, #tpu.memory_space<hbm>>) target_semaphore(%run_scoped3A : memref<!tpu.dma_semaphore, #tpu.memory_space<semaphore_mem>>)
      %dma_wait3A_100 = arith.constant 0 : i32
      %dma_wait3A_101 = tpu.memref_slice %arg5[%add3A, %dma_wait3A_100] : memref<32x16xf32, #tpu.memory_space<hbm>> -> memref<1x16xf32, #tpu.memory_space<hbm>>
      %dma_wait3A_102 = tpu.memref_squeeze %dma_wait3A_101 : memref<1x16xf32, #tpu.memory_space<hbm>> -> memref<16xf32, #tpu.memory_space<hbm>>
      %dma_wait3A_103 = arith.constant 0 : i32
      %dma_wait3A_104 = tpu.memref_slice %arg5[%add3A, %dma_wait3A_103] : memref<32x16xf32, #tpu.memory_space<hbm>> -> memref<1x16xf32, #tpu.memory_space<hbm>>
      %dma_wait3A_105 = tpu.memref_squeeze %dma_wait3A_104 : memref<1x16xf32, #tpu.memory_space<hbm>> -> memref<16xf32, #tpu.memory_space<hbm>>
      tpu.wait_dma2 semaphore(%run_scoped3A : memref<!tpu.dma_semaphore, #tpu.memory_space<semaphore_mem>>) src(%arg9 : memref<16xf32, #tpu.memory_space<vmem>>) dst(%dma_wait3A_105 : memref<16xf32, #tpu.memory_space<hbm>>)
      tpu.yield
    }) : () -> ()
    return
  }
}

</mosaic_0001>

<sc_bundles>
// kernel: kernel.3.cloned.1.call-start
scs
__scs_entry_jumppad:
0x0: {  	(pc) =	sbr.rel $0x88, $3  }
0x1: {  	(tag) =	ssettag $0x0;
	lr =	simm.s32 $0x1  }
0x2: {  	[smem:$0x3F9E] =	sst lr;
	_ =	strace $0xD0000000  }
0x3: {  	_ = 	snop  }
0x4: {  	_ = 	snop  }
0x5: {  	_ = 	snop  }
0x6: {  	_ = 	snop  }
0x7: {  	_ = 	snop  }
__scs_overlays_trampoline_lowered:
0x8: {  	[smem:$0x3FAD] =	sst s0  }
0x9: {  	[smem:$0x3FAE] =	sst s1  }
0xa: {  	[smem:$0x3FAF] =	sst s2  }
0xb: {  	[smem:$0x3FB0] =	sst s3  }
0xc: {  	[smem:$0x3FB1] =	sst s4  }
0xd: {  	[smem:$0x3FB2] =	sst s5  }
0xe: {  	[smem:$0x3FB3] =	sst s6  }
0xf: {  	[smem:$0x3FB4] =	sst s7  }
0x10: {  	[smem:$0x3FB5] =	sst s8  }
0x11: {  	[smem:$0x3FB6] =	sst s9;
	s0 =	simm.s32 @!p0 $0x0  }
0x12: {  	s1 =	sld [smem:$0x3F9C];
	s0 =	simm.s32 @p0 $0x1  }
0x13: {  	[smem:$0x3FB7] =	sst s0;
	s0 =	simm.s32 @!p1 $0x0  }
0x14: {  	s2 =	sld [smem:$0x3F9B];
	s0 =	simm.s32 @p1 $0x1  }
0x15: {  	[smem:$0x3FB8] =	sst s0;
	s0 =	simm.s32 @!p2 $0x0  }
0x16: {  	s3 =	sld [smem:$0x3FDB];
	s0 =	simm.s32 @p2 $0x1  }
0x17: {  	s4 =	simm.s32 $0x1BF5;
	[smem:$0x3FBA] =	sst s0  }
0x18: {  	s0 =	sld [smem:$0x3F9D];
	_ =	swait.ge [sflag:s4], $0x0  }
0x19: {  	s7 =	sld [smem:$0x3F9E]  }
0x1a: {  	s8 =	sadd.s32 $0xFFFFE003, lr  }
0x1b: {  	s9 =	sadd.s32 $0xFFFFFEF7, lr;
	s5 =	simm.s32 $0xFFFFFFFF;
	p2 =	slt.u32 s8, $0xFFFFF086  }
0x1c: {  	p1 =	slt.u32 s9, $0xF7A;
	s5 =	simm.s32 @!p2 $0x0  }
0x1d: {  	s5 =	simm.s32 @p1 $0x1;
	p0 =	seq.s32 s7, s2  }
0x1e: {  	s7 =	smul.u32 @!p0 $0xF7A, s2;
	p2 =	seq.s32 @!p0 s5, $0x0  }
0x1f: {  	s9 =	smul.u32 $0xF7A, s1;
	s8 =	simm.s32 @!p0 $0x1BF5;
	p2 =	por !p2, p0  }
0x20: {  	[sflag:s8] =	ssyncset.s32 @!p0 $0xFFFFF086;
	s6 =	sadd.s32 @!p0 s3, s7;
	s7 =	simm.s32 @!p0 $0x108  }
0x21: {  	s3 =	sadd.s32 s3, s9;
	s6 =	sadd.s32 @!p0 $0x88, s6;
	s7 =	simm.s32 @p2 $0x1082  }
0x22: {  	[simem:s7], [sflag:s8] =	dma.local @!p0 [hbm:s6], $0xF7A  }
0x23: {  	s9 =	sor.u32 $0xD0000000, s2;
	s6 =	simm.s32 $0x108;
	_ =	swait.ge @!p0 [sflag:s8], $0x0  }
0x24: {  	s3 =	sadd.s32 $0x88, s3;
	s6 =	simm.s32 @!p1 $0x1082;
	[sflag:s4] =	ssyncset.s32 $0xFFFFF086  }
0x25: {  	[simem:s6], [sflag:s4] =	dma.local [hbm:s3], $0xF7A  }
0x26: {  	[smem:$0x3F9E] =	sst s1;
	(tag) =	ssettag s2;
	_ =	strace s9  }
0x27: {  	s1 =	sld [smem:$0x3FAE]  }
0x28: {  	s2 =	sld [smem:$0x3FAF]  }
0x29: {  	s4 =	sld [smem:$0x3FB1]  }
0x2a: {  	p0 =	seq.s32 s5, $0x0;
	s5 =	sld [smem:$0x3FB2]  }
0x2b: {  	s6 =	sld [smem:$0x3FB3]  }
0x2c: {  	s7 =	sld [smem:$0x3FB4]  }
0x2d: {  	s3 =	simm.s32 $0x108;
	s8 =	sld [smem:$0x3FB5]  }
0x2e: {  	s3 =	simm.s32 @!p0 $0x1082;
	s9 =	sld [smem:$0x3FB6]  }
0x2f: {  	lr =	sadd.s32 s0, s3;
	s0 =	sld [smem:$0x3FAD]  }
0x30: {  	s3 =	sld [smem:$0x3FB0]  }
0x31: {  	[smem:$0x3FB9] =	sst s10  }
0x32: {  	s10 =	sld [smem:$0x3FB7];
	_ =	sdelay $0x3  }
0x33: {  	p0 =	seq.s32 s10, $0x1;
	s10 =	sld [smem:$0x3FB9];
	_ =	sdelay $0x3  }
0x34: {  	[smem:$0x3FB9] =	sst s10  }
0x35: {  	s10 =	sld [smem:$0x3FB8];
	_ =	sdelay $0x3  }
0x36: {  	p1 =	seq.s32 s10, $0x1;
	s10 =	sld [smem:$0x3FB9];
	_ =	sdelay $0x3  }
0x37: {  	[smem:$0x3FB9] =	sst s10  }
0x38: {  	s10 =	sld [smem:$0x3FBA]  }
0x39: {  	_ = 	snop;
	(pc) =	sbr.ind lr, $3  }
0x3a: {  	_ = 	snop  }
0x3b: {  	_ = 	snop  }
0x3c: {  	p2 =	seq.s32 s10, $0x1;
	s10 =	sld [smem:$0x3FB9]  }
0x3d: {  	_ =	shalt  }
0x3e: {  	_ =	shalt  }
0x3f: {  	_ =	shalt  }
0x40: {  	_ =	shalt  }
0x41: {  	_ =	shalt  }
0x42: {  	_ =	shalt  }
0x43: {  	_ =	shalt  }
0x44: {  	_ =	shalt  }
0x45: {  	_ =	shalt  }
0x46: {  	_ =	shalt  }
0x47: {  	_ =	shalt  }
0x48: {  	_ =	shalt  }
0x49: {  	_ =	shalt  }
0x4a: {  	_ =	shalt  }
0x4b: {  	_ =	shalt  }
0x4c: {  	_ =	shalt  }
0x4d: {  	_ =	shalt  }
0x4e: {  	_ =	shalt  }
0x4f: {  	_ =	shalt  }
0x50: {  	_ =	shalt  }
0x51: {  	_ =	shalt  }
0x52: {  	_ =	shalt  }
0x53: {  	_ =	shalt  }
0x54: {  	_ =	shalt  }
0x55: {  	_ =	shalt  }
0x56: {  	_ =	shalt  }
0x57: {  	_ =	shalt  }
0x58: {  	_ =	shalt  }
0x59: {  	_ =	shalt  }
0x5a: {  	_ =	shalt  }
0x5b: {  	_ =	shalt  }
0x5c: {  	_ =	shalt  }
0x5d: {  	_ =	shalt  }
0x5e: {  	_ =	shalt  }
0x5f: {  	_ =	shalt  }
0x60: {  	_ =	shalt  }
0x61: {  	_ =	shalt  }
0x62: {  	_ =	shalt  }
0x63: {  	_ =	shalt  }
0x64: {  	_ =	shalt  }
0x65: {  	_ =	shalt  }
0x66: {  	_ =	shalt  }
0x67: {  	_ =	shalt  }
0x68: {  	_ =	shalt  }
0x69: {  	_ =	shalt  }
0x6a: {  	_ =	shalt  }
0x6b: {  	_ =	shalt  }
0x6c: {  	_ =	shalt  }
0x6d: {  	_ =	shalt  }
0x6e: {  	_ =	shalt  }
0x6f: {  	_ =	shalt  }
0x70: {  	_ =	shalt  }
0x71: {  	_ =	shalt  }
0x72: {  	_ =	shalt  }
0x73: {  	_ =	shalt  }
0x74: {  	_ =	shalt  }
0x75: {  	_ =	shalt  }
0x76: {  	_ =	shalt  }
0x77: {  	_ =	shalt  }
0x78: {  	_ =	shalt  }
0x79: {  	_ =	shalt  }
0x7a: {  	_ =	shalt  }
0x7b: {  	_ =	shalt  }
0x7c: {  	_ =	shalt  }
0x7d: {  	_ =	shalt  }
0x7e: {  	_ =	shalt  }
0x7f: {  	_ =	shalt  }
0x80: {  	_ =	shalt  }
0x81: {  	_ =	shalt  }
0x82: {  	_ =	shalt  }
0x83: {  	_ =	shalt  }
0x84: {  	_ =	shalt  }
0x85: {  	_ =	shalt  }
0x86: {  	_ =	shalt  }
0x87: {  	_ =	shalt  }
.Lfunc_end0:
.L_simem_size_0:
called_computation_lowered:
.L_overlay_start_0:
0x88: {  	s2 =	sld [smem:$0x3FD9]  }
0x89: {  	s3 =	sld [smem:$0x3FFE];
	_ =	sdelay $0x1  }
0x8a: {  	s1 =	srdreg.scid  }
0x8b: {  	s0 =	sand.u32 $0x1, s1  }
0x8c: {  	s17 =	sshll.u32 s0, $0xA;
	s2 =	sadd.s32 s3, s2  }
0x8d: {  	s2 =	sadd.s32 s2, s17  }
0x8e: {  	[smem:$0x3FC5] =	sst s2  }
0x8f: {  	_ = 	snop  }
0x90: {  	s2 =	sld [smem:$0x3FC9]  }
0x91: {  	s18 =	sld [smem:$0x3FC8]  }
0x92: {  	s4 =	sld [smem:$0x3FC7];
	(tm) =	ssettm $0x1  }
0x93: {  	s5 =	sld [smem:$0x3FFB];
	_ =	sdelay $0x3  }
0x94: {  	_ =	strace s5  }
0x95: {  	s5 =	sld [smem:$0x3FFC];
	_ =	sdelay $0x3  }
0x96: {  	_ =	strace s5  }
0x97: {  	s5 =	sld [smem:$0x3FFD];
	_ =	sdelay $0x3  }
0x98: {  	_ =	strace s5  }
0x99: {  	_ =	strace $0x8FFFFFFF  }
0x9a: {  	s19 =	sld [smem:$0x3FDB];
	_ =	sdelay $0x1  }
0x9b: {  	s6 =	simm.s32 $_scs_section_size  }
0x9c: {  	s7 =	simm.s32 $_size__tile_overlayer_lowered;
	s8 =	simm.s32 $_tile_overlayer_lowered  }
0x9d: {  	s22 =	simm.s32 $0x1BFF;
	s21 =	sshll.u32 s8, $0x1;
	s5 =	sadd.s32 s6, s19  }
0x9e: {  	s9 =	simm.s32 $0x0;
	s20 =	sshll.u32 s7, $0x1;
	s7 =	sadd.s32 s21, s5  }
0x9f: {  	[timem:s9], [sflag:s22] =	dma.local [hbm:s7], s20  }
0xa0: {  	_ =	swait.ge [sflag:s22], s20  }
0xa1: {  	s6 =	ssub.s32 $0x0, s20;
	[sflag:s22] =	ssyncset.done $0x0  }
0xa2: {  	[sflag:s22] =	ssyncadd.s32 s6;
	_ =	sdelay $0x1  }
0xa3: {  	s23 =	simm.s32 $0x1B8B  }
0xa4: {  	_ =	swait.ge [sflag:s23], $0x1  }
0xa5: {  	[sflag:s23] =	ssyncset.done $0x0  }
0xa6: {  	s25 =	simm.s32 $0x1B8E;
	s24 =	sld [smem:$0x3FFE];
	[sflag:s23] =	ssyncadd.s32 $0xFFFFFFFF  }
0xa7: {  	s26 =	simm.s32 $execute0_lowered;
	[smem:$0x3FD2] =	sst s25  }
0xa8: {  	s7 =	sshll.u32 s26, $0x1;
	_ =	strace $0x80000046;
	[dreg:$0x1] =	wrdreg $0xFFFFFFFF  }
0xa9: {  	s28 =	simm.s32 $_size_execute0_lowered;
	s5 =	sadd.s32 s5, s7;
	[dreg:$0x0] =	wrdreg $0x0  }
0xaa: {  	s7 =	sshll.u32 s28, $0x1;
	[dreg:$0x2] =	wrdreg s5  }
0xab: {  	[dreg:$0x3] =	wrdreg s7  }
0xac: {  	[dreg:$0x4] =	wrdreg $0xC0  }
0xad: {  	_ =	task [dreg:s9], $0x5FFFF  }
0xae: {  	[dreg:$0x1] =	wrdreg $0xFFFFFFFF  }
0xaf: {  	[dreg:$0x0] =	wrdreg $0x60  }
0xb0: {  	[dreg:$0x2] =	wrdreg s2  }
0xb1: {  	[dreg:$0x3] =	wrdreg s18  }
0xb2: {  	[dreg:$0x4] =	wrdreg s4  }
0xb3: {  	[dreg:$0x5] =	wrdreg s24  }
0xb4: {  	[dreg:$0x6] =	wrdreg $0x9  }
0xb5: {  	_ =	task.clear_ibuf [dreg:s9], $0x7FFFF;
	_ =	strace $0x90000046  }
0xb6: {  	s29 =	simm.s32 $0x9;
	_ =	strace $0x80000048  }
0xb7: {  	_ =	swait.ge [sflag:s29], $0x1  }
0xb8: {  	[sflag:s29] =	ssyncadd.s32 $0xFFFFFFFF  }
0xb9: {  	_ =	strace $0x90000048  }
0xba: {  	_ =	sfence  }
0xbb: {  	s30 =	sld [smem:$0x0];
	_ =	sdelay $0x2  }
0xbc: {  	s31 =	sshll.u32 s1, $0xD;
	s1 =	sshrl.u32 s1, $0x2  }
0xbd: {  	s3 =	sand.u32 $0x4000, s31;
	s1 =	sadd.s32 s1, s30  }
0xbe: {  	s0 =	sor.u32 s3, s0;
	s1 =	sshll.u32 s1, $0x11  }
0xbf: {  	s0 =	sor.u32 s1, s0  }
0xc0: {  	s0 =	sadd.s32 $0x8F2B, s0  }
0xc1: {  	[sflag:s0] =	ssyncadd.remote.s32 $0x1  }
0xc2: {  	_ =	sfence.sel $0xFFFF  }
0xc3: {  	[dreg:$0x0] =	wrdreg $0xFFFFFFFF;
	(pc) =	sbr.abs _section_cstart, $3  }
0xc4: {  	[dreg:$0x1] =	wrdreg $0xFFFFFFFF  }
0xc5: {  	_ =	task.clear_ibuf [dreg:s9], $0x2FFFF;
	_ =	strace $0x9FFFFFFF  }
0xc6: {  	(tm) =	ssettm $0x7FFFFFFF  }
0xc7: {  	_ =	shalt  }
tec
execute0_lowered:
.L_overlay_start_1:
0x0: {  	(tag) =	ssettag $0x1  }
0x1: {  	s0 =	rddreg [dreg:$0x0]  }
0x2: {  	s1 =	rddreg [dreg:$0x1]  }
0x3: {  	s4 =	rddreg [dreg:$0x2]  }
0x4: {  	s9 =	rddreg [dreg:$0x3];
	s3 =	srdreg.scid  }
0x5: {  	s5 =	stileid.u32;
	s2 =	simm.s32 $0x0;
	s12 =	simm.s32 $0x400  }
0x6: {  	s13 =	simm.s32 $0x10100;
	s14 =	simm.s32 $0x10000;
	s15 =	simm.s32 $0x10080  }
0x7: {  	s16 =	simm.s32 $0xFF80;
	s17 =	simm.s32 $0xFE80;
	s18 =	simm.s32 $0xFF00  }
0x8: {  	s19 =	simm.s32 $0xFE00;
	s20 =	simm.s32 $0xFD80;
	s21 =	simm.s32 $0xFD00  }
0x9: {  	s22 =	simm.s32 $0xFB00;
	s23 =	simm.s32 $0xFB80;
	s24 =	simm.s32 $0xFC00  }
0xa: {  	s25 =	simm.s32 $0x1;
	s28 =	simm.s32 $0x10400;
	s29 =	simm.s32 $0x0  }
0xb: {  	v0 =	vlaneseq.u32;
	s3 =	sand.u32 $0x1, s3;
	s5 =	sshll.u32 s5, $0x1;
	[smem:$0x7FF] =	sst s2  }
0xc: {  	v1 =	vimm.s32 $0x7;
	v2 =	vimm.s32 $0x0;
	vm0 =	vmmov $0x1;
	s6 =	ssub.s32 $0x2, s3;
	s10 =	sor.u32 s3, s5;
	_ =	strace $0x80000047  }
0xd: {  	v4 =	vimm.s32 $0x1;
	v5 =	vimm.s32 $0x2;
	v6 =	vimm.s32 $0x3;
	s26 =	sshrl.u32 s6, $0x1;
	s5 =	sshll.u32 s10, $0x9;
	s30 =	sshll.u32 s10, $0x6  }
0xe: {  	v7 =	vimm.s32 $0x4;
	v8 =	vimm.s32 $0x5;
	v9 =	vimm.s32 $0x6;
	s31 =	sshll.u32 s10, $0x4;
	s11 =	ssub.s32 s6, s26;
	s3 =	sadd.s32 s0, s5  }
0xf: {  	v10 =	vimm.s32 $0x8;
	v11 =	vimm.s32 $0x9;
	v12 =	vimm.s32 $0xA;
	s4 =	sadd.s32 s4, s30;
	s5 =	sadd.s32 s1, s30;
	s9 =	sadd.s32 s9, s31  }
0x10: {  	v13 =	vimm.s32 $0xB;
	v14 =	vimm.s32 $0xC;
	v15 =	vimm.s32 $0xD;
	s26 =	simm.s32 $0x2;
	s6 =	sadd.s32 $0x80, s3;
	s7 =	sadd.s32 $0x100, s3  }
0x11: {  	v16 =	vimm.s32 $0xE;
	v17 =	vimm.s32 $0xF;
	v3 =	vmul.u32 $0x8, v0;
	s8 =	sadd.s32 $0x180, s3;
	s10 =	smax.u32 s11, $0x1;
	s11 =	simm.s32 $0x3  }
.LBB2_1:
0x12: {  	s30 =	simm.s32 $0x200  }
0x13: {  	[tilespmem:s30], [sflag:$0x2] =	stream.linear.gather [hbm4b:s4+s2], $0x200, $0x38;
	[tilespmem:$0x10480] =	vst v63  }
0x14: {  	_ = 	snop  }
0x15: {  	[tilespmem:s2], [sflag:$0x3] =	stream.linear.gather [hbm4b:s5+s2], $0x200, $0x38;
	[tilespmem:$0x10480] =	vst v63  }
0x16: {  	_ =	swait.ge [sflag:s11], $0x200  }
0x17: {  	[sflag:s11] =	ssyncset.done $0x0  }
0x18: {  	[sflag:s11] =	ssyncadd.s32 $0xFFFFFE00  }
0x19: {  	v18 =	vld [tilespmem:$0x0];
	_ =	sdelay $0x4  }
0x1a: {  	v19 =	vshll.u32 v18, $0x7  }
0x1b: {  	v18 =	vand.u32 $0x7, v18;
	v19 =	vand.u32 $0xFFFFFC00, v19  }
0x1c: {  	v18 =	vor.u32 v18, v19  }
0x1d: {  	v19 =	vperm.xlane v18, v2;
	_ =	sdelay $0x1  }
0x1e: {  	v20 =	vperm.xlane v18, v4;
	v19 =	vadd.s32 v3, v19;
	_ =	sdelay $0x1  }
0x1f: {  	v21 =	vperm.xlane v18, v5;
	v20 =	vadd.s32 v3, v20;
	_ =	sdelay $0x1  }
0x20: {  	v22 =	vperm.xlane v18, v6;
	v21 =	vadd.s32 v3, v21  }
0x21: {  	[tilespmem:s12], [sflag:$0x1] =	stream.indirect_vreg.gather [hbm4b:s3+s2], $0x80, v19, vm0, $0xb8;
	[tilespmem:$0x10480] =	vst v63  }
0x22: {  	s0 =	simm.s32 $0x480;
	v19 =	vadd.s32 v3, v22;
	v22 =	vperm.xlane v18, v7  }
0x23: {  	[tilespmem:s0], [sflag:$0x1] =	stream.indirect_vreg.gather [hbm4b:s3+s2], $0x80, v20, vm0, $0xb8;
	[tilespmem:$0x10480] =	vst v63  }
0x24: {  	s31 =	simm.s32 $0x500;
	v20 =	vadd.s32 v3, v22;
	v22 =	vperm.xlane v18, v8  }
0x25: {  	[tilespmem:s31], [sflag:$0x1] =	stream.indirect_vreg.gather [hbm4b:s3+s2], $0x80, v21, vm0, $0xb8;
	[tilespmem:$0x10480] =	vst v63  }
0x26: {  	s1 =	simm.s32 $0x580;
	v21 =	vadd.s32 v3, v22;
	v22 =	vperm.xlane v18, v9  }
0x27: {  	[tilespmem:s1], [sflag:$0x1] =	stream.indirect_vreg.gather [hbm4b:s3+s2], $0x80, v19, vm0, $0xb8;
	[tilespmem:$0x10480] =	vst v63  }
0x28: {  	s31 =	simm.s32 $0x600;
	v19 =	vadd.s32 v3, v22;
	v22 =	vperm.xlane v18, v1  }
0x29: {  	[tilespmem:s31], [sflag:$0x1] =	stream.indirect_vreg.gather [hbm4b:s3+s2], $0x80, v20, vm0, $0xb8;
	[tilespmem:$0x10480] =	vst v63  }
0x2a: {  	s1 =	simm.s32 $0x680;
	v20 =	vadd.s32 v3, v22;
	v22 =	vperm.xlane v18, v10  }
0x2b: {  	[tilespmem:s1], [sflag:$0x1] =	stream.indirect_vreg.gather [hbm4b:s3+s2], $0x80, v21, vm0, $0xb8;
	[tilespmem:$0x10480] =	vst v63  }
0x2c: {  	s31 =	simm.s32 $0x700;
	v21 =	vadd.s32 v3, v22;
	v22 =	vperm.xlane v18, v11  }
0x2d: {  	[tilespmem:s31], [sflag:$0x1] =	stream.indirect_vreg.gather [hbm4b:s3+s2], $0x80, v19, vm0, $0xb8;
	[tilespmem:$0x10480] =	vst v63  }
0x2e: {  	s1 =	simm.s32 $0x780;
	v19 =	vadd.s32 v3, v22;
	v22 =	vperm.xlane v18, v12  }
0x2f: {  	[tilespmem:s1], [sflag:$0x1] =	stream.indirect_vreg.gather [hbm4b:s3+s2], $0x80, v20, vm0, $0xb8;
	[tilespmem:$0x10480] =	vst v63  }
0x30: {  	s31 =	simm.s32 $0x800;
	v20 =	vadd.s32 v3, v22;
	v22 =	vperm.xlane v18, v13  }
0x31: {  	[tilespmem:s31], [sflag:$0x1] =	stream.indirect_vreg.gather [hbm4b:s3+s2], $0x80, v21, vm0, $0xb8;
	[tilespmem:$0x10480] =	vst v63  }
0x32: {  	s1 =	simm.s32 $0x880;
	v21 =	vadd.s32 v3, v22;
	v22 =	vperm.xlane v18, v14  }
0x33: {  	[tilespmem:s1], [sflag:$0x1] =	stream.indirect_vreg.gather [hbm4b:s3+s2], $0x80, v19, vm0, $0xb8;
	[tilespmem:$0x10480] =	vst v63  }
0x34: {  	s31 =	simm.s32 $0x900;
	v19 =	vadd.s32 v3, v22;
	v22 =	vperm.xlane v18, v15  }
0x35: {  	[tilespmem:s31], [sflag:$0x1] =	stream.indirect_vreg.gather [hbm4b:s3+s2], $0x80, v20, vm0, $0xb8;
	[tilespmem:$0x10480] =	vst v63  }
0x36: {  	s1 =	simm.s32 $0x980;
	v20 =	vadd.s32 v3, v22;
	v22 =	vperm.xlane v18, v16  }
0x37: {  	[tilespmem:s1], [sflag:$0x1] =	stream.indirect_vreg.gather [hbm4b:s3+s2], $0x80, v21, vm0, $0xb8;
	[tilespmem:$0x10480] =	vst v63  }
0x38: {  	v18 =	vperm.xlane v18, v17;
	s31 =	simm.s32 $0xA00;
	v21 =	vadd.s32 v3, v22  }
0x39: {  	[tilespmem:s31], [sflag:$0x1] =	stream.indirect_vreg.gather [hbm4b:s3+s2], $0x80, v19, vm0, $0xb8;
	[tilespmem:$0x10480] =	vst v63  }
0x3a: {  	v18 =	vadd.s32 v3, v18;
	s1 =	simm.s32 $0xA80  }
0x3b: {  	[tilespmem:s1], [sflag:$0x1] =	stream.indirect_vreg.gather [hbm4b:s3+s2], $0x80, v20, vm0, $0xb8;
	[tilespmem:$0x10480] =	vst v63  }
0x3c: {  	s31 =	simm.s32 $0xB00  }
0x3d: {  	[tilespmem:s31], [sflag:$0x1] =	stream.indirect_vreg.gather [hbm4b:s3+s2], $0x80, v21, vm0, $0xb8;
	[tilespmem:$0x10480] =	vst v63  }
0x3e: {  	s1 =	simm.s32 $0xB80  }
0x3f: {  	[tilespmem:s1], [sflag:$0x1] =	stream.indirect_vreg.gather [hbm4b:s3+s2], $0x80, v18, vm0, $0xb8;
	[tilespmem:$0x10480] =	vst v63  }
0x40: {  	v18 =	vld [tilespmem:$0x10];
	_ =	sdelay $0x4  }
0x41: {  	v19 =	vshll.u32 v18, $0x7  }
0x42: {  	v18 =	vand.u32 $0x7, v18;
	v19 =	vand.u32 $0xFFFFFC00, v19  }
0x43: {  	v18 =	vor.u32 v18, v19  }
0x44: {  	v19 =	vperm.xlane v18, v2;
	_ =	sdelay $0x1  }
0x45: {  	v20 =	vperm.xlane v18, v4;
	v19 =	vadd.s32 v3, v19;
	_ =	sdelay $0x1  }
0x46: {  	v21 =	vperm.xlane v18, v5;
	v20 =	vadd.s32 v3, v20;
	_ =	sdelay $0x1  }
0x47: {  	s31 =	simm.s32 $0xC00;
	v22 =	vperm.xlane v18, v6;
	v21 =	vadd.s32 v3, v21  }
0x48: {  	[tilespmem:s31], [sflag:$0x1] =	stream.indirect_vreg.gather [hbm4b:s3+s2], $0x80, v19, vm0, $0xb8;
	[tilespmem:$0x10480] =	vst v63  }
0x49: {  	s1 =	simm.s32 $0xC80;
	v19 =	vadd.s32 v3, v22;
	v22 =	vperm.xlane v18, v7  }
0x4a: {  	[tilespmem:s1], [sflag:$0x1] =	stream.indirect_vreg.gather [hbm4b:s3+s2], $0x80, v20, vm0, $0xb8;
	[tilespmem:$0x10480] =	vst v63  }
0x4b: {  	s31 =	simm.s32 $0xD00;
	v20 =	vadd.s32 v3, v22;
	v22 =	vperm.xlane v18, v8  }
0x4c: {  	[tilespmem:s31], [sflag:$0x1] =	stream.indirect_vreg.gather [hbm4b:s3+s2], $0x80, v21, vm0, $0xb8;
	[tilespmem:$0x10480] =	vst v63  }
0x4d: {  	s1 =	simm.s32 $0xD80;
	v21 =	vadd.s32 v3, v22;
	v22 =	vperm.xlane v18, v9  }
0x4e: {  	[tilespmem:s1], [sflag:$0x1] =	stream.indirect_vreg.gather [hbm4b:s3+s2], $0x80, v19, vm0, $0xb8;
	[tilespmem:$0x10480] =	vst v63  }
0x4f: {  	s31 =	simm.s32 $0xE00;
	v19 =	vadd.s32 v3, v22;
	v22 =	vperm.xlane v18, v1  }
0x50: {  	[tilespmem:s31], [sflag:$0x1] =	stream.indirect_vreg.gather [hbm4b:s3+s2], $0x80, v20, vm0, $0xb8;
	[tilespmem:$0x10480] =	vst v63  }
0x51: {  	s1 =	simm.s32 $0xE80;
	v20 =	vadd.s32 v3, v22;
	v22 =	vperm.xlane v18, v10  }
0x52: {  	[tilespmem:s1], [sflag:$0x1] =	stream.indirect_vreg.gather [hbm4b:s3+s2], $0x80, v21, vm0, $0xb8;
	[tilespmem:$0x10480] =	vst v63  }
0x53: {  	s31 =	simm.s32 $0xF00;
	v21 =	vadd.s32 v3, v22;
	v22 =	vperm.xlane v18, v11  }
0x54: {  	[tilespmem:s31], [sflag:$0x1] =	stream.indirect_vreg.gather [hbm4b:s3+s2], $0x80, v19, vm0, $0xb8;
	[tilespmem:$0x10480] =	vst v63  }
0x55: {  	s1 =	simm.s32 $0xF80;
	v19 =	vadd.s32 v3, v22;
	v22 =	vperm.xlane v18, v12  }
0x56: {  	[tilespmem:s1], [sflag:$0x1] =	stream.indirect_vreg.gather [hbm4b:s3+s2], $0x80, v20, vm0, $0xb8;
	[tilespmem:$0x10480] =	vst v63  }
0x57: {  	s31 =	simm.s32 $0x1000;
	v20 =	vadd.s32 v3, v22;
	v22 =	vperm.xlane v18, v13  }
0x58: {  	[tilespmem:s31], [sflag:$0x1] =	stream.indirect_vreg.gather [hbm4b:s3+s2], $0x80, v21, vm0, $0xb8;
	[tilespmem:$0x10480] =	vst v63  }
0x59: {  	s1 =	simm.s32 $0x1080;
	v21 =	vadd.s32 v3, v22;
	v22 =	vperm.xlane v18, v14  }
0x5a: {  	[tilespmem:s1], [sflag:$0x1] =	stream.indirect_vreg.gather [hbm4b:s3+s2], $0x80, v19, vm0, $0xb8;
	[tilespmem:$0x10480] =	vst v63  }
0x5b: {  	s31 =	simm.s32 $0x1100;
	v19 =	vadd.s32 v3, v22;
	v22 =	vperm.xlane v18, v15  }
0x5c: {  	[tilespmem:s31], [sflag:$0x1] =	stream.indirect_vreg.gather [hbm4b:s3+s2], $0x80, v20, vm0, $0xb8;
	[tilespmem:$0x10480] =	vst v63  }
0x5d: {  	s1 =	simm.s32 $0x1180;
	v20 =	vadd.s32 v3, v22;
	v22 =	vperm.xlane v18, v16  }
0x5e: {  	[tilespmem:s1], [sflag:$0x1] =	stream.indirect_vreg.gather [hbm4b:s3+s2], $0x80, v21, vm0, $0xb8;
	[tilespmem:$0x10480] =	vst v63  }
0x5f: {  	v18 =	vperm.xlane v18, v17;
	s31 =	simm.s32 $0x1200;
	v21 =	vadd.s32 v3, v22  }
0x60: {  	[tilespmem:s31], [sflag:$0x1] =	stream.indirect_vreg.gather [hbm4b:s3+s2], $0x80, v19, vm0, $0xb8;
	[tilespmem:$0x10480] =	vst v63  }
0x61: {  	v18 =	vadd.s32 v3, v18;
	s1 =	simm.s32 $0x1280  }
0x62: {  	[tilespmem:s1], [sflag:$0x1] =	stream.indirect_vreg.gather [hbm4b:s3+s2], $0x80, v20, vm0, $0xb8;
	[tilespmem:$0x10480] =	vst v63  }
0x63: {  	s31 =	simm.s32 $0x1300  }
0x64: {  	[tilespmem:s31], [sflag:$0x1] =	stream.indirect_vreg.gather [hbm4b:s3+s2], $0x80, v21, vm0, $0xb8;
	[tilespmem:$0x10480] =	vst v63  }
0x65: {  	s1 =	simm.s32 $0x1380  }
0x66: {  	[tilespmem:s1], [sflag:$0x1] =	stream.indirect_vreg.gather [hbm4b:s3+s2], $0x80, v18, vm0, $0xb8;
	[tilespmem:$0x10480] =	vst v63  }
0x67: {  	v18 =	vld [tilespmem:$0x20];
	_ =	sdelay $0x4  }
0x68: {  	v19 =	vshll.u32 v18, $0x7  }
0x69: {  	v18 =	vand.u32 $0x7, v18;
	v19 =	vand.u32 $0xFFFFFC00, v19  }
0x6a: {  	v18 =	vor.u32 v18, v19  }
0x6b: {  	v19 =	vperm.xlane v18, v2;
	_ =	sdelay $0x1  }
0x6c: {  	v20 =	vperm.xlane v18, v4;
	v19 =	vadd.s32 v3, v19;
	_ =	sdelay $0x1  }
0x6d: {  	v21 =	vperm.xlane v18, v5;
	v20 =	vadd.s32 v3, v20;
	_ =	sdelay $0x1  }
0x6e: {  	s31 =	simm.s32 $0x1400;
	v22 =	vperm.xlane v18, v6;
	v21 =	vadd.s32 v3, v21  }
0x6f: {  	[tilespmem:s31], [sflag:$0x1] =	stream.indirect_vreg.gather [hbm4b:s3+s2], $0x80, v19, vm0, $0xb8;
	[tilespmem:$0x10480] =	vst v63  }
0x70: {  	s1 =	simm.s32 $0x1480;
	v19 =	vadd.s32 v3, v22;
	v22 =	vperm.xlane v18, v7  }
0x71: {  	[tilespmem:s1], [sflag:$0x1] =	stream.indirect_vreg.gather [hbm4b:s3+s2], $0x80, v20, vm0, $0xb8;
	[tilespmem:$0x10480] =	vst v63  }
0x72: {  	s31 =	simm.s32 $0x1500;
	v20 =	vadd.s32 v3, v22;
	v22 =	vperm.xlane v18, v8  }
0x73: {  	[tilespmem:s31], [sflag:$0x1] =	stream.indirect_vreg.gather [hbm4b:s3+s2], $0x80, v21, vm0, $0xb8;
	[tilespmem:$0x10480] =	vst v63  }
0x74: {  	s1 =	simm.s32 $0x1580;
	v21 =	vadd.s32 v3, v22;
	v22 =	vperm.xlane v18, v9  }
0x75: {  	[tilespmem:s1], [sflag:$0x1] =	stream.indirect_vreg.gather [hbm4b:s3+s2], $0x80, v19, vm0, $0xb8;
	[tilespmem:$0x10480] =	vst v63  }
0x76: {  	s31 =	simm.s32 $0x1600;
	v19 =	vadd.s32 v3, v22;
	v22 =	vperm.xlane v18, v1  }
0x77: {  	[tilespmem:s31], [sflag:$0x1] =	stream.indirect_vreg.gather [hbm4b:s3+s2], $0x80, v20, vm0, $0xb8;
	[tilespmem:$0x10480] =	vst v63  }
0x78: {  	s1 =	simm.s32 $0x1680;
	v20 =	vadd.s32 v3, v22;
	v22 =	vperm.xlane v18, v10  }
0x79: {  	[tilespmem:s1], [sflag:$0x1] =	stream.indirect_vreg.gather [hbm4b:s3+s2], $0x80, v21, vm0, $0xb8;
	[tilespmem:$0x10480] =	vst v63  }
0x7a: {  	s31 =	simm.s32 $0x1700;
	v21 =	vadd.s32 v3, v22;
	v22 =	vperm.xlane v18, v11  }
0x7b: {  	[tilespmem:s31], [sflag:$0x1] =	stream.indirect_vreg.gather [hbm4b:s3+s2], $0x80, v19, vm0, $0xb8;
	[tilespmem:$0x10480] =	vst v63  }
0x7c: {  	s1 =	simm.s32 $0x1780;
	v19 =	vadd.s32 v3, v22;
	v22 =	vperm.xlane v18, v12  }
0x7d: {  	[tilespmem:s1], [sflag:$0x1] =	stream.indirect_vreg.gather [hbm4b:s3+s2], $0x80, v20, vm0, $0xb8;
	[tilespmem:$0x10480] =	vst v63  }
0x7e: {  	s31 =	simm.s32 $0x1800;
	v20 =	vadd.s32 v3, v22;
	v22 =	vperm.xlane v18, v13  }
0x7f: {  	[tilespmem:s31], [sflag:$0x1] =	stream.indirect_vreg.gather [hbm4b:s3+s2], $0x80, v21, vm0, $0xb8;
	[tilespmem:$0x10480] =	vst v63  }
0x80: {  	s1 =	simm.s32 $0x1880;
	v21 =	vadd.s32 v3, v22;
	v22 =	vperm.xlane v18, v14  }
0x81: {  	[tilespmem:s1], [sflag:$0x1] =	stream.indirect_vreg.gather [hbm4b:s3+s2], $0x80, v19, vm0, $0xb8;
	[tilespmem:$0x10480] =	vst v63  }
0x82: {  	s31 =	simm.s32 $0x1900;
	v19 =	vadd.s32 v3, v22;
	v22 =	vperm.xlane v18, v15  }
0x83: {  	[tilespmem:s31], [sflag:$0x1] =	stream.indirect_vreg.gather [hbm4b:s3+s2], $0x80, v20, vm0, $0xb8;
	[tilespmem:$0x10480] =	vst v63  }
0x84: {  	s1 =	simm.s32 $0x1980;
	v20 =	vadd.s32 v3, v22;
	v22 =	vperm.xlane v18, v16  }
0x85: {  	[tilespmem:s1], [sflag:$0x1] =	stream.indirect_vreg.gather [hbm4b:s3+s2], $0x80, v21, vm0, $0xb8;
	[tilespmem:$0x10480] =	vst v63  }
0x86: {  	v18 =	vperm.xlane v18, v17;
	s31 =	simm.s32 $0x1A00;
	v21 =	vadd.s32 v3, v22  }
0x87: {  	[tilespmem:s31], [sflag:$0x1] =	stream.indirect_vreg.gather [hbm4b:s3+s2], $0x80, v19, vm0, $0xb8;
	[tilespmem:$0x10480] =	vst v63  }
0x88: {  	v18 =	vadd.s32 v3, v18;
	s1 =	simm.s32 $0x1A80  }
0x89: {  	[tilespmem:s1], [sflag:$0x1] =	stream.indirect_vreg.gather [hbm4b:s3+s2], $0x80, v20, vm0, $0xb8;
	[tilespmem:$0x10480] =	vst v63  }
0x8a: {  	s31 =	simm.s32 $0x1B00  }
0x8b: {  	[tilespmem:s31], [sflag:$0x1] =	stream.indirect_vreg.gather [hbm4b:s3+s2], $0x80, v21, vm0, $0xb8;
	[tilespmem:$0x10480] =	vst v63  }
0x8c: {  	s1 =	simm.s32 $0x1B80  }
0x8d: {  	[tilespmem:s1], [sflag:$0x1] =	stream.indirect_vreg.gather [hbm4b:s3+s2], $0x80, v18, vm0, $0xb8;
	[tilespmem:$0x10480] =	vst v63  }
0x8e: {  	v18 =	vld [tilespmem:$0x30];
	_ =	sdelay $0x4  }
0x8f: {  	v19 =	vshll.u32 v18, $0x7  }
0x90: {  	v18 =	vand.u32 $0x7, v18;
	v19 =	vand.u32 $0xFFFFFC00, v19  }
0x91: {  	v18 =	vor.u32 v18, v19  }
0x92: {  	v19 =	vperm.xlane v18, v2;
	_ =	sdelay $0x1  }
0x93: {  	v20 =	vperm.xlane v18, v4;
	v19 =	vadd.s32 v3, v19;
	_ =	sdelay $0x1  }
0x94: {  	v21 =	vperm.xlane v18, v5;
	v20 =	vadd.s32 v3, v20;
	_ =	sdelay $0x1  }
0x95: {  	s31 =	simm.s32 $0x1C00;
	v22 =	vperm.xlane v18, v6;
	v21 =	vadd.s32 v3, v21  }
0x96: {  	[tilespmem:s31], [sflag:$0x1] =	stream.indirect_vreg.gather [hbm4b:s3+s2], $0x80, v19, vm0, $0xb8;
	[tilespmem:$0x10480] =	vst v63  }
0x97: {  	s1 =	simm.s32 $0x1C80;
	v19 =	vadd.s32 v3, v22;
	v22 =	vperm.xlane v18, v7  }
0x98: {  	[tilespmem:s1], [sflag:$0x1] =	stream.indirect_vreg.gather [hbm4b:s3+s2], $0x80, v20, vm0, $0xb8;
	[tilespmem:$0x10480] =	vst v63  }
0x99: {  	s31 =	simm.s32 $0x1D00;
	v20 =	vadd.s32 v3, v22;
	v22 =	vperm.xlane v18, v8  }
0x9a: {  	[tilespmem:s31], [sflag:$0x1] =	stream.indirect_vreg.gather [hbm4b:s3+s2], $0x80, v21, vm0, $0xb8;
	[tilespmem:$0x10480] =	vst v63  }
0x9b: {  	s1 =	simm.s32 $0x1D80;
	v21 =	vadd.s32 v3, v22;
	v22 =	vperm.xlane v18, v9  }
0x9c: {  	[tilespmem:s1], [sflag:$0x1] =	stream.indirect_vreg.gather [hbm4b:s3+s2], $0x80, v19, vm0, $0xb8;
	[tilespmem:$0x10480] =	vst v63  }
0x9d: {  	s31 =	simm.s32 $0x1E00;
	v19 =	vadd.s32 v3, v22;
	v22 =	vperm.xlane v18, v1  }
0x9e: {  	[tilespmem:s31], [sflag:$0x1] =	stream.indirect_vreg.gather [hbm4b:s3+s2], $0x80, v20, vm0, $0xb8;
	[tilespmem:$0x10480] =	vst v63  }
0x9f: {  	s1 =	simm.s32 $0x1E80;
	v20 =	vadd.s32 v3, v22;
	v22 =	vperm.xlane v18, v10  }
0xa0: {  	[tilespmem:s1], [sflag:$0x1] =	stream.indirect_vreg.gather [hbm4b:s3+s2], $0x80, v21, vm0, $0xb8;
	[tilespmem:$0x10480] =	vst v63  }
0xa1: {  	s31 =	simm.s32 $0x1F00;
	v21 =	vadd.s32 v3, v22;
	v22 =	vperm.xlane v18, v11  }
0xa2: {  	[tilespmem:s31], [sflag:$0x1] =	stream.indirect_vreg.gather [hbm4b:s3+s2], $0x80, v19, vm0, $0xb8;
	[tilespmem:$0x10480] =	vst v63  }
0xa3: {  	s1 =	simm.s32 $0x1F80;
	v19 =	vadd.s32 v3, v22;
	v22 =	vperm.xlane v18, v12  }
0xa4: {  	[tilespmem:s1], [sflag:$0x1] =	stream.indirect_vreg.gather [hbm4b:s3+s2], $0x80, v20, vm0, $0xb8;
	[tilespmem:$0x10480] =	vst v63  }
0xa5: {  	s31 =	simm.s32 $0x2000;
	v20 =	vadd.s32 v3, v22;
	v22 =	vperm.xlane v18, v13  }
0xa6: {  	[tilespmem:s31], [sflag:$0x1] =	stream.indirect_vreg.gather [hbm4b:s3+s2], $0x80, v21, vm0, $0xb8;
	[tilespmem:$0x10480] =	vst v63  }
0xa7: {  	s1 =	simm.s32 $0x2080;
	v21 =	vadd.s32 v3, v22;
	v22 =	vperm.xlane v18, v14  }
0xa8: {  	[tilespmem:s1], [sflag:$0x1] =	stream.indirect_vreg.gather [hbm4b:s3+s2], $0x80, v19, vm0, $0xb8;
	[tilespmem:$0x10480] =	vst v63  }
0xa9: {  	s31 =	simm.s32 $0x2100;
	v19 =	vadd.s32 v3, v22;
	v22 =	vperm.xlane v18, v15  }
0xaa: {  	[tilespmem:s31], [sflag:$0x1] =	stream.indirect_vreg.gather [hbm4b:s3+s2], $0x80, v20, vm0, $0xb8;
	[tilespmem:$0x10480] =	vst v63  }
0xab: {  	s1 =	simm.s32 $0x2180;
	v20 =	vadd.s32 v3, v22;
	v22 =	vperm.xlane v18, v16  }
0xac: {  	[tilespmem:s1], [sflag:$0x1] =	stream.indirect_vreg.gather [hbm4b:s3+s2], $0x80, v21, vm0, $0xb8;
	[tilespmem:$0x10480] =	vst v63  }
0xad: {  	v18 =	vperm.xlane v18, v17;
	s31 =	simm.s32 $0x2200;
	v21 =	vadd.s32 v3, v22  }
0xae: {  	[tilespmem:s31], [sflag:$0x1] =	stream.indirect_vreg.gather [hbm4b:s3+s2], $0x80, v19, vm0, $0xb8;
	[tilespmem:$0x10480] =	vst v63  }
0xaf: {  	v18 =	vadd.s32 v3, v18;
	s1 =	simm.s32 $0x2280  }
0xb0: {  	[tilespmem:s1], [sflag:$0x1] =	stream.indirect_vreg.gather [hbm4b:s3+s2], $0x80, v20, vm0, $0xb8;
	[tilespmem:$0x10480] =	vst v63  }
0xb1: {  	s31 =	simm.s32 $0x2300  }
0xb2: {  	[tilespmem:s31], [sflag:$0x1] =	stream.indirect_vreg.gather [hbm4b:s3+s2], $0x80, v21, vm0, $0xb8;
	[tilespmem:$0x10480] =	vst v63  }
0xb3: {  	s1 =	simm.s32 $0x2380  }
0xb4: {  	[tilespmem:s1], [sflag:$0x1] =	stream.indirect_vreg.gather [hbm4b:s3+s2], $0x80, v18, vm0, $0xb8;
	[tilespmem:$0x10480] =	vst v63  }
0xb5: {  	v18 =	vld [tilespmem:$0x40];
	_ =	sdelay $0x4  }
0xb6: {  	v19 =	vshll.u32 v18, $0x7  }
0xb7: {  	v18 =	vand.u32 $0x7, v18;
	v19 =	vand.u32 $0xFFFFFC00, v19  }
0xb8: {  	v18 =	vor.u32 v18, v19  }
0xb9: {  	v19 =	vperm.xlane v18, v2;
	_ =	sdelay $0x1  }
0xba: {  	v20 =	vperm.xlane v18, v4;
	v19 =	vadd.s32 v3, v19;
	_ =	sdelay $0x1  }
0xbb: {  	v21 =	vperm.xlane v18, v5;
	v20 =	vadd.s32 v3, v20;
	_ =	sdelay $0x1  }
0xbc: {  	s31 =	simm.s32 $0x2400;
	v22 =	vperm.xlane v18, v6;
	v21 =	vadd.s32 v3, v21  }
0xbd: {  	[tilespmem:s31], [sflag:$0x1] =	stream.indirect_vreg.gather [hbm4b:s3+s2], $0x80, v19, vm0, $0xb8;
	[tilespmem:$0x10480] =	vst v63  }
0xbe: {  	s1 =	simm.s32 $0x2480;
	v19 =	vadd.s32 v3, v22;
	v22 =	vperm.xlane v18, v7  }
0xbf: {  	[tilespmem:s1], [sflag:$0x1] =	stream.indirect_vreg.gather [hbm4b:s3+s2], $0x80, v20, vm0, $0xb8;
	[tilespmem:$0x10480] =	vst v63  }
0xc0: {  	s31 =	simm.s32 $0x2500;
	v20 =	vadd.s32 v3, v22;
	v22 =	vperm.xlane v18, v8  }
0xc1: {  	[tilespmem:s31], [sflag:$0x1] =	stream.indirect_vreg.gather [hbm4b:s3+s2], $0x80, v21, vm0, $0xb8;
	[tilespmem:$0x10480] =	vst v63  }
0xc2: {  	s1 =	simm.s32 $0x2580;
	v21 =	vadd.s32 v3, v22;
	v22 =	vperm.xlane v18, v9  }
0xc3: {  	[tilespmem:s1], [sflag:$0x1] =	stream.indirect_vreg.gather [hbm4b:s3+s2], $0x80, v19, vm0, $0xb8;
	[tilespmem:$0x10480] =	vst v63  }
0xc4: {  	s31 =	simm.s32 $0x2600;
	v19 =	vadd.s32 v3, v22;
	v22 =	vperm.xlane v18, v1  }
0xc5: {  	[tilespmem:s31], [sflag:$0x1] =	stream.indirect_vreg.gather [hbm4b:s3+s2], $0x80, v20, vm0, $0xb8;
	[tilespmem:$0x10480] =	vst v63  }
0xc6: {  	s1 =	simm.s32 $0x2680;
	v20 =	vadd.s32 v3, v22;
	v22 =	vperm.xlane v18, v10  }
0xc7: {  	[tilespmem:s1], [sflag:$0x1] =	stream.indirect_vreg.gather [hbm4b:s3+s2], $0x80, v21, vm0, $0xb8;
	[tilespmem:$0x10480] =	vst v63  }
0xc8: {  	s31 =	simm.s32 $0x2700;
	v21 =	vadd.s32 v3, v22;
	v22 =	vperm.xlane v18, v11  }
0xc9: {  	[tilespmem:s31], [sflag:$0x1] =	stream.indirect_vreg.gather [hbm4b:s3+s2], $0x80, v19, vm0, $0xb8;
	[tilespmem:$0x10480] =	vst v63  }
0xca: {  	s1 =	simm.s32 $0x2780;
	v19 =	vadd.s32 v3, v22;
	v22 =	vperm.xlane v18, v12  }
0xcb: {  	[tilespmem:s1], [sflag:$0x1] =	stream.indirect_vreg.gather [hbm4b:s3+s2], $0x80, v20, vm0, $0xb8;
	[tilespmem:$0x10480] =	vst v63  }
0xcc: {  	s31 =	simm.s32 $0x2800;
	v20 =	vadd.s32 v3, v22;
	v22 =	vperm.xlane v18, v13  }
0xcd: {  	[tilespmem:s31], [sflag:$0x1] =	stream.indirect_vreg.gather [hbm4b:s3+s2], $0x80, v21, vm0, $0xb8;
	[tilespmem:$0x10480] =	vst v63  }
0xce: {  	s1 =	simm.s32 $0x2880;
	v21 =	vadd.s32 v3, v22;
	v22 =	vperm.xlane v18, v14  }
0xcf: {  	[tilespmem:s1], [sflag:$0x1] =	stream.indirect_vreg.gather [hbm4b:s3+s2], $0x80, v19, vm0, $0xb8;
	[tilespmem:$0x10480] =	vst v63  }
0xd0: {  	s31 =	simm.s32 $0x2900;
	v19 =	vadd.s32 v3, v22;
	v22 =	vperm.xlane v18, v15  }
0xd1: {  	[tilespmem:s31], [sflag:$0x1] =	stream.indirect_vreg.gather [hbm4b:s3+s2], $0x80, v20, vm0, $0xb8;
	[tilespmem:$0x10480] =	vst v63  }
0xd2: {  	s1 =	simm.s32 $0x2980;
	v20 =	vadd.s32 v3, v22;
	v22 =	vperm.xlane v18, v16  }
0xd3: {  	[tilespmem:s1], [sflag:$0x1] =	stream.indirect_vreg.gather [hbm4b:s3+s2], $0x80, v21, vm0, $0xb8;
	[tilespmem:$0x10480] =	vst v63  }
0xd4: {  	v18 =	vperm.xlane v18, v17;
	s31 =	simm.s32 $0x2A00;
	v21 =	vadd.s32 v3, v22  }
0xd5: {  	[tilespmem:s31], [sflag:$0x1] =	stream.indirect_vreg.gather [hbm4b:s3+s2], $0x80, v19, vm0, $0xb8;
	[tilespmem:$0x10480] =	vst v63  }
0xd6: {  	v18 =	vadd.s32 v3, v18;
	s1 =	simm.s32 $0x2A80  }
0xd7: {  	[tilespmem:s1], [sflag:$0x1] =	stream.indirect_vreg.gather [hbm4b:s3+s2], $0x80, v20, vm0, $0xb8;
	[tilespmem:$0x10480] =	vst v63  }
0xd8: {  	s31 =	simm.s32 $0x2B00  }
0xd9: {  	[tilespmem:s31], [sflag:$0x1] =	stream.indirect_vreg.gather [hbm4b:s3+s2], $0x80, v21, vm0, $0xb8;
	[tilespmem:$0x10480] =	vst v63  }
0xda: {  	s1 =	simm.s32 $0x2B80  }
0xdb: {  	[tilespmem:s1], [sflag:$0x1] =	stream.indirect_vreg.gather [hbm4b:s3+s2], $0x80, v18, vm0, $0xb8;
	[tilespmem:$0x10480] =	vst v63  }
0xdc: {  	v18 =	vld [tilespmem:$0x50];
	_ =	sdelay $0x4  }
0xdd: {  	v19 =	vshll.u32 v18, $0x7  }
0xde: {  	v18 =	vand.u32 $0x7, v18;
	v19 =	vand.u32 $0xFFFFFC00, v19  }
0xdf: {  	v18 =	vor.u32 v18, v19  }
0xe0: {  	v19 =	vperm.xlane v18, v2;
	_ =	sdelay $0x1  }
0xe1: {  	v20 =	vperm.xlane v18, v4;
	v19 =	vadd.s32 v3, v19;
	_ =	sdelay $0x1  }
0xe2: {  	v21 =	vperm.xlane v18, v5;
	v20 =	vadd.s32 v3, v20;
	_ =	sdelay $0x1  }
0xe3: {  	s31 =	simm.s32 $0x2C00;
	v22 =	vperm.xlane v18, v6;
	v21 =	vadd.s32 v3, v21  }
0xe4: {  	[tilespmem:s31], [sflag:$0x1] =	stream.indirect_vreg.gather [hbm4b:s3+s2], $0x80, v19, vm0, $0xb8;
	[tilespmem:$0x10480] =	vst v63  }
0xe5: {  	s1 =	simm.s32 $0x2C80;
	v19 =	vadd.s32 v3, v22;
	v22 =	vperm.xlane v18, v7  }
0xe6: {  	[tilespmem:s1], [sflag:$0x1] =	stream.indirect_vreg.gather [hbm4b:s3+s2], $0x80, v20, vm0, $0xb8;
	[tilespmem:$0x10480] =	vst v63  }
0xe7: {  	s31 =	simm.s32 $0x2D00;
	v20 =	vadd.s32 v3, v22;
	v22 =	vperm.xlane v18, v8  }
0xe8: {  	[tilespmem:s31], [sflag:$0x1] =	stream.indirect_vreg.gather [hbm4b:s3+s2], $0x80, v21, vm0, $0xb8;
	[tilespmem:$0x10480] =	vst v63  }
0xe9: {  	s1 =	simm.s32 $0x2D80;
	v21 =	vadd.s32 v3, v22;
	v22 =	vperm.xlane v18, v9  }
0xea: {  	[tilespmem:s1], [sflag:$0x1] =	stream.indirect_vreg.gather [hbm4b:s3+s2], $0x80, v19, vm0, $0xb8;
	[tilespmem:$0x10480] =	vst v63  }
0xeb: {  	s31 =	simm.s32 $0x2E00;
	v19 =	vadd.s32 v3, v22;
	v22 =	vperm.xlane v18, v1  }
0xec: {  	[tilespmem:s31], [sflag:$0x1] =	stream.indirect_vreg.gather [hbm4b:s3+s2], $0x80, v20, vm0, $0xb8;
	[tilespmem:$0x10480] =	vst v63  }
0xed: {  	s1 =	simm.s32 $0x2E80;
	v20 =	vadd.s32 v3, v22;
	v22 =	vperm.xlane v18, v10  }
0xee: {  	[tilespmem:s1], [sflag:$0x1] =	stream.indirect_vreg.gather [hbm4b:s3+s2], $0x80, v21, vm0, $0xb8;
	[tilespmem:$0x10480] =	vst v63  }
0xef: {  	s31 =	simm.s32 $0x2F00;
	v21 =	vadd.s32 v3, v22;
	v22 =	vperm.xlane v18, v11  }
0xf0: {  	[tilespmem:s31], [sflag:$0x1] =	stream.indirect_vreg.gather [hbm4b:s3+s2], $0x80, v19, vm0, $0xb8;
	[tilespmem:$0x10480] =	vst v63  }
0xf1: {  	s1 =	simm.s32 $0x2F80;
	v19 =	vadd.s32 v3, v22;
	v22 =	vperm.xlane v18, v12  }
0xf2: {  	[tilespmem:s1], [sflag:$0x1] =	stream.indirect_vreg.gather [hbm4b:s3+s2], $0x80, v20, vm0, $0xb8;
	[tilespmem:$0x10480] =	vst v63  }
0xf3: {  	s31 =	simm.s32 $0x3000;
	v20 =	vadd.s32 v3, v22;
	v22 =	vperm.xlane v18, v13  }
0xf4: {  	[tilespmem:s31], [sflag:$0x1] =	stream.indirect_vreg.gather [hbm4b:s3+s2], $0x80, v21, vm0, $0xb8;
	[tilespmem:$0x10480] =	vst v63  }
0xf5: {  	s1 =	simm.s32 $0x3080;
	v21 =	vadd.s32 v3, v22;
	v22 =	vperm.xlane v18, v14  }
0xf6: {  	[tilespmem:s1], [sflag:$0x1] =	stream.indirect_vreg.gather [hbm4b:s3+s2], $0x80, v19, vm0, $0xb8;
	[tilespmem:$0x10480] =	vst v63  }
0xf7: {  	s31 =	simm.s32 $0x3100;
	v19 =	vadd.s32 v3, v22;
	v22 =	vperm.xlane v18, v15  }
0xf8: {  	[tilespmem:s31], [sflag:$0x1] =	stream.indirect_vreg.gather [hbm4b:s3+s2], $0x80, v20, vm0, $0xb8;
	[tilespmem:$0x10480] =	vst v63  }
0xf9: {  	s1 =	simm.s32 $0x3180;
	v20 =	vadd.s32 v3, v22;
	v22 =	vperm.xlane v18, v16  }
0xfa: {  	[tilespmem:s1], [sflag:$0x1] =	stream.indirect_vreg.gather [hbm4b:s3+s2], $0x80, v21, vm0, $0xb8;
	[tilespmem:$0x10480] =	vst v63  }
0xfb: {  	v18 =	vperm.xlane v18, v17;
	s31 =	simm.s32 $0x3200;
	v21 =	vadd.s32 v3, v22  }
0xfc: {  	[tilespmem:s31], [sflag:$0x1] =	stream.indirect_vreg.gather [hbm4b:s3+s2], $0x80, v19, vm0, $0xb8;
	[tilespmem:$0x10480] =	vst v63  }
0xfd: {  	v18 =	vadd.s32 v3, v18;
	s1 =	simm.s32 $0x3280  }
0xfe: {  	[tilespmem:s1], [sflag:$0x1] =	stream.indirect_vreg.gather [hbm4b:s3+s2], $0x80, v20, vm0, $0xb8;
	[tilespmem:$0x10480] =	vst v63  }
0xff: {  	s31 =	simm.s32 $0x3300  }
0x100: {  	[tilespmem:s31], [sflag:$0x1] =	stream.indirect_vreg.gather [hbm4b:s3+s2], $0x80, v21, vm0, $0xb8;
	[tilespmem:$0x10480] =	vst v63  }
0x101: {  	s1 =	simm.s32 $0x3380  }
0x102: {  	[tilespmem:s1], [sflag:$0x1] =	stream.indirect_vreg.gather [hbm4b:s3+s2], $0x80, v18, vm0, $0xb8;
	[tilespmem:$0x10480] =	vst v63  }
0x103: {  	v18 =	vld [tilespmem:$0x60];
	_ =	sdelay $0x4  }
0x104: {  	v19 =	vshll.u32 v18, $0x7  }
0x105: {  	v18 =	vand.u32 $0x7, v18;
	v19 =	vand.u32 $0xFFFFFC00, v19  }
0x106: {  	v18 =	vor.u32 v18, v19  }
0x107: {  	v19 =	vperm.xlane v18, v2;
	_ =	sdelay $0x1  }
0x108: {  	v20 =	vperm.xlane v18, v4;
	v19 =	vadd.s32 v3, v19;
	_ =	sdelay $0x1  }
0x109: {  	v21 =	vperm.xlane v18, v5;
	v20 =	vadd.s32 v3, v20;
	_ =	sdelay $0x1  }
0x10a: {  	s31 =	simm.s32 $0x3400;
	v22 =	vperm.xlane v18, v6;
	v21 =	vadd.s32 v3, v21  }
0x10b: {  	[tilespmem:s31], [sflag:$0x1] =	stream.indirect_vreg.gather [hbm4b:s3+s2], $0x80, v19, vm0, $0xb8;
	[tilespmem:$0x10480] =	vst v63  }
0x10c: {  	s1 =	simm.s32 $0x3480;
	v19 =	vadd.s32 v3, v22;
	v22 =	vperm.xlane v18, v7  }
0x10d: {  	[tilespmem:s1], [sflag:$0x1] =	stream.indirect_vreg.gather [hbm4b:s3+s2], $0x80, v20, vm0, $0xb8;
	[tilespmem:$0x10480] =	vst v63  }
0x10e: {  	s31 =	simm.s32 $0x3500;
	v20 =	vadd.s32 v3, v22;
	v22 =	vperm.xlane v18, v8  }
0x10f: {  	[tilespmem:s31], [sflag:$0x1] =	stream.indirect_vreg.gather [hbm4b:s3+s2], $0x80, v21, vm0, $0xb8;
	[tilespmem:$0x10480] =	vst v63  }
0x110: {  	s1 =	simm.s32 $0x3580;
	v21 =	vadd.s32 v3, v22;
	v22 =	vperm.xlane v18, v9  }
0x111: {  	[tilespmem:s1], [sflag:$0x1] =	stream.indirect_vreg.gather [hbm4b:s3+s2], $0x80, v19, vm0, $0xb8;
	[tilespmem:$0x10480] =	vst v63  }
0x112: {  	s31 =	simm.s32 $0x3600;
	v19 =	vadd.s32 v3, v22;
	v22 =	vperm.xlane v18, v1  }
0x113: {  	[tilespmem:s31], [sflag:$0x1] =	stream.indirect_vreg.gather [hbm4b:s3+s2], $0x80, v20, vm0, $0xb8;
	[tilespmem:$0x10480] =	vst v63  }
0x114: {  	s1 =	simm.s32 $0x3680;
	v20 =	vadd.s32 v3, v22;
	v22 =	vperm.xlane v18, v10  }
0x115: {  	[tilespmem:s1], [sflag:$0x1] =	stream.indirect_vreg.gather [hbm4b:s3+s2], $0x80, v21, vm0, $0xb8;
	[tilespmem:$0x10480] =	vst v63  }
0x116: {  	s31 =	simm.s32 $0x3700;
	v21 =	vadd.s32 v3, v22;
	v22 =	vperm.xlane v18, v11  }
0x117: {  	[tilespmem:s31], [sflag:$0x1] =	stream.indirect_vreg.gather [hbm4b:s3+s2], $0x80, v19, vm0, $0xb8;
	[tilespmem:$0x10480] =	vst v63  }
0x118: {  	s1 =	simm.s32 $0x3780;
	v19 =	vadd.s32 v3, v22;
	v22 =	vperm.xlane v18, v12  }
0x119: {  	[tilespmem:s1], [sflag:$0x1] =	stream.indirect_vreg.gather [hbm4b:s3+s2], $0x80, v20, vm0, $0xb8;
	[tilespmem:$0x10480] =	vst v63  }
0x11a: {  	s31 =	simm.s32 $0x3800;
	v20 =	vadd.s32 v3, v22;
	v22 =	vperm.xlane v18, v13  }
0x11b: {  	[tilespmem:s31], [sflag:$0x1] =	stream.indirect_vreg.gather [hbm4b:s3+s2], $0x80, v21, vm0, $0xb8;
	[tilespmem:$0x10480] =	vst v63  }
0x11c: {  	s1 =	simm.s32 $0x3880;
	v21 =	vadd.s32 v3, v22;
	v22 =	vperm.xlane v18, v14  }
0x11d: {  	[tilespmem:s1], [sflag:$0x1] =	stream.indirect_vreg.gather [hbm4b:s3+s2], $0x80, v19, vm0, $0xb8;
	[tilespmem:$0x10480] =	vst v63  }
0x11e: {  	s31 =	simm.s32 $0x3900;
	v19 =	vadd.s32 v3, v22;
	v22 =	vperm.xlane v18, v15  }
0x11f: {  	[tilespmem:s31], [sflag:$0x1] =	stream.indirect_vreg.gather [hbm4b:s3+s2], $0x80, v20, vm0, $0xb8;
	[tilespmem:$0x10480] =	vst v63  }
0x120: {  	s1 =	simm.s32 $0x3980;
	v20 =	vadd.s32 v3, v22;
	v22 =	vperm.xlane v18, v16  }
0x121: {  	[tilespmem:s1], [sflag:$0x1] =	stream.indirect_vreg.gather [hbm4b:s3+s2], $0x80, v21, vm0, $0xb8;
	[tilespmem:$0x10480] =	vst v63  }
0x122: {  	v18 =	vperm.xlane v18, v17;
	s31 =	simm.s32 $0x3A00;
	v21 =	vadd.s32 v3, v22  }
0x123: {  	[tilespmem:s31], [sflag:$0x1] =	stream.indirect_vreg.gather [hbm4b:s3+s2], $0x80, v19, vm0, $0xb8;
	[tilespmem:$0x10480] =	vst v63  }
0x124: {  	v18 =	vadd.s32 v3, v18;
	s1 =	simm.s32 $0x3A80  }
0x125: {  	[tilespmem:s1], [sflag:$0x1] =	stream.indirect_vreg.gather [hbm4b:s3+s2], $0x80, v20, vm0, $0xb8;
	[tilespmem:$0x10480] =	vst v63  }
0x126: {  	s31 =	simm.s32 $0x3B00  }
0x127: {  	[tilespmem:s31], [sflag:$0x1] =	stream.indirect_vreg.gather [hbm4b:s3+s2], $0x80, v21, vm0, $0xb8;
	[tilespmem:$0x10480] =	vst v63  }
0x128: {  	s1 =	simm.s32 $0x3B80  }
0x129: {  	[tilespmem:s1], [sflag:$0x1] =	stream.indirect_vreg.gather [hbm4b:s3+s2], $0x80, v18, vm0, $0xb8;
	[tilespmem:$0x10480] =	vst v63  }
0x12a: {  	v18 =	vld [tilespmem:$0x70];
	_ =	sdelay $0x4  }
0x12b: {  	v19 =	vshll.u32 v18, $0x7  }
0x12c: {  	v18 =	vand.u32 $0x7, v18;
	v19 =	vand.u32 $0xFFFFFC00, v19  }
0x12d: {  	v18 =	vor.u32 v18, v19  }
0x12e: {  	v19 =	vperm.xlane v18, v2;
	_ =	sdelay $0x1  }
0x12f: {  	v20 =	vperm.xlane v18, v4;
	v19 =	vadd.s32 v3, v19;
	_ =	sdelay $0x1  }
0x130: {  	v21 =	vperm.xlane v18, v5;
	v20 =	vadd.s32 v3, v20;
	_ =	sdelay $0x1  }
0x131: {  	s31 =	simm.s32 $0x3C00;
	v22 =	vperm.xlane v18, v6;
	v21 =	vadd.s32 v3, v21  }
0x132: {  	[tilespmem:s31], [sflag:$0x1] =	stream.indirect_vreg.gather [hbm4b:s3+s2], $0x80, v19, vm0, $0xb8;
	[tilespmem:$0x10480] =	vst v63  }
0x133: {  	s1 =	simm.s32 $0x3C80;
	v19 =	vadd.s32 v3, v22;
	v22 =	vperm.xlane v18, v7  }
0x134: {  	[tilespmem:s1], [sflag:$0x1] =	stream.indirect_vreg.gather [hbm4b:s3+s2], $0x80, v20, vm0, $0xb8;
	[tilespmem:$0x10480] =	vst v63  }
0x135: {  	s31 =	simm.s32 $0x3D00;
	v20 =	vadd.s32 v3, v22;
	v22 =	vperm.xlane v18, v8  }
0x136: {  	[tilespmem:s31], [sflag:$0x1] =	stream.indirect_vreg.gather [hbm4b:s3+s2], $0x80, v21, vm0, $0xb8;
	[tilespmem:$0x10480] =	vst v63  }
0x137: {  	s1 =	simm.s32 $0x3D80;
	v21 =	vadd.s32 v3, v22;
	v22 =	vperm.xlane v18, v9  }
0x138: {  	[tilespmem:s1], [sflag:$0x1] =	stream.indirect_vreg.gather [hbm4b:s3+s2], $0x80, v19, vm0, $0xb8;
	[tilespmem:$0x10480] =	vst v63  }
0x139: {  	s31 =	simm.s32 $0x3E00;
	v19 =	vadd.s32 v3, v22;
	v22 =	vperm.xlane v18, v1  }
0x13a: {  	[tilespmem:s31], [sflag:$0x1] =	stream.indirect_vreg.gather [hbm4b:s3+s2], $0x80, v20, vm0, $0xb8;
	[tilespmem:$0x10480] =	vst v63  }
0x13b: {  	s1 =	simm.s32 $0x3E80;
	v20 =	vadd.s32 v3, v22;
	v22 =	vperm.xlane v18, v10  }
0x13c: {  	[tilespmem:s1], [sflag:$0x1] =	stream.indirect_vreg.gather [hbm4b:s3+s2], $0x80, v21, vm0, $0xb8;
	[tilespmem:$0x10480] =	vst v63  }
0x13d: {  	s31 =	simm.s32 $0x3F00;
	v21 =	vadd.s32 v3, v22;
	v22 =	vperm.xlane v18, v11  }
0x13e: {  	[tilespmem:s31], [sflag:$0x1] =	stream.indirect_vreg.gather [hbm4b:s3+s2], $0x80, v19, vm0, $0xb8;
	[tilespmem:$0x10480] =	vst v63  }
0x13f: {  	s1 =	simm.s32 $0x3F80;
	v19 =	vadd.s32 v3, v22;
	v22 =	vperm.xlane v18, v12  }
0x140: {  	[tilespmem:s1], [sflag:$0x1] =	stream.indirect_vreg.gather [hbm4b:s3+s2], $0x80, v20, vm0, $0xb8;
	[tilespmem:$0x10480] =	vst v63  }
0x141: {  	s31 =	simm.s32 $0x4000;
	v20 =	vadd.s32 v3, v22;
	v22 =	vperm.xlane v18, v13  }
0x142: {  	[tilespmem:s31], [sflag:$0x1] =	stream.indirect_vreg.gather [hbm4b:s3+s2], $0x80, v21, vm0, $0xb8;
	[tilespmem:$0x10480] =	vst v63  }
0x143: {  	s1 =	simm.s32 $0x4080;
	v21 =	vadd.s32 v3, v22;
	v22 =	vperm.xlane v18, v14  }
0x144: {  	[tilespmem:s1], [sflag:$0x1] =	stream.indirect_vreg.gather [hbm4b:s3+s2], $0x80, v19, vm0, $0xb8;
	[tilespmem:$0x10480] =	vst v63  }
0x145: {  	s31 =	simm.s32 $0x4100;
	v19 =	vadd.s32 v3, v22;
	v22 =	vperm.xlane v18, v15  }
0x146: {  	[tilespmem:s31], [sflag:$0x1] =	stream.indirect_vreg.gather [hbm4b:s3+s2], $0x80, v20, vm0, $0xb8;
	[tilespmem:$0x10480] =	vst v63  }
0x147: {  	s1 =	simm.s32 $0x4180;
	v20 =	vadd.s32 v3, v22;
	v22 =	vperm.xlane v18, v16  }
0x148: {  	[tilespmem:s1], [sflag:$0x1] =	stream.indirect_vreg.gather [hbm4b:s3+s2], $0x80, v21, vm0, $0xb8;
	[tilespmem:$0x10480] =	vst v63  }
0x149: {  	v18 =	vperm.xlane v18, v17;
	s31 =	simm.s32 $0x4200;
	v21 =	vadd.s32 v3, v22  }
0x14a: {  	[tilespmem:s31], [sflag:$0x1] =	stream.indirect_vreg.gather [hbm4b:s3+s2], $0x80, v19, vm0, $0xb8;
	[tilespmem:$0x10480] =	vst v63  }
0x14b: {  	v18 =	vadd.s32 v3, v18;
	s1 =	simm.s32 $0x4280  }
0x14c: {  	[tilespmem:s1], [sflag:$0x1] =	stream.indirect_vreg.gather [hbm4b:s3+s2], $0x80, v20, vm0, $0xb8;
	[tilespmem:$0x10480] =	vst v63  }
0x14d: {  	s31 =	simm.s32 $0x4300  }
0x14e: {  	[tilespmem:s31], [sflag:$0x1] =	stream.indirect_vreg.gather [hbm4b:s3+s2], $0x80, v21, vm0, $0xb8;
	[tilespmem:$0x10480] =	vst v63  }
0x14f: {  	s1 =	simm.s32 $0x4380  }
0x150: {  	[tilespmem:s1], [sflag:$0x1] =	stream.indirect_vreg.gather [hbm4b:s3+s2], $0x80, v18, vm0, $0xb8;
	[tilespmem:$0x10480] =	vst v63  }
0x151: {  	v18 =	vld [tilespmem:$0x80];
	_ =	sdelay $0x4  }
0x152: {  	v19 =	vshll.u32 v18, $0x7  }
0x153: {  	v18 =	vand.u32 $0x7, v18;
	v19 =	vand.u32 $0xFFFFFC00, v19  }
0x154: {  	v18 =	vor.u32 v18, v19  }
0x155: {  	v19 =	vperm.xlane v18, v2;
	_ =	sdelay $0x1  }
0x156: {  	v20 =	vperm.xlane v18, v4;
	v19 =	vadd.s32 v3, v19;
	_ =	sdelay $0x1  }
0x157: {  	v21 =	vperm.xlane v18, v5;
	v20 =	vadd.s32 v3, v20;
	_ =	sdelay $0x1  }
0x158: {  	s31 =	simm.s32 $0x4400;
	v22 =	vperm.xlane v18, v6;
	v21 =	vadd.s32 v3, v21  }
0x159: {  	[tilespmem:s31], [sflag:$0x1] =	stream.indirect_vreg.gather [hbm4b:s6+s2], $0x80, v19, vm0, $0xb8;
	[tilespmem:$0x10480] =	vst v63  }
0x15a: {  	s1 =	simm.s32 $0x4480;
	v19 =	vadd.s32 v3, v22;
	v22 =	vperm.xlane v18, v7  }
0x15b: {  	[tilespmem:s1], [sflag:$0x1] =	stream.indirect_vreg.gather [hbm4b:s6+s2], $0x80, v20, vm0, $0xb8;
	[tilespmem:$0x10480] =	vst v63  }
0x15c: {  	s31 =	simm.s32 $0x4500;
	v20 =	vadd.s32 v3, v22;
	v22 =	vperm.xlane v18, v8  }
0x15d: {  	[tilespmem:s31], [sflag:$0x1] =	stream.indirect_vreg.gather [hbm4b:s6+s2], $0x80, v21, vm0, $0xb8;
	[tilespmem:$0x10480] =	vst v63  }
0x15e: {  	s1 =	simm.s32 $0x4580;
	v21 =	vadd.s32 v3, v22;
	v22 =	vperm.xlane v18, v9  }
0x15f: {  	[tilespmem:s1], [sflag:$0x1] =	stream.indirect_vreg.gather [hbm4b:s6+s2], $0x80, v19, vm0, $0xb8;
	[tilespmem:$0x10480] =	vst v63  }
0x160: {  	s31 =	simm.s32 $0x4600;
	v19 =	vadd.s32 v3, v22;
	v22 =	vperm.xlane v18, v1  }
0x161: {  	[tilespmem:s31], [sflag:$0x1] =	stream.indirect_vreg.gather [hbm4b:s6+s2], $0x80, v20, vm0, $0xb8;
	[tilespmem:$0x10480] =	vst v63  }
0x162: {  	s1 =	simm.s32 $0x4680;
	v20 =	vadd.s32 v3, v22;
	v22 =	vperm.xlane v18, v10  }
0x163: {  	[tilespmem:s1], [sflag:$0x1] =	stream.indirect_vreg.gather [hbm4b:s6+s2], $0x80, v21, vm0, $0xb8;
	[tilespmem:$0x10480] =	vst v63  }
0x164: {  	s31 =	simm.s32 $0x4700;
	v21 =	vadd.s32 v3, v22;
	v22 =	vperm.xlane v18, v11  }
0x165: {  	[tilespmem:s31], [sflag:$0x1] =	stream.indirect_vreg.gather [hbm4b:s6+s2], $0x80, v19, vm0, $0xb8;
	[tilespmem:$0x10480] =	vst v63  }
0x166: {  	s1 =	simm.s32 $0x4780;
	v19 =	vadd.s32 v3, v22;
	v22 =	vperm.xlane v18, v12  }
0x167: {  	[tilespmem:s1], [sflag:$0x1] =	stream.indirect_vreg.gather [hbm4b:s6+s2], $0x80, v20, vm0, $0xb8;
	[tilespmem:$0x10480] =	vst v63  }
0x168: {  	s31 =	simm.s32 $0x4800;
	v20 =	vadd.s32 v3, v22;
	v22 =	vperm.xlane v18, v13  }
0x169: {  	[tilespmem:s31], [sflag:$0x1] =	stream.indirect_vreg.gather [hbm4b:s6+s2], $0x80, v21, vm0, $0xb8;
	[tilespmem:$0x10480] =	vst v63  }
0x16a: {  	s1 =	simm.s32 $0x4880;
	v21 =	vadd.s32 v3, v22;
	v22 =	vperm.xlane v18, v14  }
0x16b: {  	[tilespmem:s1], [sflag:$0x1] =	stream.indirect_vreg.gather [hbm4b:s6+s2], $0x80, v19, vm0, $0xb8;
	[tilespmem:$0x10480] =	vst v63  }
0x16c: {  	s31 =	simm.s32 $0x4900;
	v19 =	vadd.s32 v3, v22;
	v22 =	vperm.xlane v18, v15  }
0x16d: {  	[tilespmem:s31], [sflag:$0x1] =	stream.indirect_vreg.gather [hbm4b:s6+s2], $0x80, v20, vm0, $0xb8;
	[tilespmem:$0x10480] =	vst v63  }
0x16e: {  	s1 =	simm.s32 $0x4980;
	v20 =	vadd.s32 v3, v22;
	v22 =	vperm.xlane v18, v16  }
0x16f: {  	[tilespmem:s1], [sflag:$0x1] =	stream.indirect_vreg.gather [hbm4b:s6+s2], $0x80, v21, vm0, $0xb8;
	[tilespmem:$0x10480] =	vst v63  }
0x170: {  	v18 =	vperm.xlane v18, v17;
	s31 =	simm.s32 $0x4A00;
	v21 =	vadd.s32 v3, v22  }
0x171: {  	[tilespmem:s31], [sflag:$0x1] =	stream.indirect_vreg.gather [hbm4b:s6+s2], $0x80, v19, vm0, $0xb8;
	[tilespmem:$0x10480] =	vst v63  }
0x172: {  	v18 =	vadd.s32 v3, v18;
	s1 =	simm.s32 $0x4A80  }
0x173: {  	[tilespmem:s1], [sflag:$0x1] =	stream.indirect_vreg.gather [hbm4b:s6+s2], $0x80, v20, vm0, $0xb8;
	[tilespmem:$0x10480] =	vst v63  }
0x174: {  	s31 =	simm.s32 $0x4B00  }
0x175: {  	[tilespmem:s31], [sflag:$0x1] =	stream.indirect_vreg.gather [hbm4b:s6+s2], $0x80, v21, vm0, $0xb8;
	[tilespmem:$0x10480] =	vst v63  }
0x176: {  	s1 =	simm.s32 $0x4B80  }
0x177: {  	[tilespmem:s1], [sflag:$0x1] =	stream.indirect_vreg.gather [hbm4b:s6+s2], $0x80, v18, vm0, $0xb8;
	[tilespmem:$0x10480] =	vst v63  }
0x178: {  	v18 =	vld [tilespmem:$0x90];
	_ =	sdelay $0x4  }
0x179: {  	v19 =	vshll.u32 v18, $0x7  }
0x17a: {  	v18 =	vand.u32 $0x7, v18;
	v19 =	vand.u32 $0xFFFFFC00, v19  }
0x17b: {  	v18 =	vor.u32 v18, v19  }
0x17c: {  	v19 =	vperm.xlane v18, v2;
	_ =	sdelay $0x1  }
0x17d: {  	v20 =	vperm.xlane v18, v4;
	v19 =	vadd.s32 v3, v19;
	_ =	sdelay $0x1  }
0x17e: {  	v21 =	vperm.xlane v18, v5;
	v20 =	vadd.s32 v3, v20;
	_ =	sdelay $0x1  }
0x17f: {  	s31 =	simm.s32 $0x4C00;
	v22 =	vperm.xlane v18, v6;
	v21 =	vadd.s32 v3, v21  }
0x180: {  	[tilespmem:s31], [sflag:$0x1] =	stream.indirect_vreg.gather [hbm4b:s6+s2], $0x80, v19, vm0, $0xb8;
	[tilespmem:$0x10480] =	vst v63  }
0x181: {  	s1 =	simm.s32 $0x4C80;
	v19 =	vadd.s32 v3, v22;
	v22 =	vperm.xlane v18, v7  }
0x182: {  	[tilespmem:s1], [sflag:$0x1] =	stream.indirect_vreg.gather [hbm4b:s6+s2], $0x80, v20, vm0, $0xb8;
	[tilespmem:$0x10480] =	vst v63  }
0x183: {  	s31 =	simm.s32 $0x4D00;
	v20 =	vadd.s32 v3, v22;
	v22 =	vperm.xlane v18, v8  }
0x184: {  	[tilespmem:s31], [sflag:$0x1] =	stream.indirect_vreg.gather [hbm4b:s6+s2], $0x80, v21, vm0, $0xb8;
	[tilespmem:$0x10480] =	vst v63  }
0x185: {  	s1 =	simm.s32 $0x4D80;
	v21 =	vadd.s32 v3, v22;
	v22 =	vperm.xlane v18, v9  }
0x186: {  	[tilespmem:s1], [sflag:$0x1] =	stream.indirect_vreg.gather [hbm4b:s6+s2], $0x80, v19, vm0, $0xb8;
	[tilespmem:$0x10480] =	vst v63  }
0x187: {  	s31 =	simm.s32 $0x4E00;
	v19 =	vadd.s32 v3, v22;
	v22 =	vperm.xlane v18, v1  }
0x188: {  	[tilespmem:s31], [sflag:$0x1] =	stream.indirect_vreg.gather [hbm4b:s6+s2], $0x80, v20, vm0, $0xb8;
	[tilespmem:$0x10480] =	vst v63  }
0x189: {  	s1 =	simm.s32 $0x4E80;
	v20 =	vadd.s32 v3, v22;
	v22 =	vperm.xlane v18, v10  }
0x18a: {  	[tilespmem:s1], [sflag:$0x1] =	stream.indirect_vreg.gather [hbm4b:s6+s2], $0x80, v21, vm0, $0xb8;
	[tilespmem:$0x10480] =	vst v63  }
0x18b: {  	s31 =	simm.s32 $0x4F00;
	v21 =	vadd.s32 v3, v22;
	v22 =	vperm.xlane v18, v11  }
0x18c: {  	[tilespmem:s31], [sflag:$0x1] =	stream.indirect_vreg.gather [hbm4b:s6+s2], $0x80, v19, vm0, $0xb8;
	[tilespmem:$0x10480] =	vst v63  }
0x18d: {  	s1 =	simm.s32 $0x4F80;
	v19 =	vadd.s32 v3, v22;
	v22 =	vperm.xlane v18, v12  }
0x18e: {  	[tilespmem:s1], [sflag:$0x1] =	stream.indirect_vreg.gather [hbm4b:s6+s2], $0x80, v20, vm0, $0xb8;
	[tilespmem:$0x10480] =	vst v63  }
0x18f: {  	s31 =	simm.s32 $0x5000;
	v20 =	vadd.s32 v3, v22;
	v22 =	vperm.xlane v18, v13  }
0x190: {  	[tilespmem:s31], [sflag:$0x1] =	stream.indirect_vreg.gather [hbm4b:s6+s2], $0x80, v21, vm0, $0xb8;
	[tilespmem:$0x10480] =	vst v63  }
0x191: {  	s1 =	simm.s32 $0x5080;
	v21 =	vadd.s32 v3, v22;
	v22 =	vperm.xlane v18, v14  }
0x192: {  	[tilespmem:s1], [sflag:$0x1] =	stream.indirect_vreg.gather [hbm4b:s6+s2], $0x80, v19, vm0, $0xb8;
	[tilespmem:$0x10480] =	vst v63  }
0x193: {  	s31 =	simm.s32 $0x5100;
	v19 =	vadd.s32 v3, v22;
	v22 =	vperm.xlane v18, v15  }
0x194: {  	[tilespmem:s31], [sflag:$0x1] =	stream.indirect_vreg.gather [hbm4b:s6+s2], $0x80, v20, vm0, $0xb8;
	[tilespmem:$0x10480] =	vst v63  }
0x195: {  	s1 =	simm.s32 $0x5180;
	v20 =	vadd.s32 v3, v22;
	v22 =	vperm.xlane v18, v16  }
0x196: {  	[tilespmem:s1], [sflag:$0x1] =	stream.indirect_vreg.gather [hbm4b:s6+s2], $0x80, v21, vm0, $0xb8;
	[tilespmem:$0x10480] =	vst v63  }
0x197: {  	v18 =	vperm.xlane v18, v17;
	s31 =	simm.s32 $0x5200;
	v21 =	vadd.s32 v3, v22  }
0x198: {  	[tilespmem:s31], [sflag:$0x1] =	stream.indirect_vreg.gather [hbm4b:s6+s2], $0x80, v19, vm0, $0xb8;
	[tilespmem:$0x10480] =	vst v63  }
0x199: {  	v18 =	vadd.s32 v3, v18;
	s1 =	simm.s32 $0x5280  }
0x19a: {  	[tilespmem:s1], [sflag:$0x1] =	stream.indirect_vreg.gather [hbm4b:s6+s2], $0x80, v20, vm0, $0xb8;
	[tilespmem:$0x10480] =	vst v63  }
0x19b: {  	s31 =	simm.s32 $0x5300  }
0x19c: {  	[tilespmem:s31], [sflag:$0x1] =	stream.indirect_vreg.gather [hbm4b:s6+s2], $0x80, v21, vm0, $0xb8;
	[tilespmem:$0x10480] =	vst v63  }
0x19d: {  	s1 =	simm.s32 $0x5380  }
0x19e: {  	[tilespmem:s1], [sflag:$0x1] =	stream.indirect_vreg.gather [hbm4b:s6+s2], $0x80, v18, vm0, $0xb8;
	[tilespmem:$0x10480] =	vst v63  }
0x19f: {  	v18 =	vld [tilespmem:$0xA0];
	_ =	sdelay $0x4  }
0x1a0: {  	v19 =	vshll.u32 v18, $0x7  }
0x1a1: {  	v18 =	vand.u32 $0x7, v18;
	v19 =	vand.u32 $0xFFFFFC00, v19  }
0x1a2: {  	v18 =	vor.u32 v18, v19  }
0x1a3: {  	v19 =	vperm.xlane v18, v2;
	_ =	sdelay $0x1  }
0x1a4: {  	v20 =	vperm.xlane v18, v4;
	v19 =	vadd.s32 v3, v19;
	_ =	sdelay $0x1  }
0x1a5: {  	v21 =	vperm.xlane v18, v5;
	v20 =	vadd.s32 v3, v20;
	_ =	sdelay $0x1  }
0x1a6: {  	s31 =	simm.s32 $0x5400;
	v22 =	vperm.xlane v18, v6;
	v21 =	vadd.s32 v3, v21  }
0x1a7: {  	[tilespmem:s31], [sflag:$0x1] =	stream.indirect_vreg.gather [hbm4b:s6+s2], $0x80, v19, vm0, $0xb8;
	[tilespmem:$0x10480] =	vst v63  }
0x1a8: {  	s1 =	simm.s32 $0x5480;
	v19 =	vadd.s32 v3, v22;
	v22 =	vperm.xlane v18, v7  }
0x1a9: {  	[tilespmem:s1], [sflag:$0x1] =	stream.indirect_vreg.gather [hbm4b:s6+s2], $0x80, v20, vm0, $0xb8;
	[tilespmem:$0x10480] =	vst v63  }
0x1aa: {  	s31 =	simm.s32 $0x5500;
	v20 =	vadd.s32 v3, v22;
	v22 =	vperm.xlane v18, v8  }
0x1ab: {  	[tilespmem:s31], [sflag:$0x1] =	stream.indirect_vreg.gather [hbm4b:s6+s2], $0x80, v21, vm0, $0xb8;
	[tilespmem:$0x10480] =	vst v63  }
0x1ac: {  	s1 =	simm.s32 $0x5580;
	v21 =	vadd.s32 v3, v22;
	v22 =	vperm.xlane v18, v9  }
0x1ad: {  	[tilespmem:s1], [sflag:$0x1] =	stream.indirect_vreg.gather [hbm4b:s6+s2], $0x80, v19, vm0, $0xb8;
	[tilespmem:$0x10480] =	vst v63  }
0x1ae: {  	s31 =	simm.s32 $0x5600;
	v19 =	vadd.s32 v3, v22;
	v22 =	vperm.xlane v18, v1  }
0x1af: {  	[tilespmem:s31], [sflag:$0x1] =	stream.indirect_vreg.gather [hbm4b:s6+s2], $0x80, v20, vm0, $0xb8;
	[tilespmem:$0x10480] =	vst v63  }
0x1b0: {  	s1 =	simm.s32 $0x5680;
	v20 =	vadd.s32 v3, v22;
	v22 =	vperm.xlane v18, v10  }
0x1b1: {  	[tilespmem:s1], [sflag:$0x1] =	stream.indirect_vreg.gather [hbm4b:s6+s2], $0x80, v21, vm0, $0xb8;
	[tilespmem:$0x10480] =	vst v63  }
0x1b2: {  	s31 =	simm.s32 $0x5700;
	v21 =	vadd.s32 v3, v22;
	v22 =	vperm.xlane v18, v11  }
0x1b3: {  	[tilespmem:s31], [sflag:$0x1] =	stream.indirect_vreg.gather [hbm4b:s6+s2], $0x80, v19, vm0, $0xb8;
	[tilespmem:$0x10480] =	vst v63  }
0x1b4: {  	s1 =	simm.s32 $0x5780;
	v19 =	vadd.s32 v3, v22;
	v22 =	vperm.xlane v18, v12  }
0x1b5: {  	[tilespmem:s1], [sflag:$0x1] =	stream.indirect_vreg.gather [hbm4b:s6+s2], $0x80, v20, vm0, $0xb8;
	[tilespmem:$0x10480] =	vst v63  }
0x1b6: {  	s31 =	simm.s32 $0x5800;
	v20 =	vadd.s32 v3, v22;
	v22 =	vperm.xlane v18, v13  }
0x1b7: {  	[tilespmem:s31], [sflag:$0x1] =	stream.indirect_vreg.gather [hbm4b:s6+s2], $0x80, v21, vm0, $0xb8;
	[tilespmem:$0x10480] =	vst v63  }
0x1b8: {  	s1 =	simm.s32 $0x5880;
	v21 =	vadd.s32 v3, v22;
	v22 =	vperm.xlane v18, v14  }
0x1b9: {  	[tilespmem:s1], [sflag:$0x1] =	stream.indirect_vreg.gather [hbm4b:s6+s2], $0x80, v19, vm0, $0xb8;
	[tilespmem:$0x10480] =	vst v63  }
0x1ba: {  	s31 =	simm.s32 $0x5900;
	v19 =	vadd.s32 v3, v22;
	v22 =	vperm.xlane v18, v15  }
0x1bb: {  	[tilespmem:s31], [sflag:$0x1] =	stream.indirect_vreg.gather [hbm4b:s6+s2], $0x80, v20, vm0, $0xb8;
	[tilespmem:$0x10480] =	vst v63  }
0x1bc: {  	s1 =	simm.s32 $0x5980;
	v20 =	vadd.s32 v3, v22;
	v22 =	vperm.xlane v18, v16  }
0x1bd: {  	[tilespmem:s1], [sflag:$0x1] =	stream.indirect_vreg.gather [hbm4b:s6+s2], $0x80, v21, vm0, $0xb8;
	[tilespmem:$0x10480] =	vst v63  }
0x1be: {  	v18 =	vperm.xlane v18, v17;
	s31 =	simm.s32 $0x5A00;
	v21 =	vadd.s32 v3, v22  }
0x1bf: {  	[tilespmem:s31], [sflag:$0x1] =	stream.indirect_vreg.gather [hbm4b:s6+s2], $0x80, v19, vm0, $0xb8;
	[tilespmem:$0x10480] =	vst v63  }
0x1c0: {  	v18 =	vadd.s32 v3, v18;
	s1 =	simm.s32 $0x5A80  }
0x1c1: {  	[tilespmem:s1], [sflag:$0x1] =	stream.indirect_vreg.gather [hbm4b:s6+s2], $0x80, v20, vm0, $0xb8;
	[tilespmem:$0x10480] =	vst v63  }
0x1c2: {  	s31 =	simm.s32 $0x5B00  }
0x1c3: {  	[tilespmem:s31], [sflag:$0x1] =	stream.indirect_vreg.gather [hbm4b:s6+s2], $0x80, v21, vm0, $0xb8;
	[tilespmem:$0x10480] =	vst v63  }
0x1c4: {  	s1 =	simm.s32 $0x5B80  }
0x1c5: {  	[tilespmem:s1], [sflag:$0x1] =	stream.indirect_vreg.gather [hbm4b:s6+s2], $0x80, v18, vm0, $0xb8;
	[tilespmem:$0x10480] =	vst v63  }
0x1c6: {  	v18 =	vld [tilespmem:$0xB0];
	_ =	sdelay $0x4  }
0x1c7: {  	v19 =	vshll.u32 v18, $0x7  }
0x1c8: {  	v18 =	vand.u32 $0x7, v18;
	v19 =	vand.u32 $0xFFFFFC00, v19  }
0x1c9: {  	v18 =	vor.u32 v18, v19  }
0x1ca: {  	v19 =	vperm.xlane v18, v2;
	_ =	sdelay $0x1  }
0x1cb: {  	v20 =	vperm.xlane v18, v4;
	v19 =	vadd.s32 v3, v19;
	_ =	sdelay $0x1  }
0x1cc: {  	v21 =	vperm.xlane v18, v5;
	v20 =	vadd.s32 v3, v20;
	_ =	sdelay $0x1  }
0x1cd: {  	s31 =	simm.s32 $0x5C00;
	v22 =	vperm.xlane v18, v6;
	v21 =	vadd.s32 v3, v21  }
0x1ce: {  	[tilespmem:s31], [sflag:$0x1] =	stream.indirect_vreg.gather [hbm4b:s6+s2], $0x80, v19, vm0, $0xb8;
	[tilespmem:$0x10480] =	vst v63  }
0x1cf: {  	s1 =	simm.s32 $0x5C80;
	v19 =	vadd.s32 v3, v22;
	v22 =	vperm.xlane v18, v7  }
0x1d0: {  	[tilespmem:s1], [sflag:$0x1] =	stream.indirect_vreg.gather [hbm4b:s6+s2], $0x80, v20, vm0, $0xb8;
	[tilespmem:$0x10480] =	vst v63  }
0x1d1: {  	s31 =	simm.s32 $0x5D00;
	v20 =	vadd.s32 v3, v22;
	v22 =	vperm.xlane v18, v8  }
0x1d2: {  	[tilespmem:s31], [sflag:$0x1] =	stream.indirect_vreg.gather [hbm4b:s6+s2], $0x80, v21, vm0, $0xb8;
	[tilespmem:$0x10480] =	vst v63  }
0x1d3: {  	s1 =	simm.s32 $0x5D80;
	v21 =	vadd.s32 v3, v22;
	v22 =	vperm.xlane v18, v9  }
0x1d4: {  	[tilespmem:s1], [sflag:$0x1] =	stream.indirect_vreg.gather [hbm4b:s6+s2], $0x80, v19, vm0, $0xb8;
	[tilespmem:$0x10480] =	vst v63  }
0x1d5: {  	s31 =	simm.s32 $0x5E00;
	v19 =	vadd.s32 v3, v22;
	v22 =	vperm.xlane v18, v1  }
0x1d6: {  	[tilespmem:s31], [sflag:$0x1] =	stream.indirect_vreg.gather [hbm4b:s6+s2], $0x80, v20, vm0, $0xb8;
	[tilespmem:$0x10480] =	vst v63  }
0x1d7: {  	s1 =	simm.s32 $0x5E80;
	v20 =	vadd.s32 v3, v22;
	v22 =	vperm.xlane v18, v10  }
0x1d8: {  	[tilespmem:s1], [sflag:$0x1] =	stream.indirect_vreg.gather [hbm4b:s6+s2], $0x80, v21, vm0, $0xb8;
	[tilespmem:$0x10480] =	vst v63  }
0x1d9: {  	s31 =	simm.s32 $0x5F00;
	v21 =	vadd.s32 v3, v22;
	v22 =	vperm.xlane v18, v11  }
0x1da: {  	[tilespmem:s31], [sflag:$0x1] =	stream.indirect_vreg.gather [hbm4b:s6+s2], $0x80, v19, vm0, $0xb8;
	[tilespmem:$0x10480] =	vst v63  }
0x1db: {  	s1 =	simm.s32 $0x5F80;
	v19 =	vadd.s32 v3, v22;
	v22 =	vperm.xlane v18, v12  }
0x1dc: {  	[tilespmem:s1], [sflag:$0x1] =	stream.indirect_vreg.gather [hbm4b:s6+s2], $0x80, v20, vm0, $0xb8;
	[tilespmem:$0x10480] =	vst v63  }
0x1dd: {  	s31 =	simm.s32 $0x6000;
	v20 =	vadd.s32 v3, v22;
	v22 =	vperm.xlane v18, v13  }
0x1de: {  	[tilespmem:s31], [sflag:$0x1] =	stream.indirect_vreg.gather [hbm4b:s6+s2], $0x80, v21, vm0, $0xb8;
	[tilespmem:$0x10480] =	vst v63  }
0x1df: {  	s1 =	simm.s32 $0x6080;
	v21 =	vadd.s32 v3, v22;
	v22 =	vperm.xlane v18, v14  }
0x1e0: {  	[tilespmem:s1], [sflag:$0x1] =	stream.indirect_vreg.gather [hbm4b:s6+s2], $0x80, v19, vm0, $0xb8;
	[tilespmem:$0x10480] =	vst v63  }
0x1e1: {  	s31 =	simm.s32 $0x6100;
	v19 =	vadd.s32 v3, v22;
	v22 =	vperm.xlane v18, v15  }
0x1e2: {  	[tilespmem:s31], [sflag:$0x1] =	stream.indirect_vreg.gather [hbm4b:s6+s2], $0x80, v20, vm0, $0xb8;
	[tilespmem:$0x10480] =	vst v63  }
0x1e3: {  	s1 =	simm.s32 $0x6180;
	v20 =	vadd.s32 v3, v22;
	v22 =	vperm.xlane v18, v16  }
0x1e4: {  	[tilespmem:s1], [sflag:$0x1] =	stream.indirect_vreg.gather [hbm4b:s6+s2], $0x80, v21, vm0, $0xb8;
	[tilespmem:$0x10480] =	vst v63  }
0x1e5: {  	v18 =	vperm.xlane v18, v17;
	s31 =	simm.s32 $0x6200;
	v21 =	vadd.s32 v3, v22  }
0x1e6: {  	[tilespmem:s31], [sflag:$0x1] =	stream.indirect_vreg.gather [hbm4b:s6+s2], $0x80, v19, vm0, $0xb8;
	[tilespmem:$0x10480] =	vst v63  }
0x1e7: {  	v18 =	vadd.s32 v3, v18;
	s1 =	simm.s32 $0x6280  }
0x1e8: {  	[tilespmem:s1], [sflag:$0x1] =	stream.indirect_vreg.gather [hbm4b:s6+s2], $0x80, v20, vm0, $0xb8;
	[tilespmem:$0x10480] =	vst v63  }
0x1e9: {  	s31 =	simm.s32 $0x6300  }
0x1ea: {  	[tilespmem:s31], [sflag:$0x1] =	stream.indirect_vreg.gather [hbm4b:s6+s2], $0x80, v21, vm0, $0xb8;
	[tilespmem:$0x10480] =	vst v63  }
0x1eb: {  	s1 =	simm.s32 $0x6380  }
0x1ec: {  	[tilespmem:s1], [sflag:$0x1] =	stream.indirect_vreg.gather [hbm4b:s6+s2], $0x80, v18, vm0, $0xb8;
	[tilespmem:$0x10480] =	vst v63  }
0x1ed: {  	v18 =	vld [tilespmem:$0xC0];
	_ =	sdelay $0x4  }
0x1ee: {  	v19 =	vshll.u32 v18, $0x7  }
0x1ef: {  	v18 =	vand.u32 $0x7, v18;
	v19 =	vand.u32 $0xFFFFFC00, v19  }
0x1f0: {  	v18 =	vor.u32 v18, v19  }
0x1f1: {  	v19 =	vperm.xlane v18, v2;
	_ =	sdelay $0x1  }
0x1f2: {  	v20 =	vperm.xlane v18, v4;
	v19 =	vadd.s32 v3, v19;
	_ =	sdelay $0x1  }
0x1f3: {  	v21 =	vperm.xlane v18, v5;
	v20 =	vadd.s32 v3, v20;
	_ =	sdelay $0x1  }
0x1f4: {  	s31 =	simm.s32 $0x6400;
	v22 =	vperm.xlane v18, v6;
	v21 =	vadd.s32 v3, v21  }
0x1f5: {  	[tilespmem:s31], [sflag:$0x1] =	stream.indirect_vreg.gather [hbm4b:s6+s2], $0x80, v19, vm0, $0xb8;
	[tilespmem:$0x10480] =	vst v63  }
0x1f6: {  	s1 =	simm.s32 $0x6480;
	v19 =	vadd.s32 v3, v22;
	v22 =	vperm.xlane v18, v7  }
0x1f7: {  	[tilespmem:s1], [sflag:$0x1] =	stream.indirect_vreg.gather [hbm4b:s6+s2], $0x80, v20, vm0, $0xb8;
	[tilespmem:$0x10480] =	vst v63  }
0x1f8: {  	s31 =	simm.s32 $0x6500;
	v20 =	vadd.s32 v3, v22;
	v22 =	vperm.xlane v18, v8  }
0x1f9: {  	[tilespmem:s31], [sflag:$0x1] =	stream.indirect_vreg.gather [hbm4b:s6+s2], $0x80, v21, vm0, $0xb8;
	[tilespmem:$0x10480] =	vst v63  }
0x1fa: {  	s1 =	simm.s32 $0x6580;
	v21 =	vadd.s32 v3, v22;
	v22 =	vperm.xlane v18, v9  }
0x1fb: {  	[tilespmem:s1], [sflag:$0x1] =	stream.indirect_vreg.gather [hbm4b:s6+s2], $0x80, v19, vm0, $0xb8;
	[tilespmem:$0x10480] =	vst v63  }
0x1fc: {  	s31 =	simm.s32 $0x6600;
	v19 =	vadd.s32 v3, v22;
	v22 =	vperm.xlane v18, v1  }
0x1fd: {  	[tilespmem:s31], [sflag:$0x1] =	stream.indirect_vreg.gather [hbm4b:s6+s2], $0x80, v20, vm0, $0xb8;
	[tilespmem:$0x10480] =	vst v63  }
0x1fe: {  	s1 =	simm.s32 $0x6680;
	v20 =	vadd.s32 v3, v22;
	v22 =	vperm.xlane v18, v10  }
0x1ff: {  	[tilespmem:s1], [sflag:$0x1] =	stream.indirect_vreg.gather [hbm4b:s6+s2], $0x80, v21, vm0, $0xb8;
	[tilespmem:$0x10480] =	vst v63  }
0x200: {  	s31 =	simm.s32 $0x6700;
	v21 =	vadd.s32 v3, v22;
	v22 =	vperm.xlane v18, v11  }
0x201: {  	[tilespmem:s31], [sflag:$0x1] =	stream.indirect_vreg.gather [hbm4b:s6+s2], $0x80, v19, vm0, $0xb8;
	[tilespmem:$0x10480] =	vst v63  }
0x202: {  	s1 =	simm.s32 $0x6780;
	v19 =	vadd.s32 v3, v22;
	v22 =	vperm.xlane v18, v12  }
0x203: {  	[tilespmem:s1], [sflag:$0x1] =	stream.indirect_vreg.gather [hbm4b:s6+s2], $0x80, v20, vm0, $0xb8;
	[tilespmem:$0x10480] =	vst v63  }
0x204: {  	s31 =	simm.s32 $0x6800;
	v20 =	vadd.s32 v3, v22;
	v22 =	vperm.xlane v18, v13  }
0x205: {  	[tilespmem:s31], [sflag:$0x1] =	stream.indirect_vreg.gather [hbm4b:s6+s2], $0x80, v21, vm0, $0xb8;
	[tilespmem:$0x10480] =	vst v63  }
0x206: {  	s1 =	simm.s32 $0x6880;
	v21 =	vadd.s32 v3, v22;
	v22 =	vperm.xlane v18, v14  }
0x207: {  	[tilespmem:s1], [sflag:$0x1] =	stream.indirect_vreg.gather [hbm4b:s6+s2], $0x80, v19, vm0, $0xb8;
	[tilespmem:$0x10480] =	vst v63  }
0x208: {  	s31 =	simm.s32 $0x6900;
	v19 =	vadd.s32 v3, v22;
	v22 =	vperm.xlane v18, v15  }
0x209: {  	[tilespmem:s31], [sflag:$0x1] =	stream.indirect_vreg.gather [hbm4b:s6+s2], $0x80, v20, vm0, $0xb8;
	[tilespmem:$0x10480] =	vst v63  }
0x20a: {  	s1 =	simm.s32 $0x6980;
	v20 =	vadd.s32 v3, v22;
	v22 =	vperm.xlane v18, v16  }
0x20b: {  	[tilespmem:s1], [sflag:$0x1] =	stream.indirect_vreg.gather [hbm4b:s6+s2], $0x80, v21, vm0, $0xb8;
	[tilespmem:$0x10480] =	vst v63  }
0x20c: {  	v18 =	vperm.xlane v18, v17;
	s31 =	simm.s32 $0x6A00;
	v21 =	vadd.s32 v3, v22  }
0x20d: {  	[tilespmem:s31], [sflag:$0x1] =	stream.indirect_vreg.gather [hbm4b:s6+s2], $0x80, v19, vm0, $0xb8;
	[tilespmem:$0x10480] =	vst v63  }
0x20e: {  	v18 =	vadd.s32 v3, v18;
	s1 =	simm.s32 $0x6A80  }
0x20f: {  	[tilespmem:s1], [sflag:$0x1] =	stream.indirect_vreg.gather [hbm4b:s6+s2], $0x80, v20, vm0, $0xb8;
	[tilespmem:$0x10480] =	vst v63  }
0x210: {  	s31 =	simm.s32 $0x6B00  }
0x211: {  	[tilespmem:s31], [sflag:$0x1] =	stream.indirect_vreg.gather [hbm4b:s6+s2], $0x80, v21, vm0, $0xb8;
	[tilespmem:$0x10480] =	vst v63  }
0x212: {  	s1 =	simm.s32 $0x6B80  }
0x213: {  	[tilespmem:s1], [sflag:$0x1] =	stream.indirect_vreg.gather [hbm4b:s6+s2], $0x80, v18, vm0, $0xb8;
	[tilespmem:$0x10480] =	vst v63  }
0x214: {  	v18 =	vld [tilespmem:$0xD0];
	_ =	sdelay $0x4  }
0x215: {  	v19 =	vshll.u32 v18, $0x7  }
0x216: {  	v18 =	vand.u32 $0x7, v18;
	v19 =	vand.u32 $0xFFFFFC00, v19  }
0x217: {  	v18 =	vor.u32 v18, v19  }
0x218: {  	v19 =	vperm.xlane v18, v2;
	_ =	sdelay $0x1  }
0x219: {  	v20 =	vperm.xlane v18, v4;
	v19 =	vadd.s32 v3, v19;
	_ =	sdelay $0x1  }
0x21a: {  	v21 =	vperm.xlane v18, v5;
	v20 =	vadd.s32 v3, v20;
	_ =	sdelay $0x1  }
0x21b: {  	s31 =	simm.s32 $0x6C00;
	v22 =	vperm.xlane v18, v6;
	v21 =	vadd.s32 v3, v21  }
0x21c: {  	[tilespmem:s31], [sflag:$0x1] =	stream.indirect_vreg.gather [hbm4b:s6+s2], $0x80, v19, vm0, $0xb8;
	[tilespmem:$0x10480] =	vst v63  }
0x21d: {  	s1 =	simm.s32 $0x6C80;
	v19 =	vadd.s32 v3, v22;
	v22 =	vperm.xlane v18, v7  }
0x21e: {  	[tilespmem:s1], [sflag:$0x1] =	stream.indirect_vreg.gather [hbm4b:s6+s2], $0x80, v20, vm0, $0xb8;
	[tilespmem:$0x10480] =	vst v63  }
0x21f: {  	s31 =	simm.s32 $0x6D00;
	v20 =	vadd.s32 v3, v22;
	v22 =	vperm.xlane v18, v8  }
0x220: {  	[tilespmem:s31], [sflag:$0x1] =	stream.indirect_vreg.gather [hbm4b:s6+s2], $0x80, v21, vm0, $0xb8;
	[tilespmem:$0x10480] =	vst v63  }
0x221: {  	s1 =	simm.s32 $0x6D80;
	v21 =	vadd.s32 v3, v22;
	v22 =	vperm.xlane v18, v9  }
0x222: {  	[tilespmem:s1], [sflag:$0x1] =	stream.indirect_vreg.gather [hbm4b:s6+s2], $0x80, v19, vm0, $0xb8;
	[tilespmem:$0x10480] =	vst v63  }
0x223: {  	s31 =	simm.s32 $0x6E00;
	v19 =	vadd.s32 v3, v22;
	v22 =	vperm.xlane v18, v1  }
0x224: {  	[tilespmem:s31], [sflag:$0x1] =	stream.indirect_vreg.gather [hbm4b:s6+s2], $0x80, v20, vm0, $0xb8;
	[tilespmem:$0x10480] =	vst v63  }
0x225: {  	s1 =	simm.s32 $0x6E80;
	v20 =	vadd.s32 v3, v22;
	v22 =	vperm.xlane v18, v10  }
0x226: {  	[tilespmem:s1], [sflag:$0x1] =	stream.indirect_vreg.gather [hbm4b:s6+s2], $0x80, v21, vm0, $0xb8;
	[tilespmem:$0x10480] =	vst v63  }
0x227: {  	s31 =	simm.s32 $0x6F00;
	v21 =	vadd.s32 v3, v22;
	v22 =	vperm.xlane v18, v11  }
0x228: {  	[tilespmem:s31], [sflag:$0x1] =	stream.indirect_vreg.gather [hbm4b:s6+s2], $0x80, v19, vm0, $0xb8;
	[tilespmem:$0x10480] =	vst v63  }
0x229: {  	s1 =	simm.s32 $0x6F80;
	v19 =	vadd.s32 v3, v22;
	v22 =	vperm.xlane v18, v12  }
0x22a: {  	[tilespmem:s1], [sflag:$0x1] =	stream.indirect_vreg.gather [hbm4b:s6+s2], $0x80, v20, vm0, $0xb8;
	[tilespmem:$0x10480] =	vst v63  }
0x22b: {  	s31 =	simm.s32 $0x7000;
	v20 =	vadd.s32 v3, v22;
	v22 =	vperm.xlane v18, v13  }
0x22c: {  	[tilespmem:s31], [sflag:$0x1] =	stream.indirect_vreg.gather [hbm4b:s6+s2], $0x80, v21, vm0, $0xb8;
	[tilespmem:$0x10480] =	vst v63  }
0x22d: {  	s1 =	simm.s32 $0x7080;
	v21 =	vadd.s32 v3, v22;
	v22 =	vperm.xlane v18, v14  }
0x22e: {  	[tilespmem:s1], [sflag:$0x1] =	stream.indirect_vreg.gather [hbm4b:s6+s2], $0x80, v19, vm0, $0xb8;
	[tilespmem:$0x10480] =	vst v63  }
0x22f: {  	s31 =	simm.s32 $0x7100;
	v19 =	vadd.s32 v3, v22;
	v22 =	vperm.xlane v18, v15  }
0x230: {  	[tilespmem:s31], [sflag:$0x1] =	stream.indirect_vreg.gather [hbm4b:s6+s2], $0x80, v20, vm0, $0xb8;
	[tilespmem:$0x10480] =	vst v63  }
0x231: {  	s1 =	simm.s32 $0x7180;
	v20 =	vadd.s32 v3, v22;
	v22 =	vperm.xlane v18, v16  }
0x232: {  	[tilespmem:s1], [sflag:$0x1] =	stream.indirect_vreg.gather [hbm4b:s6+s2], $0x80, v21, vm0, $0xb8;
	[tilespmem:$0x10480] =	vst v63  }
0x233: {  	v18 =	vperm.xlane v18, v17;
	s31 =	simm.s32 $0x7200;
	v21 =	vadd.s32 v3, v22  }
0x234: {  	[tilespmem:s31], [sflag:$0x1] =	stream.indirect_vreg.gather [hbm4b:s6+s2], $0x80, v19, vm0, $0xb8;
	[tilespmem:$0x10480] =	vst v63  }
0x235: {  	v18 =	vadd.s32 v3, v18;
	s1 =	simm.s32 $0x7280  }
0x236: {  	[tilespmem:s1], [sflag:$0x1] =	stream.indirect_vreg.gather [hbm4b:s6+s2], $0x80, v20, vm0, $0xb8;
	[tilespmem:$0x10480] =	vst v63  }
0x237: {  	s31 =	simm.s32 $0x7300  }
0x238: {  	[tilespmem:s31], [sflag:$0x1] =	stream.indirect_vreg.gather [hbm4b:s6+s2], $0x80, v21, vm0, $0xb8;
	[tilespmem:$0x10480] =	vst v63  }
0x239: {  	s1 =	simm.s32 $0x7380  }
0x23a: {  	[tilespmem:s1], [sflag:$0x1] =	stream.indirect_vreg.gather [hbm4b:s6+s2], $0x80, v18, vm0, $0xb8;
	[tilespmem:$0x10480] =	vst v63  }
0x23b: {  	v18 =	vld [tilespmem:$0xE0];
	_ =	sdelay $0x4  }
0x23c: {  	v19 =	vshll.u32 v18, $0x7  }
0x23d: {  	v18 =	vand.u32 $0x7, v18;
	v19 =	vand.u32 $0xFFFFFC00, v19  }
0x23e: {  	v18 =	vor.u32 v18, v19  }
0x23f: {  	v19 =	vperm.xlane v18, v2;
	_ =	sdelay $0x1  }
0x240: {  	v20 =	vperm.xlane v18, v4;
	v19 =	vadd.s32 v3, v19;
	_ =	sdelay $0x1  }
0x241: {  	v21 =	vperm.xlane v18, v5;
	v20 =	vadd.s32 v3, v20;
	_ =	sdelay $0x1  }
0x242: {  	s31 =	simm.s32 $0x7400;
	v22 =	vperm.xlane v18, v6;
	v21 =	vadd.s32 v3, v21  }
0x243: {  	[tilespmem:s31], [sflag:$0x1] =	stream.indirect_vreg.gather [hbm4b:s6+s2], $0x80, v19, vm0, $0xb8;
	[tilespmem:$0x10480] =	vst v63  }
0x244: {  	s1 =	simm.s32 $0x7480;
	v19 =	vadd.s32 v3, v22;
	v22 =	vperm.xlane v18, v7  }
0x245: {  	[tilespmem:s1], [sflag:$0x1] =	stream.indirect_vreg.gather [hbm4b:s6+s2], $0x80, v20, vm0, $0xb8;
	[tilespmem:$0x10480] =	vst v63  }
0x246: {  	s31 =	simm.s32 $0x7500;
	v20 =	vadd.s32 v3, v22;
	v22 =	vperm.xlane v18, v8  }
0x247: {  	[tilespmem:s31], [sflag:$0x1] =	stream.indirect_vreg.gather [hbm4b:s6+s2], $0x80, v21, vm0, $0xb8;
	[tilespmem:$0x10480] =	vst v63  }
0x248: {  	s1 =	simm.s32 $0x7580;
	v21 =	vadd.s32 v3, v22;
	v22 =	vperm.xlane v18, v9  }
0x249: {  	[tilespmem:s1], [sflag:$0x1] =	stream.indirect_vreg.gather [hbm4b:s6+s2], $0x80, v19, vm0, $0xb8;
	[tilespmem:$0x10480] =	vst v63  }
0x24a: {  	s31 =	simm.s32 $0x7600;
	v19 =	vadd.s32 v3, v22;
	v22 =	vperm.xlane v18, v1  }
0x24b: {  	[tilespmem:s31], [sflag:$0x1] =	stream.indirect_vreg.gather [hbm4b:s6+s2], $0x80, v20, vm0, $0xb8;
	[tilespmem:$0x10480] =	vst v63  }
0x24c: {  	s1 =	simm.s32 $0x7680;
	v20 =	vadd.s32 v3, v22;
	v22 =	vperm.xlane v18, v10  }
0x24d: {  	[tilespmem:s1], [sflag:$0x1] =	stream.indirect_vreg.gather [hbm4b:s6+s2], $0x80, v21, vm0, $0xb8;
	[tilespmem:$0x10480] =	vst v63  }
0x24e: {  	s31 =	simm.s32 $0x7700;
	v21 =	vadd.s32 v3, v22;
	v22 =	vperm.xlane v18, v11  }
0x24f: {  	[tilespmem:s31], [sflag:$0x1] =	stream.indirect_vreg.gather [hbm4b:s6+s2], $0x80, v19, vm0, $0xb8;
	[tilespmem:$0x10480] =	vst v63  }
0x250: {  	s1 =	simm.s32 $0x7780;
	v19 =	vadd.s32 v3, v22;
	v22 =	vperm.xlane v18, v12  }
0x251: {  	[tilespmem:s1], [sflag:$0x1] =	stream.indirect_vreg.gather [hbm4b:s6+s2], $0x80, v20, vm0, $0xb8;
	[tilespmem:$0x10480] =	vst v63  }
0x252: {  	s31 =	simm.s32 $0x7800;
	v20 =	vadd.s32 v3, v22;
	v22 =	vperm.xlane v18, v13  }
0x253: {  	[tilespmem:s31], [sflag:$0x1] =	stream.indirect_vreg.gather [hbm4b:s6+s2], $0x80, v21, vm0, $0xb8;
	[tilespmem:$0x10480] =	vst v63  }
0x254: {  	s1 =	simm.s32 $0x7880;
	v21 =	vadd.s32 v3, v22;
	v22 =	vperm.xlane v18, v14  }
0x255: {  	[tilespmem:s1], [sflag:$0x1] =	stream.indirect_vreg.gather [hbm4b:s6+s2], $0x80, v19, vm0, $0xb8;
	[tilespmem:$0x10480] =	vst v63  }
0x256: {  	s31 =	simm.s32 $0x7900;
	v19 =	vadd.s32 v3, v22;
	v22 =	vperm.xlane v18, v15  }
0x257: {  	[tilespmem:s31], [sflag:$0x1] =	stream.indirect_vreg.gather [hbm4b:s6+s2], $0x80, v20, vm0, $0xb8;
	[tilespmem:$0x10480] =	vst v63  }
0x258: {  	s1 =	simm.s32 $0x7980;
	v20 =	vadd.s32 v3, v22;
	v22 =	vperm.xlane v18, v16  }
0x259: {  	[tilespmem:s1], [sflag:$0x1] =	stream.indirect_vreg.gather [hbm4b:s6+s2], $0x80, v21, vm0, $0xb8;
	[tilespmem:$0x10480] =	vst v63  }
0x25a: {  	v18 =	vperm.xlane v18, v17;
	s31 =	simm.s32 $0x7A00;
	v21 =	vadd.s32 v3, v22  }
0x25b: {  	[tilespmem:s31], [sflag:$0x1] =	stream.indirect_vreg.gather [hbm4b:s6+s2], $0x80, v19, vm0, $0xb8;
	[tilespmem:$0x10480] =	vst v63  }
0x25c: {  	v18 =	vadd.s32 v3, v18;
	s1 =	simm.s32 $0x7A80  }
0x25d: {  	[tilespmem:s1], [sflag:$0x1] =	stream.indirect_vreg.gather [hbm4b:s6+s2], $0x80, v20, vm0, $0xb8;
	[tilespmem:$0x10480] =	vst v63  }
0x25e: {  	s31 =	simm.s32 $0x7B00  }
0x25f: {  	[tilespmem:s31], [sflag:$0x1] =	stream.indirect_vreg.gather [hbm4b:s6+s2], $0x80, v21, vm0, $0xb8;
	[tilespmem:$0x10480] =	vst v63  }
0x260: {  	s1 =	simm.s32 $0x7B80  }
0x261: {  	[tilespmem:s1], [sflag:$0x1] =	stream.indirect_vreg.gather [hbm4b:s6+s2], $0x80, v18, vm0, $0xb8;
	[tilespmem:$0x10480] =	vst v63  }
0x262: {  	v18 =	vld [tilespmem:$0xF0];
	_ =	sdelay $0x4  }
0x263: {  	v19 =	vshll.u32 v18, $0x7  }
0x264: {  	v18 =	vand.u32 $0x7, v18;
	v19 =	vand.u32 $0xFFFFFC00, v19  }
0x265: {  	v18 =	vor.u32 v18, v19  }
0x266: {  	v19 =	vperm.xlane v18, v2;
	_ =	sdelay $0x1  }
0x267: {  	v20 =	vperm.xlane v18, v4;
	v19 =	vadd.s32 v3, v19;
	_ =	sdelay $0x1  }
0x268: {  	v21 =	vperm.xlane v18, v5;
	v20 =	vadd.s32 v3, v20;
	_ =	sdelay $0x1  }
0x269: {  	s31 =	simm.s32 $0x7C00;
	v22 =	vperm.xlane v18, v6;
	v21 =	vadd.s32 v3, v21  }
0x26a: {  	[tilespmem:s31], [sflag:$0x1] =	stream.indirect_vreg.gather [hbm4b:s6+s2], $0x80, v19, vm0, $0xb8;
	[tilespmem:$0x10480] =	vst v63  }
0x26b: {  	s1 =	simm.s32 $0x7C80;
	v19 =	vadd.s32 v3, v22;
	v22 =	vperm.xlane v18, v7  }
0x26c: {  	[tilespmem:s1], [sflag:$0x1] =	stream.indirect_vreg.gather [hbm4b:s6+s2], $0x80, v20, vm0, $0xb8;
	[tilespmem:$0x10480] =	vst v63  }
0x26d: {  	s31 =	simm.s32 $0x7D00;
	v20 =	vadd.s32 v3, v22;
	v22 =	vperm.xlane v18, v8  }
0x26e: {  	[tilespmem:s31], [sflag:$0x1] =	stream.indirect_vreg.gather [hbm4b:s6+s2], $0x80, v21, vm0, $0xb8;
	[tilespmem:$0x10480] =	vst v63  }
0x26f: {  	s1 =	simm.s32 $0x7D80;
	v21 =	vadd.s32 v3, v22;
	v22 =	vperm.xlane v18, v9  }
0x270: {  	[tilespmem:s1], [sflag:$0x1] =	stream.indirect_vreg.gather [hbm4b:s6+s2], $0x80, v19, vm0, $0xb8;
	[tilespmem:$0x10480] =	vst v63  }
0x271: {  	s31 =	simm.s32 $0x7E00;
	v19 =	vadd.s32 v3, v22;
	v22 =	vperm.xlane v18, v1  }
0x272: {  	[tilespmem:s31], [sflag:$0x1] =	stream.indirect_vreg.gather [hbm4b:s6+s2], $0x80, v20, vm0, $0xb8;
	[tilespmem:$0x10480] =	vst v63  }
0x273: {  	s1 =	simm.s32 $0x7E80;
	v20 =	vadd.s32 v3, v22;
	v22 =	vperm.xlane v18, v10  }
0x274: {  	[tilespmem:s1], [sflag:$0x1] =	stream.indirect_vreg.gather [hbm4b:s6+s2], $0x80, v21, vm0, $0xb8;
	[tilespmem:$0x10480] =	vst v63  }
0x275: {  	s31 =	simm.s32 $0x7F00;
	v21 =	vadd.s32 v3, v22;
	v22 =	vperm.xlane v18, v11  }
0x276: {  	[tilespmem:s31], [sflag:$0x1] =	stream.indirect_vreg.gather [hbm4b:s6+s2], $0x80, v19, vm0, $0xb8;
	[tilespmem:$0x10480] =	vst v63  }
0x277: {  	s1 =	simm.s32 $0x7F80;
	v19 =	vadd.s32 v3, v22;
	v22 =	vperm.xlane v18, v12  }
0x278: {  	[tilespmem:s1], [sflag:$0x1] =	stream.indirect_vreg.gather [hbm4b:s6+s2], $0x80, v20, vm0, $0xb8;
	[tilespmem:$0x10480] =	vst v63  }
0x279: {  	s31 =	simm.s32 $0x8000;
	v20 =	vadd.s32 v3, v22;
	v22 =	vperm.xlane v18, v13  }
0x27a: {  	[tilespmem:s31], [sflag:$0x1] =	stream.indirect_vreg.gather [hbm4b:s6+s2], $0x80, v21, vm0, $0xb8;
	[tilespmem:$0x10480] =	vst v63  }
0x27b: {  	s1 =	simm.s32 $0x8080;
	v21 =	vadd.s32 v3, v22;
	v22 =	vperm.xlane v18, v14  }
0x27c: {  	[tilespmem:s1], [sflag:$0x1] =	stream.indirect_vreg.gather [hbm4b:s6+s2], $0x80, v19, vm0, $0xb8;
	[tilespmem:$0x10480] =	vst v63  }
0x27d: {  	s31 =	simm.s32 $0x8100;
	v19 =	vadd.s32 v3, v22;
	v22 =	vperm.xlane v18, v15  }
0x27e: {  	[tilespmem:s31], [sflag:$0x1] =	stream.indirect_vreg.gather [hbm4b:s6+s2], $0x80, v20, vm0, $0xb8;
	[tilespmem:$0x10480] =	vst v63  }
0x27f: {  	s1 =	simm.s32 $0x8180;
	v20 =	vadd.s32 v3, v22;
	v22 =	vperm.xlane v18, v16  }
0x280: {  	[tilespmem:s1], [sflag:$0x1] =	stream.indirect_vreg.gather [hbm4b:s6+s2], $0x80, v21, vm0, $0xb8;
	[tilespmem:$0x10480] =	vst v63  }
0x281: {  	v18 =	vperm.xlane v18, v17;
	s31 =	simm.s32 $0x8200;
	v21 =	vadd.s32 v3, v22  }
0x282: {  	[tilespmem:s31], [sflag:$0x1] =	stream.indirect_vreg.gather [hbm4b:s6+s2], $0x80, v19, vm0, $0xb8;
	[tilespmem:$0x10480] =	vst v63  }
0x283: {  	v18 =	vadd.s32 v3, v18;
	s1 =	simm.s32 $0x8280  }
0x284: {  	[tilespmem:s1], [sflag:$0x1] =	stream.indirect_vreg.gather [hbm4b:s6+s2], $0x80, v20, vm0, $0xb8;
	[tilespmem:$0x10480] =	vst v63  }
0x285: {  	s31 =	simm.s32 $0x8300  }
0x286: {  	[tilespmem:s31], [sflag:$0x1] =	stream.indirect_vreg.gather [hbm4b:s6+s2], $0x80, v21, vm0, $0xb8;
	[tilespmem:$0x10480] =	vst v63  }
0x287: {  	s1 =	simm.s32 $0x8380  }
0x288: {  	[tilespmem:s1], [sflag:$0x1] =	stream.indirect_vreg.gather [hbm4b:s6+s2], $0x80, v18, vm0, $0xb8;
	[tilespmem:$0x10480] =	vst v63  }
0x289: {  	v18 =	vld [tilespmem:$0x100];
	_ =	sdelay $0x4  }
0x28a: {  	v19 =	vshll.u32 v18, $0x7  }
0x28b: {  	v18 =	vand.u32 $0x7, v18;
	v19 =	vand.u32 $0xFFFFFC00, v19  }
0x28c: {  	v18 =	vor.u32 v18, v19  }
0x28d: {  	v19 =	vperm.xlane v18, v2;
	_ =	sdelay $0x1  }
0x28e: {  	v20 =	vperm.xlane v18, v4;
	v19 =	vadd.s32 v3, v19;
	_ =	sdelay $0x1  }
0x28f: {  	v21 =	vperm.xlane v18, v5;
	v20 =	vadd.s32 v3, v20;
	_ =	sdelay $0x1  }
0x290: {  	s31 =	simm.s32 $0x8400;
	v22 =	vperm.xlane v18, v6;
	v21 =	vadd.s32 v3, v21  }
0x291: {  	[tilespmem:s31], [sflag:$0x1] =	stream.indirect_vreg.gather [hbm4b:s7+s2], $0x80, v19, vm0, $0xb8;
	[tilespmem:$0x10480] =	vst v63  }
0x292: {  	s1 =	simm.s32 $0x8480;
	v19 =	vadd.s32 v3, v22;
	v22 =	vperm.xlane v18, v7  }
0x293: {  	[tilespmem:s1], [sflag:$0x1] =	stream.indirect_vreg.gather [hbm4b:s7+s2], $0x80, v20, vm0, $0xb8;
	[tilespmem:$0x10480] =	vst v63  }
0x294: {  	s31 =	simm.s32 $0x8500;
	v20 =	vadd.s32 v3, v22;
	v22 =	vperm.xlane v18, v8  }
0x295: {  	[tilespmem:s31], [sflag:$0x1] =	stream.indirect_vreg.gather [hbm4b:s7+s2], $0x80, v21, vm0, $0xb8;
	[tilespmem:$0x10480] =	vst v63  }
0x296: {  	s1 =	simm.s32 $0x8580;
	v21 =	vadd.s32 v3, v22;
	v22 =	vperm.xlane v18, v9  }
0x297: {  	[tilespmem:s1], [sflag:$0x1] =	stream.indirect_vreg.gather [hbm4b:s7+s2], $0x80, v19, vm0, $0xb8;
	[tilespmem:$0x10480] =	vst v63  }
0x298: {  	s31 =	simm.s32 $0x8600;
	v19 =	vadd.s32 v3, v22;
	v22 =	vperm.xlane v18, v1  }
0x299: {  	[tilespmem:s31], [sflag:$0x1] =	stream.indirect_vreg.gather [hbm4b:s7+s2], $0x80, v20, vm0, $0xb8;
	[tilespmem:$0x10480] =	vst v63  }
0x29a: {  	s1 =	simm.s32 $0x8680;
	v20 =	vadd.s32 v3, v22;
	v22 =	vperm.xlane v18, v10  }
0x29b: {  	[tilespmem:s1], [sflag:$0x1] =	stream.indirect_vreg.gather [hbm4b:s7+s2], $0x80, v21, vm0, $0xb8;
	[tilespmem:$0x10480] =	vst v63  }
0x29c: {  	s31 =	simm.s32 $0x8700;
	v21 =	vadd.s32 v3, v22;
	v22 =	vperm.xlane v18, v11  }
0x29d: {  	[tilespmem:s31], [sflag:$0x1] =	stream.indirect_vreg.gather [hbm4b:s7+s2], $0x80, v19, vm0, $0xb8;
	[tilespmem:$0x10480] =	vst v63  }
0x29e: {  	s1 =	simm.s32 $0x8780;
	v19 =	vadd.s32 v3, v22;
	v22 =	vperm.xlane v18, v12  }
0x29f: {  	[tilespmem:s1], [sflag:$0x1] =	stream.indirect_vreg.gather [hbm4b:s7+s2], $0x80, v20, vm0, $0xb8;
	[tilespmem:$0x10480] =	vst v63  }
0x2a0: {  	s31 =	simm.s32 $0x8800;
	v20 =	vadd.s32 v3, v22;
	v22 =	vperm.xlane v18, v13  }
0x2a1: {  	[tilespmem:s31], [sflag:$0x1] =	stream.indirect_vreg.gather [hbm4b:s7+s2], $0x80, v21, vm0, $0xb8;
	[tilespmem:$0x10480] =	vst v63  }
0x2a2: {  	s1 =	simm.s32 $0x8880;
	v21 =	vadd.s32 v3, v22;
	v22 =	vperm.xlane v18, v14  }
0x2a3: {  	[tilespmem:s1], [sflag:$0x1] =	stream.indirect_vreg.gather [hbm4b:s7+s2], $0x80, v19, vm0, $0xb8;
	[tilespmem:$0x10480] =	vst v63  }
0x2a4: {  	s31 =	simm.s32 $0x8900;
	v19 =	vadd.s32 v3, v22;
	v22 =	vperm.xlane v18, v15  }
0x2a5: {  	[tilespmem:s31], [sflag:$0x1] =	stream.indirect_vreg.gather [hbm4b:s7+s2], $0x80, v20, vm0, $0xb8;
	[tilespmem:$0x10480] =	vst v63  }
0x2a6: {  	s1 =	simm.s32 $0x8980;
	v20 =	vadd.s32 v3, v22;
	v22 =	vperm.xlane v18, v16  }
0x2a7: {  	[tilespmem:s1], [sflag:$0x1] =	stream.indirect_vreg.gather [hbm4b:s7+s2], $0x80, v21, vm0, $0xb8;
	[tilespmem:$0x10480] =	vst v63  }
0x2a8: {  	v18 =	vperm.xlane v18, v17;
	s31 =	simm.s32 $0x8A00;
	v21 =	vadd.s32 v3, v22  }
0x2a9: {  	[tilespmem:s31], [sflag:$0x1] =	stream.indirect_vreg.gather [hbm4b:s7+s2], $0x80, v19, vm0, $0xb8;
	[tilespmem:$0x10480] =	vst v63  }
0x2aa: {  	v18 =	vadd.s32 v3, v18;
	s1 =	simm.s32 $0x8A80  }
0x2ab: {  	[tilespmem:s1], [sflag:$0x1] =	stream.indirect_vreg.gather [hbm4b:s7+s2], $0x80, v20, vm0, $0xb8;
	[tilespmem:$0x10480] =	vst v63  }
0x2ac: {  	s31 =	simm.s32 $0x8B00  }
0x2ad: {  	[tilespmem:s31], [sflag:$0x1] =	stream.indirect_vreg.gather [hbm4b:s7+s2], $0x80, v21, vm0, $0xb8;
	[tilespmem:$0x10480] =	vst v63  }
0x2ae: {  	s1 =	simm.s32 $0x8B80  }
0x2af: {  	[tilespmem:s1], [sflag:$0x1] =	stream.indirect_vreg.gather [hbm4b:s7+s2], $0x80, v18, vm0, $0xb8;
	[tilespmem:$0x10480] =	vst v63  }
0x2b0: {  	v18 =	vld [tilespmem:$0x110];
	_ =	sdelay $0x4  }
0x2b1: {  	v19 =	vshll.u32 v18, $0x7  }
0x2b2: {  	v18 =	vand.u32 $0x7, v18;
	v19 =	vand.u32 $0xFFFFFC00, v19  }
0x2b3: {  	v18 =	vor.u32 v18, v19  }
0x2b4: {  	v19 =	vperm.xlane v18, v2;
	_ =	sdelay $0x1  }
0x2b5: {  	v20 =	vperm.xlane v18, v4;
	v19 =	vadd.s32 v3, v19;
	_ =	sdelay $0x1  }
0x2b6: {  	v21 =	vperm.xlane v18, v5;
	v20 =	vadd.s32 v3, v20;
	_ =	sdelay $0x1  }
0x2b7: {  	s31 =	simm.s32 $0x8C00;
	v22 =	vperm.xlane v18, v6;
	v21 =	vadd.s32 v3, v21  }
0x2b8: {  	[tilespmem:s31], [sflag:$0x1] =	stream.indirect_vreg.gather [hbm4b:s7+s2], $0x80, v19, vm0, $0xb8;
	[tilespmem:$0x10480] =	vst v63  }
0x2b9: {  	s1 =	simm.s32 $0x8C80;
	v19 =	vadd.s32 v3, v22;
	v22 =	vperm.xlane v18, v7  }
0x2ba: {  	[tilespmem:s1], [sflag:$0x1] =	stream.indirect_vreg.gather [hbm4b:s7+s2], $0x80, v20, vm0, $0xb8;
	[tilespmem:$0x10480] =	vst v63  }
0x2bb: {  	s31 =	simm.s32 $0x8D00;
	v20 =	vadd.s32 v3, v22;
	v22 =	vperm.xlane v18, v8  }
0x2bc: {  	[tilespmem:s31], [sflag:$0x1] =	stream.indirect_vreg.gather [hbm4b:s7+s2], $0x80, v21, vm0, $0xb8;
	[tilespmem:$0x10480] =	vst v63  }
0x2bd: {  	s1 =	simm.s32 $0x8D80;
	v21 =	vadd.s32 v3, v22;
	v22 =	vperm.xlane v18, v9  }
0x2be: {  	[tilespmem:s1], [sflag:$0x1] =	stream.indirect_vreg.gather [hbm4b:s7+s2], $0x80, v19, vm0, $0xb8;
	[tilespmem:$0x10480] =	vst v63  }
0x2bf: {  	s31 =	simm.s32 $0x8E00;
	v19 =	vadd.s32 v3, v22;
	v22 =	vperm.xlane v18, v1  }
0x2c0: {  	[tilespmem:s31], [sflag:$0x1] =	stream.indirect_vreg.gather [hbm4b:s7+s2], $0x80, v20, vm0, $0xb8;
	[tilespmem:$0x10480] =	vst v63  }
0x2c1: {  	s1 =	simm.s32 $0x8E80;
	v20 =	vadd.s32 v3, v22;
	v22 =	vperm.xlane v18, v10  }
0x2c2: {  	[tilespmem:s1], [sflag:$0x1] =	stream.indirect_vreg.gather [hbm4b:s7+s2], $0x80, v21, vm0, $0xb8;
	[tilespmem:$0x10480] =	vst v63  }
0x2c3: {  	s31 =	simm.s32 $0x8F00;
	v21 =	vadd.s32 v3, v22;
	v22 =	vperm.xlane v18, v11  }
0x2c4: {  	[tilespmem:s31], [sflag:$0x1] =	stream.indirect_vreg.gather [hbm4b:s7+s2], $0x80, v19, vm0, $0xb8;
	[tilespmem:$0x10480] =	vst v63  }
0x2c5: {  	s1 =	simm.s32 $0x8F80;
	v19 =	vadd.s32 v3, v22;
	v22 =	vperm.xlane v18, v12  }
0x2c6: {  	[tilespmem:s1], [sflag:$0x1] =	stream.indirect_vreg.gather [hbm4b:s7+s2], $0x80, v20, vm0, $0xb8;
	[tilespmem:$0x10480] =	vst v63  }
0x2c7: {  	s31 =	simm.s32 $0x9000;
	v20 =	vadd.s32 v3, v22;
	v22 =	vperm.xlane v18, v13  }
0x2c8: {  	[tilespmem:s31], [sflag:$0x1] =	stream.indirect_vreg.gather [hbm4b:s7+s2], $0x80, v21, vm0, $0xb8;
	[tilespmem:$0x10480] =	vst v63  }
0x2c9: {  	s1 =	simm.s32 $0x9080;
	v21 =	vadd.s32 v3, v22;
	v22 =	vperm.xlane v18, v14  }
0x2ca: {  	[tilespmem:s1], [sflag:$0x1] =	stream.indirect_vreg.gather [hbm4b:s7+s2], $0x80, v19, vm0, $0xb8;
	[tilespmem:$0x10480] =	vst v63  }
0x2cb: {  	s31 =	simm.s32 $0x9100;
	v19 =	vadd.s32 v3, v22;
	v22 =	vperm.xlane v18, v15  }
0x2cc: {  	[tilespmem:s31], [sflag:$0x1] =	stream.indirect_vreg.gather [hbm4b:s7+s2], $0x80, v20, vm0, $0xb8;
	[tilespmem:$0x10480] =	vst v63  }
0x2cd: {  	s1 =	simm.s32 $0x9180;
	v20 =	vadd.s32 v3, v22;
	v22 =	vperm.xlane v18, v16  }
0x2ce: {  	[tilespmem:s1], [sflag:$0x1] =	stream.indirect_vreg.gather [hbm4b:s7+s2], $0x80, v21, vm0, $0xb8;
	[tilespmem:$0x10480] =	vst v63  }
0x2cf: {  	v18 =	vperm.xlane v18, v17;
	s31 =	simm.s32 $0x9200;
	v21 =	vadd.s32 v3, v22  }
0x2d0: {  	[tilespmem:s31], [sflag:$0x1] =	stream.indirect_vreg.gather [hbm4b:s7+s2], $0x80, v19, vm0, $0xb8;
	[tilespmem:$0x10480] =	vst v63  }
0x2d1: {  	v18 =	vadd.s32 v3, v18;
	s1 =	simm.s32 $0x9280  }
0x2d2: {  	[tilespmem:s1], [sflag:$0x1] =	stream.indirect_vreg.gather [hbm4b:s7+s2], $0x80, v20, vm0, $0xb8;
	[tilespmem:$0x10480] =	vst v63  }
0x2d3: {  	s31 =	simm.s32 $0x9300  }
0x2d4: {  	[tilespmem:s31], [sflag:$0x1] =	stream.indirect_vreg.gather [hbm4b:s7+s2], $0x80, v21, vm0, $0xb8;
	[tilespmem:$0x10480] =	vst v63  }
0x2d5: {  	s1 =	simm.s32 $0x9380  }
0x2d6: {  	[tilespmem:s1], [sflag:$0x1] =	stream.indirect_vreg.gather [hbm4b:s7+s2], $0x80, v18, vm0, $0xb8;
	[tilespmem:$0x10480] =	vst v63  }
0x2d7: {  	v18 =	vld [tilespmem:$0x120];
	_ =	sdelay $0x4  }
0x2d8: {  	v19 =	vshll.u32 v18, $0x7  }
0x2d9: {  	v18 =	vand.u32 $0x7, v18;
	v19 =	vand.u32 $0xFFFFFC00, v19  }
0x2da: {  	v18 =	vor.u32 v18, v19  }
0x2db: {  	v19 =	vperm.xlane v18, v2;
	_ =	sdelay $0x1  }
0x2dc: {  	v20 =	vperm.xlane v18, v4;
	v19 =	vadd.s32 v3, v19;
	_ =	sdelay $0x1  }
0x2dd: {  	v21 =	vperm.xlane v18, v5;
	v20 =	vadd.s32 v3, v20;
	_ =	sdelay $0x1  }
0x2de: {  	s31 =	simm.s32 $0x9400;
	v22 =	vperm.xlane v18, v6;
	v21 =	vadd.s32 v3, v21  }
0x2df: {  	[tilespmem:s31], [sflag:$0x1] =	stream.indirect_vreg.gather [hbm4b:s7+s2], $0x80, v19, vm0, $0xb8;
	[tilespmem:$0x10480] =	vst v63  }
0x2e0: {  	s1 =	simm.s32 $0x9480;
	v19 =	vadd.s32 v3, v22;
	v22 =	vperm.xlane v18, v7  }
0x2e1: {  	[tilespmem:s1], [sflag:$0x1] =	stream.indirect_vreg.gather [hbm4b:s7+s2], $0x80, v20, vm0, $0xb8;
	[tilespmem:$0x10480] =	vst v63  }
0x2e2: {  	s31 =	simm.s32 $0x9500;
	v20 =	vadd.s32 v3, v22;
	v22 =	vperm.xlane v18, v8  }
0x2e3: {  	[tilespmem:s31], [sflag:$0x1] =	stream.indirect_vreg.gather [hbm4b:s7+s2], $0x80, v21, vm0, $0xb8;
	[tilespmem:$0x10480] =	vst v63  }
0x2e4: {  	s1 =	simm.s32 $0x9580;
	v21 =	vadd.s32 v3, v22;
	v22 =	vperm.xlane v18, v9  }
0x2e5: {  	[tilespmem:s1], [sflag:$0x1] =	stream.indirect_vreg.gather [hbm4b:s7+s2], $0x80, v19, vm0, $0xb8;
	[tilespmem:$0x10480] =	vst v63  }
0x2e6: {  	s31 =	simm.s32 $0x9600;
	v19 =	vadd.s32 v3, v22;
	v22 =	vperm.xlane v18, v1  }
0x2e7: {  	[tilespmem:s31], [sflag:$0x1] =	stream.indirect_vreg.gather [hbm4b:s7+s2], $0x80, v20, vm0, $0xb8;
	[tilespmem:$0x10480] =	vst v63  }
0x2e8: {  	s1 =	simm.s32 $0x9680;
	v20 =	vadd.s32 v3, v22;
	v22 =	vperm.xlane v18, v10  }
0x2e9: {  	[tilespmem:s1], [sflag:$0x1] =	stream.indirect_vreg.gather [hbm4b:s7+s2], $0x80, v21, vm0, $0xb8;
	[tilespmem:$0x10480] =	vst v63  }
0x2ea: {  	s31 =	simm.s32 $0x9700;
	v21 =	vadd.s32 v3, v22;
	v22 =	vperm.xlane v18, v11  }
0x2eb: {  	[tilespmem:s31], [sflag:$0x1] =	stream.indirect_vreg.gather [hbm4b:s7+s2], $0x80, v19, vm0, $0xb8;
	[tilespmem:$0x10480] =	vst v63  }
0x2ec: {  	s1 =	simm.s32 $0x9780;
	v19 =	vadd.s32 v3, v22;
	v22 =	vperm.xlane v18, v12  }
0x2ed: {  	[tilespmem:s1], [sflag:$0x1] =	stream.indirect_vreg.gather [hbm4b:s7+s2], $0x80, v20, vm0, $0xb8;
	[tilespmem:$0x10480] =	vst v63  }
0x2ee: {  	s31 =	simm.s32 $0x9800;
	v20 =	vadd.s32 v3, v22;
	v22 =	vperm.xlane v18, v13  }
0x2ef: {  	[tilespmem:s31], [sflag:$0x1] =	stream.indirect_vreg.gather [hbm4b:s7+s2], $0x80, v21, vm0, $0xb8;
	[tilespmem:$0x10480] =	vst v63  }
0x2f0: {  	s1 =	simm.s32 $0x9880;
	v21 =	vadd.s32 v3, v22;
	v22 =	vperm.xlane v18, v14  }
0x2f1: {  	[tilespmem:s1], [sflag:$0x1] =	stream.indirect_vreg.gather [hbm4b:s7+s2], $0x80, v19, vm0, $0xb8;
	[tilespmem:$0x10480] =	vst v63  }
0x2f2: {  	s31 =	simm.s32 $0x9900;
	v19 =	vadd.s32 v3, v22;
	v22 =	vperm.xlane v18, v15  }
0x2f3: {  	[tilespmem:s31], [sflag:$0x1] =	stream.indirect_vreg.gather [hbm4b:s7+s2], $0x80, v20, vm0, $0xb8;
	[tilespmem:$0x10480] =	vst v63  }
0x2f4: {  	s1 =	simm.s32 $0x9980;
	v20 =	vadd.s32 v3, v22;
	v22 =	vperm.xlane v18, v16  }
0x2f5: {  	[tilespmem:s1], [sflag:$0x1] =	stream.indirect_vreg.gather [hbm4b:s7+s2], $0x80, v21, vm0, $0xb8;
	[tilespmem:$0x10480] =	vst v63  }
0x2f6: {  	v18 =	vperm.xlane v18, v17;
	s31 =	simm.s32 $0x9A00;
	v21 =	vadd.s32 v3, v22  }
0x2f7: {  	[tilespmem:s31], [sflag:$0x1] =	stream.indirect_vreg.gather [hbm4b:s7+s2], $0x80, v19, vm0, $0xb8;
	[tilespmem:$0x10480] =	vst v63  }
0x2f8: {  	v18 =	vadd.s32 v3, v18;
	s1 =	simm.s32 $0x9A80  }
0x2f9: {  	[tilespmem:s1], [sflag:$0x1] =	stream.indirect_vreg.gather [hbm4b:s7+s2], $0x80, v20, vm0, $0xb8;
	[tilespmem:$0x10480] =	vst v63  }
0x2fa: {  	s31 =	simm.s32 $0x9B00  }
0x2fb: {  	[tilespmem:s31], [sflag:$0x1] =	stream.indirect_vreg.gather [hbm4b:s7+s2], $0x80, v21, vm0, $0xb8;
	[tilespmem:$0x10480] =	vst v63  }
0x2fc: {  	s1 =	simm.s32 $0x9B80  }
0x2fd: {  	[tilespmem:s1], [sflag:$0x1] =	stream.indirect_vreg.gather [hbm4b:s7+s2], $0x80, v18, vm0, $0xb8;
	[tilespmem:$0x10480] =	vst v63  }
0x2fe: {  	v18 =	vld [tilespmem:$0x130];
	_ =	sdelay $0x4  }
0x2ff: {  	v19 =	vshll.u32 v18, $0x7  }
0x300: {  	v18 =	vand.u32 $0x7, v18;
	v19 =	vand.u32 $0xFFFFFC00, v19  }
0x301: {  	v18 =	vor.u32 v18, v19  }
0x302: {  	v19 =	vperm.xlane v18, v2;
	_ =	sdelay $0x1  }
0x303: {  	v20 =	vperm.xlane v18, v4;
	v19 =	vadd.s32 v3, v19;
	_ =	sdelay $0x1  }
0x304: {  	v21 =	vperm.xlane v18, v5;
	v20 =	vadd.s32 v3, v20;
	_ =	sdelay $0x1  }
0x305: {  	s31 =	simm.s32 $0x9C00;
	v22 =	vperm.xlane v18, v6;
	v21 =	vadd.s32 v3, v21  }
0x306: {  	[tilespmem:s31], [sflag:$0x1] =	stream.indirect_vreg.gather [hbm4b:s7+s2], $0x80, v19, vm0, $0xb8;
	[tilespmem:$0x10480] =	vst v63  }
0x307: {  	s1 =	simm.s32 $0x9C80;
	v19 =	vadd.s32 v3, v22;
	v22 =	vperm.xlane v18, v7  }
0x308: {  	[tilespmem:s1], [sflag:$0x1] =	stream.indirect_vreg.gather [hbm4b:s7+s2], $0x80, v20, vm0, $0xb8;
	[tilespmem:$0x10480] =	vst v63  }
0x309: {  	s31 =	simm.s32 $0x9D00;
	v20 =	vadd.s32 v3, v22;
	v22 =	vperm.xlane v18, v8  }
0x30a: {  	[tilespmem:s31], [sflag:$0x1] =	stream.indirect_vreg.gather [hbm4b:s7+s2], $0x80, v21, vm0, $0xb8;
	[tilespmem:$0x10480] =	vst v63  }
0x30b: {  	s1 =	simm.s32 $0x9D80;
	v21 =	vadd.s32 v3, v22;
	v22 =	vperm.xlane v18, v9  }
0x30c: {  	[tilespmem:s1], [sflag:$0x1] =	stream.indirect_vreg.gather [hbm4b:s7+s2], $0x80, v19, vm0, $0xb8;
	[tilespmem:$0x10480] =	vst v63  }
0x30d: {  	s31 =	simm.s32 $0x9E00;
	v19 =	vadd.s32 v3, v22;
	v22 =	vperm.xlane v18, v1  }
0x30e: {  	[tilespmem:s31], [sflag:$0x1] =	stream.indirect_vreg.gather [hbm4b:s7+s2], $0x80, v20, vm0, $0xb8;
	[tilespmem:$0x10480] =	vst v63  }
0x30f: {  	s1 =	simm.s32 $0x9E80;
	v20 =	vadd.s32 v3, v22;
	v22 =	vperm.xlane v18, v10  }
0x310: {  	[tilespmem:s1], [sflag:$0x1] =	stream.indirect_vreg.gather [hbm4b:s7+s2], $0x80, v21, vm0, $0xb8;
	[tilespmem:$0x10480] =	vst v63  }
0x311: {  	s31 =	simm.s32 $0x9F00;
	v21 =	vadd.s32 v3, v22;
	v22 =	vperm.xlane v18, v11  }
0x312: {  	[tilespmem:s31], [sflag:$0x1] =	stream.indirect_vreg.gather [hbm4b:s7+s2], $0x80, v19, vm0, $0xb8;
	[tilespmem:$0x10480] =	vst v63  }
0x313: {  	s1 =	simm.s32 $0x9F80;
	v19 =	vadd.s32 v3, v22;
	v22 =	vperm.xlane v18, v12  }
0x314: {  	[tilespmem:s1], [sflag:$0x1] =	stream.indirect_vreg.gather [hbm4b:s7+s2], $0x80, v20, vm0, $0xb8;
	[tilespmem:$0x10480] =	vst v63  }
0x315: {  	s31 =	simm.s32 $0xA000;
	v20 =	vadd.s32 v3, v22;
	v22 =	vperm.xlane v18, v13  }
0x316: {  	[tilespmem:s31], [sflag:$0x1] =	stream.indirect_vreg.gather [hbm4b:s7+s2], $0x80, v21, vm0, $0xb8;
	[tilespmem:$0x10480] =	vst v63  }
0x317: {  	s1 =	simm.s32 $0xA080;
	v21 =	vadd.s32 v3, v22;
	v22 =	vperm.xlane v18, v14  }
0x318: {  	[tilespmem:s1], [sflag:$0x1] =	stream.indirect_vreg.gather [hbm4b:s7+s2], $0x80, v19, vm0, $0xb8;
	[tilespmem:$0x10480] =	vst v63  }
0x319: {  	s31 =	simm.s32 $0xA100;
	v19 =	vadd.s32 v3, v22;
	v22 =	vperm.xlane v18, v15  }
0x31a: {  	[tilespmem:s31], [sflag:$0x1] =	stream.indirect_vreg.gather [hbm4b:s7+s2], $0x80, v20, vm0, $0xb8;
	[tilespmem:$0x10480] =	vst v63  }
0x31b: {  	s1 =	simm.s32 $0xA180;
	v20 =	vadd.s32 v3, v22;
	v22 =	vperm.xlane v18, v16  }
0x31c: {  	[tilespmem:s1], [sflag:$0x1] =	stream.indirect_vreg.gather [hbm4b:s7+s2], $0x80, v21, vm0, $0xb8;
	[tilespmem:$0x10480] =	vst v63  }
0x31d: {  	v18 =	vperm.xlane v18, v17;
	s31 =	simm.s32 $0xA200;
	v21 =	vadd.s32 v3, v22  }
0x31e: {  	[tilespmem:s31], [sflag:$0x1] =	stream.indirect_vreg.gather [hbm4b:s7+s2], $0x80, v19, vm0, $0xb8;
	[tilespmem:$0x10480] =	vst v63  }
0x31f: {  	v18 =	vadd.s32 v3, v18;
	s1 =	simm.s32 $0xA280  }
0x320: {  	[tilespmem:s1], [sflag:$0x1] =	stream.indirect_vreg.gather [hbm4b:s7+s2], $0x80, v20, vm0, $0xb8;
	[tilespmem:$0x10480] =	vst v63  }
0x321: {  	s31 =	simm.s32 $0xA300  }
0x322: {  	[tilespmem:s31], [sflag:$0x1] =	stream.indirect_vreg.gather [hbm4b:s7+s2], $0x80, v21, vm0, $0xb8;
	[tilespmem:$0x10480] =	vst v63  }
0x323: {  	s1 =	simm.s32 $0xA380  }
0x324: {  	[tilespmem:s1], [sflag:$0x1] =	stream.indirect_vreg.gather [hbm4b:s7+s2], $0x80, v18, vm0, $0xb8;
	[tilespmem:$0x10480] =	vst v63  }
0x325: {  	v18 =	vld [tilespmem:$0x140];
	_ =	sdelay $0x4  }
0x326: {  	v19 =	vshll.u32 v18, $0x7  }
0x327: {  	v18 =	vand.u32 $0x7, v18;
	v19 =	vand.u32 $0xFFFFFC00, v19  }
0x328: {  	v18 =	vor.u32 v18, v19  }
0x329: {  	v19 =	vperm.xlane v18, v2;
	_ =	sdelay $0x1  }
0x32a: {  	v20 =	vperm.xlane v18, v4;
	v19 =	vadd.s32 v3, v19;
	_ =	sdelay $0x1  }
0x32b: {  	v21 =	vperm.xlane v18, v5;
	v20 =	vadd.s32 v3, v20;
	_ =	sdelay $0x1  }
0x32c: {  	s31 =	simm.s32 $0xA400;
	v22 =	vperm.xlane v18, v6;
	v21 =	vadd.s32 v3, v21  }
0x32d: {  	[tilespmem:s31], [sflag:$0x1] =	stream.indirect_vreg.gather [hbm4b:s7+s2], $0x80, v19, vm0, $0xb8;
	[tilespmem:$0x10480] =	vst v63  }
0x32e: {  	s1 =	simm.s32 $0xA480;
	v19 =	vadd.s32 v3, v22;
	v22 =	vperm.xlane v18, v7  }
0x32f: {  	[tilespmem:s1], [sflag:$0x1] =	stream.indirect_vreg.gather [hbm4b:s7+s2], $0x80, v20, vm0, $0xb8;
	[tilespmem:$0x10480] =	vst v63  }
0x330: {  	s31 =	simm.s32 $0xA500;
	v20 =	vadd.s32 v3, v22;
	v22 =	vperm.xlane v18, v8  }
0x331: {  	[tilespmem:s31], [sflag:$0x1] =	stream.indirect_vreg.gather [hbm4b:s7+s2], $0x80, v21, vm0, $0xb8;
	[tilespmem:$0x10480] =	vst v63  }
0x332: {  	s1 =	simm.s32 $0xA580;
	v21 =	vadd.s32 v3, v22;
	v22 =	vperm.xlane v18, v9  }
0x333: {  	[tilespmem:s1], [sflag:$0x1] =	stream.indirect_vreg.gather [hbm4b:s7+s2], $0x80, v19, vm0, $0xb8;
	[tilespmem:$0x10480] =	vst v63  }
0x334: {  	s31 =	simm.s32 $0xA600;
	v19 =	vadd.s32 v3, v22;
	v22 =	vperm.xlane v18, v1  }
0x335: {  	[tilespmem:s31], [sflag:$0x1] =	stream.indirect_vreg.gather [hbm4b:s7+s2], $0x80, v20, vm0, $0xb8;
	[tilespmem:$0x10480] =	vst v63  }
0x336: {  	s1 =	simm.s32 $0xA680;
	v20 =	vadd.s32 v3, v22;
	v22 =	vperm.xlane v18, v10  }
0x337: {  	[tilespmem:s1], [sflag:$0x1] =	stream.indirect_vreg.gather [hbm4b:s7+s2], $0x80, v21, vm0, $0xb8;
	[tilespmem:$0x10480] =	vst v63  }
0x338: {  	s31 =	simm.s32 $0xA700;
	v21 =	vadd.s32 v3, v22;
	v22 =	vperm.xlane v18, v11  }
0x339: {  	[tilespmem:s31], [sflag:$0x1] =	stream.indirect_vreg.gather [hbm4b:s7+s2], $0x80, v19, vm0, $0xb8;
	[tilespmem:$0x10480] =	vst v63  }
0x33a: {  	s1 =	simm.s32 $0xA780;
	v19 =	vadd.s32 v3, v22;
	v22 =	vperm.xlane v18, v12  }
0x33b: {  	[tilespmem:s1], [sflag:$0x1] =	stream.indirect_vreg.gather [hbm4b:s7+s2], $0x80, v20, vm0, $0xb8;
	[tilespmem:$0x10480] =	vst v63  }
0x33c: {  	s31 =	simm.s32 $0xA800;
	v20 =	vadd.s32 v3, v22;
	v22 =	vperm.xlane v18, v13  }
0x33d: {  	[tilespmem:s31], [sflag:$0x1] =	stream.indirect_vreg.gather [hbm4b:s7+s2], $0x80, v21, vm0, $0xb8;
	[tilespmem:$0x10480] =	vst v63  }
0x33e: {  	s1 =	simm.s32 $0xA880;
	v21 =	vadd.s32 v3, v22;
	v22 =	vperm.xlane v18, v14  }
0x33f: {  	[tilespmem:s1], [sflag:$0x1] =	stream.indirect_vreg.gather [hbm4b:s7+s2], $0x80, v19, vm0, $0xb8;
	[tilespmem:$0x10480] =	vst v63  }
0x340: {  	s31 =	simm.s32 $0xA900;
	v19 =	vadd.s32 v3, v22;
	v22 =	vperm.xlane v18, v15  }
0x341: {  	[tilespmem:s31], [sflag:$0x1] =	stream.indirect_vreg.gather [hbm4b:s7+s2], $0x80, v20, vm0, $0xb8;
	[tilespmem:$0x10480] =	vst v63  }
0x342: {  	s1 =	simm.s32 $0xA980;
	v20 =	vadd.s32 v3, v22;
	v22 =	vperm.xlane v18, v16  }
0x343: {  	[tilespmem:s1], [sflag:$0x1] =	stream.indirect_vreg.gather [hbm4b:s7+s2], $0x80, v21, vm0, $0xb8;
	[tilespmem:$0x10480] =	vst v63  }
0x344: {  	v18 =	vperm.xlane v18, v17;
	s31 =	simm.s32 $0xAA00;
	v21 =	vadd.s32 v3, v22  }
0x345: {  	[tilespmem:s31], [sflag:$0x1] =	stream.indirect_vreg.gather [hbm4b:s7+s2], $0x80, v19, vm0, $0xb8;
	[tilespmem:$0x10480] =	vst v63  }
0x346: {  	v18 =	vadd.s32 v3, v18;
	s1 =	simm.s32 $0xAA80  }
0x347: {  	[tilespmem:s1], [sflag:$0x1] =	stream.indirect_vreg.gather [hbm4b:s7+s2], $0x80, v20, vm0, $0xb8;
	[tilespmem:$0x10480] =	vst v63  }
0x348: {  	s31 =	simm.s32 $0xAB00  }
0x349: {  	[tilespmem:s31], [sflag:$0x1] =	stream.indirect_vreg.gather [hbm4b:s7+s2], $0x80, v21, vm0, $0xb8;
	[tilespmem:$0x10480] =	vst v63  }
0x34a: {  	s1 =	simm.s32 $0xAB80  }
0x34b: {  	[tilespmem:s1], [sflag:$0x1] =	stream.indirect_vreg.gather [hbm4b:s7+s2], $0x80, v18, vm0, $0xb8;
	[tilespmem:$0x10480] =	vst v63  }
0x34c: {  	v18 =	vld [tilespmem:$0x150];
	_ =	sdelay $0x4  }
0x34d: {  	v19 =	vshll.u32 v18, $0x7  }
0x34e: {  	v18 =	vand.u32 $0x7, v18;
	v19 =	vand.u32 $0xFFFFFC00, v19  }
0x34f: {  	v18 =	vor.u32 v18, v19  }
0x350: {  	v19 =	vperm.xlane v18, v2;
	_ =	sdelay $0x1  }
0x351: {  	v20 =	vperm.xlane v18, v4;
	v19 =	vadd.s32 v3, v19;
	_ =	sdelay $0x1  }
0x352: {  	v21 =	vperm.xlane v18, v5;
	v20 =	vadd.s32 v3, v20;
	_ =	sdelay $0x1  }
0x353: {  	s31 =	simm.s32 $0xAC00;
	v22 =	vperm.xlane v18, v6;
	v21 =	vadd.s32 v3, v21  }
0x354: {  	[tilespmem:s31], [sflag:$0x1] =	stream.indirect_vreg.gather [hbm4b:s7+s2], $0x80, v19, vm0, $0xb8;
	[tilespmem:$0x10480] =	vst v63  }
0x355: {  	s1 =	simm.s32 $0xAC80;
	v19 =	vadd.s32 v3, v22;
	v22 =	vperm.xlane v18, v7  }
0x356: {  	[tilespmem:s1], [sflag:$0x1] =	stream.indirect_vreg.gather [hbm4b:s7+s2], $0x80, v20, vm0, $0xb8;
	[tilespmem:$0x10480] =	vst v63  }
0x357: {  	s31 =	simm.s32 $0xAD00;
	v20 =	vadd.s32 v3, v22;
	v22 =	vperm.xlane v18, v8  }
0x358: {  	[tilespmem:s31], [sflag:$0x1] =	stream.indirect_vreg.gather [hbm4b:s7+s2], $0x80, v21, vm0, $0xb8;
	[tilespmem:$0x10480] =	vst v63  }
0x359: {  	s1 =	simm.s32 $0xAD80;
	v21 =	vadd.s32 v3, v22;
	v22 =	vperm.xlane v18, v9  }
0x35a: {  	[tilespmem:s1], [sflag:$0x1] =	stream.indirect_vreg.gather [hbm4b:s7+s2], $0x80, v19, vm0, $0xb8;
	[tilespmem:$0x10480] =	vst v63  }
0x35b: {  	s31 =	simm.s32 $0xAE00;
	v19 =	vadd.s32 v3, v22;
	v22 =	vperm.xlane v18, v1  }
0x35c: {  	[tilespmem:s31], [sflag:$0x1] =	stream.indirect_vreg.gather [hbm4b:s7+s2], $0x80, v20, vm0, $0xb8;
	[tilespmem:$0x10480] =	vst v63  }
0x35d: {  	s1 =	simm.s32 $0xAE80;
	v20 =	vadd.s32 v3, v22;
	v22 =	vperm.xlane v18, v10  }
0x35e: {  	[tilespmem:s1], [sflag:$0x1] =	stream.indirect_vreg.gather [hbm4b:s7+s2], $0x80, v21, vm0, $0xb8;
	[tilespmem:$0x10480] =	vst v63  }
0x35f: {  	s31 =	simm.s32 $0xAF00;
	v21 =	vadd.s32 v3, v22;
	v22 =	vperm.xlane v18, v11  }
0x360: {  	[tilespmem:s31], [sflag:$0x1] =	stream.indirect_vreg.gather [hbm4b:s7+s2], $0x80, v19, vm0, $0xb8;
	[tilespmem:$0x10480] =	vst v63  }
0x361: {  	s1 =	simm.s32 $0xAF80;
	v19 =	vadd.s32 v3, v22;
	v22 =	vperm.xlane v18, v12  }
0x362: {  	[tilespmem:s1], [sflag:$0x1] =	stream.indirect_vreg.gather [hbm4b:s7+s2], $0x80, v20, vm0, $0xb8;
	[tilespmem:$0x10480] =	vst v63  }
0x363: {  	s31 =	simm.s32 $0xB000;
	v20 =	vadd.s32 v3, v22;
	v22 =	vperm.xlane v18, v13  }
0x364: {  	[tilespmem:s31], [sflag:$0x1] =	stream.indirect_vreg.gather [hbm4b:s7+s2], $0x80, v21, vm0, $0xb8;
	[tilespmem:$0x10480] =	vst v63  }
0x365: {  	s1 =	simm.s32 $0xB080;
	v21 =	vadd.s32 v3, v22;
	v22 =	vperm.xlane v18, v14  }
0x366: {  	[tilespmem:s1], [sflag:$0x1] =	stream.indirect_vreg.gather [hbm4b:s7+s2], $0x80, v19, vm0, $0xb8;
	[tilespmem:$0x10480] =	vst v63  }
0x367: {  	s31 =	simm.s32 $0xB100;
	v19 =	vadd.s32 v3, v22;
	v22 =	vperm.xlane v18, v15  }
0x368: {  	[tilespmem:s31], [sflag:$0x1] =	stream.indirect_vreg.gather [hbm4b:s7+s2], $0x80, v20, vm0, $0xb8;
	[tilespmem:$0x10480] =	vst v63  }
0x369: {  	s1 =	simm.s32 $0xB180;
	v20 =	vadd.s32 v3, v22;
	v22 =	vperm.xlane v18, v16  }
0x36a: {  	[tilespmem:s1], [sflag:$0x1] =	stream.indirect_vreg.gather [hbm4b:s7+s2], $0x80, v21, vm0, $0xb8;
	[tilespmem:$0x10480] =	vst v63  }
0x36b: {  	v18 =	vperm.xlane v18, v17;
	s31 =	simm.s32 $0xB200;
	v21 =	vadd.s32 v3, v22  }
0x36c: {  	[tilespmem:s31], [sflag:$0x1] =	stream.indirect_vreg.gather [hbm4b:s7+s2], $0x80, v19, vm0, $0xb8;
	[tilespmem:$0x10480] =	vst v63  }
0x36d: {  	v18 =	vadd.s32 v3, v18;
	s1 =	simm.s32 $0xB280  }
0x36e: {  	[tilespmem:s1], [sflag:$0x1] =	stream.indirect_vreg.gather [hbm4b:s7+s2], $0x80, v20, vm0, $0xb8;
	[tilespmem:$0x10480] =	vst v63  }
0x36f: {  	s31 =	simm.s32 $0xB300  }
0x370: {  	[tilespmem:s31], [sflag:$0x1] =	stream.indirect_vreg.gather [hbm4b:s7+s2], $0x80, v21, vm0, $0xb8;
	[tilespmem:$0x10480] =	vst v63  }
0x371: {  	s1 =	simm.s32 $0xB380  }
0x372: {  	[tilespmem:s1], [sflag:$0x1] =	stream.indirect_vreg.gather [hbm4b:s7+s2], $0x80, v18, vm0, $0xb8;
	[tilespmem:$0x10480] =	vst v63  }
0x373: {  	v18 =	vld [tilespmem:$0x160];
	_ =	sdelay $0x4  }
0x374: {  	v19 =	vshll.u32 v18, $0x7  }
0x375: {  	v18 =	vand.u32 $0x7, v18;
	v19 =	vand.u32 $0xFFFFFC00, v19  }
0x376: {  	v18 =	vor.u32 v18, v19  }
0x377: {  	v19 =	vperm.xlane v18, v2;
	_ =	sdelay $0x1  }
0x378: {  	v20 =	vperm.xlane v18, v4;
	v19 =	vadd.s32 v3, v19;
	_ =	sdelay $0x1  }
0x379: {  	v21 =	vperm.xlane v18, v5;
	v20 =	vadd.s32 v3, v20;
	_ =	sdelay $0x1  }
0x37a: {  	s31 =	simm.s32 $0xB400;
	v22 =	vperm.xlane v18, v6;
	v21 =	vadd.s32 v3, v21  }
0x37b: {  	[tilespmem:s31], [sflag:$0x1] =	stream.indirect_vreg.gather [hbm4b:s7+s2], $0x80, v19, vm0, $0xb8;
	[tilespmem:$0x10480] =	vst v63  }
0x37c: {  	s1 =	simm.s32 $0xB480;
	v19 =	vadd.s32 v3, v22;
	v22 =	vperm.xlane v18, v7  }
0x37d: {  	[tilespmem:s1], [sflag:$0x1] =	stream.indirect_vreg.gather [hbm4b:s7+s2], $0x80, v20, vm0, $0xb8;
	[tilespmem:$0x10480] =	vst v63  }
0x37e: {  	s31 =	simm.s32 $0xB500;
	v20 =	vadd.s32 v3, v22;
	v22 =	vperm.xlane v18, v8  }
0x37f: {  	[tilespmem:s31], [sflag:$0x1] =	stream.indirect_vreg.gather [hbm4b:s7+s2], $0x80, v21, vm0, $0xb8;
	[tilespmem:$0x10480] =	vst v63  }
0x380: {  	s1 =	simm.s32 $0xB580;
	v21 =	vadd.s32 v3, v22;
	v22 =	vperm.xlane v18, v9  }
0x381: {  	[tilespmem:s1], [sflag:$0x1] =	stream.indirect_vreg.gather [hbm4b:s7+s2], $0x80, v19, vm0, $0xb8;
	[tilespmem:$0x10480] =	vst v63  }
0x382: {  	s31 =	simm.s32 $0xB600;
	v19 =	vadd.s32 v3, v22;
	v22 =	vperm.xlane v18, v1  }
0x383: {  	[tilespmem:s31], [sflag:$0x1] =	stream.indirect_vreg.gather [hbm4b:s7+s2], $0x80, v20, vm0, $0xb8;
	[tilespmem:$0x10480] =	vst v63  }
0x384: {  	s1 =	simm.s32 $0xB680;
	v20 =	vadd.s32 v3, v22;
	v22 =	vperm.xlane v18, v10  }
0x385: {  	[tilespmem:s1], [sflag:$0x1] =	stream.indirect_vreg.gather [hbm4b:s7+s2], $0x80, v21, vm0, $0xb8;
	[tilespmem:$0x10480] =	vst v63  }
0x386: {  	s31 =	simm.s32 $0xB700;
	v21 =	vadd.s32 v3, v22;
	v22 =	vperm.xlane v18, v11  }
0x387: {  	[tilespmem:s31], [sflag:$0x1] =	stream.indirect_vreg.gather [hbm4b:s7+s2], $0x80, v19, vm0, $0xb8;
	[tilespmem:$0x10480] =	vst v63  }
0x388: {  	s1 =	simm.s32 $0xB780;
	v19 =	vadd.s32 v3, v22;
	v22 =	vperm.xlane v18, v12  }
0x389: {  	[tilespmem:s1], [sflag:$0x1] =	stream.indirect_vreg.gather [hbm4b:s7+s2], $0x80, v20, vm0, $0xb8;
	[tilespmem:$0x10480] =	vst v63  }
0x38a: {  	s31 =	simm.s32 $0xB800;
	v20 =	vadd.s32 v3, v22;
	v22 =	vperm.xlane v18, v13  }
0x38b: {  	[tilespmem:s31], [sflag:$0x1] =	stream.indirect_vreg.gather [hbm4b:s7+s2], $0x80, v21, vm0, $0xb8;
	[tilespmem:$0x10480] =	vst v63  }
0x38c: {  	s1 =	simm.s32 $0xB880;
	v21 =	vadd.s32 v3, v22;
	v22 =	vperm.xlane v18, v14  }
0x38d: {  	[tilespmem:s1], [sflag:$0x1] =	stream.indirect_vreg.gather [hbm4b:s7+s2], $0x80, v19, vm0, $0xb8;
	[tilespmem:$0x10480] =	vst v63  }
0x38e: {  	s31 =	simm.s32 $0xB900;
	v19 =	vadd.s32 v3, v22;
	v22 =	vperm.xlane v18, v15  }
0x38f: {  	[tilespmem:s31], [sflag:$0x1] =	stream.indirect_vreg.gather [hbm4b:s7+s2], $0x80, v20, vm0, $0xb8;
	[tilespmem:$0x10480] =	vst v63  }
0x390: {  	s1 =	simm.s32 $0xB980;
	v20 =	vadd.s32 v3, v22;
	v22 =	vperm.xlane v18, v16  }
0x391: {  	[tilespmem:s1], [sflag:$0x1] =	stream.indirect_vreg.gather [hbm4b:s7+s2], $0x80, v21, vm0, $0xb8;
	[tilespmem:$0x10480] =	vst v63  }
0x392: {  	v18 =	vperm.xlane v18, v17;
	s31 =	simm.s32 $0xBA00;
	v21 =	vadd.s32 v3, v22  }
0x393: {  	[tilespmem:s31], [sflag:$0x1] =	stream.indirect_vreg.gather [hbm4b:s7+s2], $0x80, v19, vm0, $0xb8;
	[tilespmem:$0x10480] =	vst v63  }
0x394: {  	v18 =	vadd.s32 v3, v18;
	s1 =	simm.s32 $0xBA80  }
0x395: {  	[tilespmem:s1], [sflag:$0x1] =	stream.indirect_vreg.gather [hbm4b:s7+s2], $0x80, v20, vm0, $0xb8;
	[tilespmem:$0x10480] =	vst v63  }
0x396: {  	s31 =	simm.s32 $0xBB00  }
0x397: {  	[tilespmem:s31], [sflag:$0x1] =	stream.indirect_vreg.gather [hbm4b:s7+s2], $0x80, v21, vm0, $0xb8;
	[tilespmem:$0x10480] =	vst v63  }
0x398: {  	s1 =	simm.s32 $0xBB80  }
0x399: {  	[tilespmem:s1], [sflag:$0x1] =	stream.indirect_vreg.gather [hbm4b:s7+s2], $0x80, v18, vm0, $0xb8;
	[tilespmem:$0x10480] =	vst v63  }
0x39a: {  	v18 =	vld [tilespmem:$0x170];
	_ =	sdelay $0x4  }
0x39b: {  	v19 =	vshll.u32 v18, $0x7  }
0x39c: {  	v18 =	vand.u32 $0x7, v18;
	v19 =	vand.u32 $0xFFFFFC00, v19  }
0x39d: {  	v18 =	vor.u32 v18, v19  }
0x39e: {  	v19 =	vperm.xlane v18, v2;
	_ =	sdelay $0x1  }
0x39f: {  	v20 =	vperm.xlane v18, v4;
	v19 =	vadd.s32 v3, v19;
	_ =	sdelay $0x1  }
0x3a0: {  	v21 =	vperm.xlane v18, v5;
	v20 =	vadd.s32 v3, v20;
	_ =	sdelay $0x1  }
0x3a1: {  	s31 =	simm.s32 $0xBC00;
	v22 =	vperm.xlane v18, v6;
	v21 =	vadd.s32 v3, v21  }
0x3a2: {  	[tilespmem:s31], [sflag:$0x1] =	stream.indirect_vreg.gather [hbm4b:s7+s2], $0x80, v19, vm0, $0xb8;
	[tilespmem:$0x10480] =	vst v63  }
0x3a3: {  	s1 =	simm.s32 $0xBC80;
	v19 =	vadd.s32 v3, v22;
	v22 =	vperm.xlane v18, v7  }
0x3a4: {  	[tilespmem:s1], [sflag:$0x1] =	stream.indirect_vreg.gather [hbm4b:s7+s2], $0x80, v20, vm0, $0xb8;
	[tilespmem:$0x10480] =	vst v63  }
0x3a5: {  	s31 =	simm.s32 $0xBD00;
	v20 =	vadd.s32 v3, v22;
	v22 =	vperm.xlane v18, v8  }
0x3a6: {  	[tilespmem:s31], [sflag:$0x1] =	stream.indirect_vreg.gather [hbm4b:s7+s2], $0x80, v21, vm0, $0xb8;
	[tilespmem:$0x10480] =	vst v63  }
0x3a7: {  	s1 =	simm.s32 $0xBD80;
	v21 =	vadd.s32 v3, v22;
	v22 =	vperm.xlane v18, v9  }
0x3a8: {  	[tilespmem:s1], [sflag:$0x1] =	stream.indirect_vreg.gather [hbm4b:s7+s2], $0x80, v19, vm0, $0xb8;
	[tilespmem:$0x10480] =	vst v63  }
0x3a9: {  	s31 =	simm.s32 $0xBE00;
	v19 =	vadd.s32 v3, v22;
	v22 =	vperm.xlane v18, v1  }
0x3aa: {  	[tilespmem:s31], [sflag:$0x1] =	stream.indirect_vreg.gather [hbm4b:s7+s2], $0x80, v20, vm0, $0xb8;
	[tilespmem:$0x10480] =	vst v63  }
0x3ab: {  	s1 =	simm.s32 $0xBE80;
	v20 =	vadd.s32 v3, v22;
	v22 =	vperm.xlane v18, v10  }
0x3ac: {  	[tilespmem:s1], [sflag:$0x1] =	stream.indirect_vreg.gather [hbm4b:s7+s2], $0x80, v21, vm0, $0xb8;
	[tilespmem:$0x10480] =	vst v63  }
0x3ad: {  	s31 =	simm.s32 $0xBF00;
	v21 =	vadd.s32 v3, v22;
	v22 =	vperm.xlane v18, v11  }
0x3ae: {  	[tilespmem:s31], [sflag:$0x1] =	stream.indirect_vreg.gather [hbm4b:s7+s2], $0x80, v19, vm0, $0xb8;
	[tilespmem:$0x10480] =	vst v63  }
0x3af: {  	s1 =	simm.s32 $0xBF80;
	v19 =	vadd.s32 v3, v22;
	v22 =	vperm.xlane v18, v12  }
0x3b0: {  	[tilespmem:s1], [sflag:$0x1] =	stream.indirect_vreg.gather [hbm4b:s7+s2], $0x80, v20, vm0, $0xb8;
	[tilespmem:$0x10480] =	vst v63  }
0x3b1: {  	s31 =	simm.s32 $0xC000;
	v20 =	vadd.s32 v3, v22;
	v22 =	vperm.xlane v18, v13  }
0x3b2: {  	[tilespmem:s31], [sflag:$0x1] =	stream.indirect_vreg.gather [hbm4b:s7+s2], $0x80, v21, vm0, $0xb8;
	[tilespmem:$0x10480] =	vst v63  }
0x3b3: {  	s1 =	simm.s32 $0xC080;
	v21 =	vadd.s32 v3, v22;
	v22 =	vperm.xlane v18, v14  }
0x3b4: {  	[tilespmem:s1], [sflag:$0x1] =	stream.indirect_vreg.gather [hbm4b:s7+s2], $0x80, v19, vm0, $0xb8;
	[tilespmem:$0x10480] =	vst v63  }
0x3b5: {  	s31 =	simm.s32 $0xC100;
	v19 =	vadd.s32 v3, v22;
	v22 =	vperm.xlane v18, v15  }
0x3b6: {  	[tilespmem:s31], [sflag:$0x1] =	stream.indirect_vreg.gather [hbm4b:s7+s2], $0x80, v20, vm0, $0xb8;
	[tilespmem:$0x10480] =	vst v63  }
0x3b7: {  	s1 =	simm.s32 $0xC180;
	v20 =	vadd.s32 v3, v22;
	v22 =	vperm.xlane v18, v16  }
0x3b8: {  	[tilespmem:s1], [sflag:$0x1] =	stream.indirect_vreg.gather [hbm4b:s7+s2], $0x80, v21, vm0, $0xb8;
	[tilespmem:$0x10480] =	vst v63  }
0x3b9: {  	v18 =	vperm.xlane v18, v17;
	s31 =	simm.s32 $0xC200;
	v21 =	vadd.s32 v3, v22  }
0x3ba: {  	[tilespmem:s31], [sflag:$0x1] =	stream.indirect_vreg.gather [hbm4b:s7+s2], $0x80, v19, vm0, $0xb8;
	[tilespmem:$0x10480] =	vst v63  }
0x3bb: {  	v18 =	vadd.s32 v3, v18;
	s1 =	simm.s32 $0xC280  }
0x3bc: {  	[tilespmem:s1], [sflag:$0x1] =	stream.indirect_vreg.gather [hbm4b:s7+s2], $0x80, v20, vm0, $0xb8;
	[tilespmem:$0x10480] =	vst v63  }
0x3bd: {  	s31 =	simm.s32 $0xC300  }
0x3be: {  	[tilespmem:s31], [sflag:$0x1] =	stream.indirect_vreg.gather [hbm4b:s7+s2], $0x80, v21, vm0, $0xb8;
	[tilespmem:$0x10480] =	vst v63  }
0x3bf: {  	s1 =	simm.s32 $0xC380  }
0x3c0: {  	[tilespmem:s1], [sflag:$0x1] =	stream.indirect_vreg.gather [hbm4b:s7+s2], $0x80, v18, vm0, $0xb8;
	[tilespmem:$0x10480] =	vst v63  }
0x3c1: {  	v18 =	vld [tilespmem:$0x180];
	_ =	sdelay $0x4  }
0x3c2: {  	v19 =	vshll.u32 v18, $0x7  }
0x3c3: {  	v18 =	vand.u32 $0x7, v18;
	v19 =	vand.u32 $0xFFFFFC00, v19  }
0x3c4: {  	v18 =	vor.u32 v18, v19  }
0x3c5: {  	v19 =	vperm.xlane v18, v2;
	_ =	sdelay $0x1  }
0x3c6: {  	v20 =	vperm.xlane v18, v4;
	v19 =	vadd.s32 v3, v19;
	_ =	sdelay $0x1  }
0x3c7: {  	v21 =	vperm.xlane v18, v5;
	v20 =	vadd.s32 v3, v20;
	_ =	sdelay $0x1  }
0x3c8: {  	s31 =	simm.s32 $0xC400;
	v22 =	vperm.xlane v18, v6;
	v21 =	vadd.s32 v3, v21  }
0x3c9: {  	[tilespmem:s31], [sflag:$0x1] =	stream.indirect_vreg.gather [hbm4b:s8+s2], $0x80, v19, vm0, $0xb8;
	[tilespmem:$0x10480] =	vst v63  }
0x3ca: {  	s1 =	simm.s32 $0xC480;
	v19 =	vadd.s32 v3, v22;
	v22 =	vperm.xlane v18, v7  }
0x3cb: {  	[tilespmem:s1], [sflag:$0x1] =	stream.indirect_vreg.gather [hbm4b:s8+s2], $0x80, v20, vm0, $0xb8;
	[tilespmem:$0x10480] =	vst v63  }
0x3cc: {  	s31 =	simm.s32 $0xC500;
	v20 =	vadd.s32 v3, v22;
	v22 =	vperm.xlane v18, v8  }
0x3cd: {  	[tilespmem:s31], [sflag:$0x1] =	stream.indirect_vreg.gather [hbm4b:s8+s2], $0x80, v21, vm0, $0xb8;
	[tilespmem:$0x10480] =	vst v63  }
0x3ce: {  	s1 =	simm.s32 $0xC580;
	v21 =	vadd.s32 v3, v22;
	v22 =	vperm.xlane v18, v9  }
0x3cf: {  	[tilespmem:s1], [sflag:$0x1] =	stream.indirect_vreg.gather [hbm4b:s8+s2], $0x80, v19, vm0, $0xb8;
	[tilespmem:$0x10480] =	vst v63  }
0x3d0: {  	s31 =	simm.s32 $0xC600;
	v19 =	vadd.s32 v3, v22;
	v22 =	vperm.xlane v18, v1  }
0x3d1: {  	[tilespmem:s31], [sflag:$0x1] =	stream.indirect_vreg.gather [hbm4b:s8+s2], $0x80, v20, vm0, $0xb8;
	[tilespmem:$0x10480] =	vst v63  }
0x3d2: {  	s1 =	simm.s32 $0xC680;
	v20 =	vadd.s32 v3, v22;
	v22 =	vperm.xlane v18, v10  }
0x3d3: {  	[tilespmem:s1], [sflag:$0x1] =	stream.indirect_vreg.gather [hbm4b:s8+s2], $0x80, v21, vm0, $0xb8;
	[tilespmem:$0x10480] =	vst v63  }
0x3d4: {  	s31 =	simm.s32 $0xC700;
	v21 =	vadd.s32 v3, v22;
	v22 =	vperm.xlane v18, v11  }
0x3d5: {  	[tilespmem:s31], [sflag:$0x1] =	stream.indirect_vreg.gather [hbm4b:s8+s2], $0x80, v19, vm0, $0xb8;
	[tilespmem:$0x10480] =	vst v63  }
0x3d6: {  	s1 =	simm.s32 $0xC780;
	v19 =	vadd.s32 v3, v22;
	v22 =	vperm.xlane v18, v12  }
0x3d7: {  	[tilespmem:s1], [sflag:$0x1] =	stream.indirect_vreg.gather [hbm4b:s8+s2], $0x80, v20, vm0, $0xb8;
	[tilespmem:$0x10480] =	vst v63  }
0x3d8: {  	s31 =	simm.s32 $0xC800;
	v20 =	vadd.s32 v3, v22;
	v22 =	vperm.xlane v18, v13  }
0x3d9: {  	[tilespmem:s31], [sflag:$0x1] =	stream.indirect_vreg.gather [hbm4b:s8+s2], $0x80, v21, vm0, $0xb8;
	[tilespmem:$0x10480] =	vst v63  }
0x3da: {  	s1 =	simm.s32 $0xC880;
	v21 =	vadd.s32 v3, v22;
	v22 =	vperm.xlane v18, v14  }
0x3db: {  	[tilespmem:s1], [sflag:$0x1] =	stream.indirect_vreg.gather [hbm4b:s8+s2], $0x80, v19, vm0, $0xb8;
	[tilespmem:$0x10480] =	vst v63  }
0x3dc: {  	s31 =	simm.s32 $0xC900;
	v19 =	vadd.s32 v3, v22;
	v22 =	vperm.xlane v18, v15  }
0x3dd: {  	[tilespmem:s31], [sflag:$0x1] =	stream.indirect_vreg.gather [hbm4b:s8+s2], $0x80, v20, vm0, $0xb8;
	[tilespmem:$0x10480] =	vst v63  }
0x3de: {  	s1 =	simm.s32 $0xC980;
	v20 =	vadd.s32 v3, v22;
	v22 =	vperm.xlane v18, v16  }
0x3df: {  	[tilespmem:s1], [sflag:$0x1] =	stream.indirect_vreg.gather [hbm4b:s8+s2], $0x80, v21, vm0, $0xb8;
	[tilespmem:$0x10480] =	vst v63  }
0x3e0: {  	v18 =	vperm.xlane v18, v17;
	s31 =	simm.s32 $0xCA00;
	v21 =	vadd.s32 v3, v22  }
0x3e1: {  	[tilespmem:s31], [sflag:$0x1] =	stream.indirect_vreg.gather [hbm4b:s8+s2], $0x80, v19, vm0, $0xb8;
	[tilespmem:$0x10480] =	vst v63  }
0x3e2: {  	v18 =	vadd.s32 v3, v18;
	s1 =	simm.s32 $0xCA80  }
0x3e3: {  	[tilespmem:s1], [sflag:$0x1] =	stream.indirect_vreg.gather [hbm4b:s8+s2], $0x80, v20, vm0, $0xb8;
	[tilespmem:$0x10480] =	vst v63  }
0x3e4: {  	s31 =	simm.s32 $0xCB00  }
0x3e5: {  	[tilespmem:s31], [sflag:$0x1] =	stream.indirect_vreg.gather [hbm4b:s8+s2], $0x80, v21, vm0, $0xb8;
	[tilespmem:$0x10480] =	vst v63  }
0x3e6: {  	s1 =	simm.s32 $0xCB80  }
0x3e7: {  	[tilespmem:s1], [sflag:$0x1] =	stream.indirect_vreg.gather [hbm4b:s8+s2], $0x80, v18, vm0, $0xb8;
	[tilespmem:$0x10480] =	vst v63  }
0x3e8: {  	v18 =	vld [tilespmem:$0x190];
	_ =	sdelay $0x4  }
0x3e9: {  	v19 =	vshll.u32 v18, $0x7  }
0x3ea: {  	v18 =	vand.u32 $0x7, v18;
	v19 =	vand.u32 $0xFFFFFC00, v19  }
0x3eb: {  	v18 =	vor.u32 v18, v19  }
0x3ec: {  	v19 =	vperm.xlane v18, v2;
	_ =	sdelay $0x1  }
0x3ed: {  	v20 =	vperm.xlane v18, v4;
	v19 =	vadd.s32 v3, v19;
	_ =	sdelay $0x1  }
0x3ee: {  	v21 =	vperm.xlane v18, v5;
	v20 =	vadd.s32 v3, v20;
	_ =	sdelay $0x1  }
0x3ef: {  	s31 =	simm.s32 $0xCC00;
	v22 =	vperm.xlane v18, v6;
	v21 =	vadd.s32 v3, v21  }
0x3f0: {  	[tilespmem:s31], [sflag:$0x1] =	stream.indirect_vreg.gather [hbm4b:s8+s2], $0x80, v19, vm0, $0xb8;
	[tilespmem:$0x10480] =	vst v63  }
0x3f1: {  	s1 =	simm.s32 $0xCC80;
	v19 =	vadd.s32 v3, v22;
	v22 =	vperm.xlane v18, v7  }
0x3f2: {  	[tilespmem:s1], [sflag:$0x1] =	stream.indirect_vreg.gather [hbm4b:s8+s2], $0x80, v20, vm0, $0xb8;
	[tilespmem:$0x10480] =	vst v63  }
0x3f3: {  	s31 =	simm.s32 $0xCD00;
	v20 =	vadd.s32 v3, v22;
	v22 =	vperm.xlane v18, v8  }
0x3f4: {  	[tilespmem:s31], [sflag:$0x1] =	stream.indirect_vreg.gather [hbm4b:s8+s2], $0x80, v21, vm0, $0xb8;
	[tilespmem:$0x10480] =	vst v63  }
0x3f5: {  	s1 =	simm.s32 $0xCD80;
	v21 =	vadd.s32 v3, v22;
	v22 =	vperm.xlane v18, v9  }
0x3f6: {  	[tilespmem:s1], [sflag:$0x1] =	stream.indirect_vreg.gather [hbm4b:s8+s2], $0x80, v19, vm0, $0xb8;
	[tilespmem:$0x10480] =	vst v63  }
0x3f7: {  	s31 =	simm.s32 $0xCE00;
	v19 =	vadd.s32 v3, v22;
	v22 =	vperm.xlane v18, v1  }
0x3f8: {  	[tilespmem:s31], [sflag:$0x1] =	stream.indirect_vreg.gather [hbm4b:s8+s2], $0x80, v20, vm0, $0xb8;
	[tilespmem:$0x10480] =	vst v63  }
0x3f9: {  	s1 =	simm.s32 $0xCE80;
	v20 =	vadd.s32 v3, v22;
	v22 =	vperm.xlane v18, v10  }
0x3fa: {  	[tilespmem:s1], [sflag:$0x1] =	stream.indirect_vreg.gather [hbm4b:s8+s2], $0x80, v21, vm0, $0xb8;
	[tilespmem:$0x10480] =	vst v63  }
0x3fb: {  	s31 =	simm.s32 $0xCF00;
	v21 =	vadd.s32 v3, v22;
	v22 =	vperm.xlane v18, v11  }
0x3fc: {  	[tilespmem:s31], [sflag:$0x1] =	stream.indirect_vreg.gather [hbm4b:s8+s2], $0x80, v19, vm0, $0xb8;
	[tilespmem:$0x10480] =	vst v63  }
0x3fd: {  	s1 =	simm.s32 $0xCF80;
	v19 =	vadd.s32 v3, v22;
	v22 =	vperm.xlane v18, v12  }
0x3fe: {  	[tilespmem:s1], [sflag:$0x1] =	stream.indirect_vreg.gather [hbm4b:s8+s2], $0x80, v20, vm0, $0xb8;
	[tilespmem:$0x10480] =	vst v63  }
0x3ff: {  	s31 =	simm.s32 $0xD000;
	v20 =	vadd.s32 v3, v22;
	v22 =	vperm.xlane v18, v13  }
0x400: {  	[tilespmem:s31], [sflag:$0x1] =	stream.indirect_vreg.gather [hbm4b:s8+s2], $0x80, v21, vm0, $0xb8;
	[tilespmem:$0x10480] =	vst v63  }
0x401: {  	s1 =	simm.s32 $0xD080;
	v21 =	vadd.s32 v3, v22;
	v22 =	vperm.xlane v18, v14  }
0x402: {  	[tilespmem:s1], [sflag:$0x1] =	stream.indirect_vreg.gather [hbm4b:s8+s2], $0x80, v19, vm0, $0xb8;
	[tilespmem:$0x10480] =	vst v63  }
0x403: {  	s31 =	simm.s32 $0xD100;
	v19 =	vadd.s32 v3, v22;
	v22 =	vperm.xlane v18, v15  }
0x404: {  	[tilespmem:s31], [sflag:$0x1] =	stream.indirect_vreg.gather [hbm4b:s8+s2], $0x80, v20, vm0, $0xb8;
	[tilespmem:$0x10480] =	vst v63  }
0x405: {  	s1 =	simm.s32 $0xD180;
	v20 =	vadd.s32 v3, v22;
	v22 =	vperm.xlane v18, v16  }
0x406: {  	[tilespmem:s1], [sflag:$0x1] =	stream.indirect_vreg.gather [hbm4b:s8+s2], $0x80, v21, vm0, $0xb8;
	[tilespmem:$0x10480] =	vst v63  }
0x407: {  	v18 =	vperm.xlane v18, v17;
	s31 =	simm.s32 $0xD200;
	v21 =	vadd.s32 v3, v22  }
0x408: {  	[tilespmem:s31], [sflag:$0x1] =	stream.indirect_vreg.gather [hbm4b:s8+s2], $0x80, v19, vm0, $0xb8;
	[tilespmem:$0x10480] =	vst v63  }
0x409: {  	v18 =	vadd.s32 v3, v18;
	s1 =	simm.s32 $0xD280  }
0x40a: {  	[tilespmem:s1], [sflag:$0x1] =	stream.indirect_vreg.gather [hbm4b:s8+s2], $0x80, v20, vm0, $0xb8;
	[tilespmem:$0x10480] =	vst v63  }
0x40b: {  	s31 =	simm.s32 $0xD300  }
0x40c: {  	[tilespmem:s31], [sflag:$0x1] =	stream.indirect_vreg.gather [hbm4b:s8+s2], $0x80, v21, vm0, $0xb8;
	[tilespmem:$0x10480] =	vst v63  }
0x40d: {  	s1 =	simm.s32 $0xD380  }
0x40e: {  	[tilespmem:s1], [sflag:$0x1] =	stream.indirect_vreg.gather [hbm4b:s8+s2], $0x80, v18, vm0, $0xb8;
	[tilespmem:$0x10480] =	vst v63  }
0x40f: {  	v18 =	vld [tilespmem:$0x1A0];
	_ =	sdelay $0x4  }
0x410: {  	v19 =	vshll.u32 v18, $0x7  }
0x411: {  	v18 =	vand.u32 $0x7, v18;
	v19 =	vand.u32 $0xFFFFFC00, v19  }
0x412: {  	v18 =	vor.u32 v18, v19  }
0x413: {  	v19 =	vperm.xlane v18, v2;
	_ =	sdelay $0x1  }
0x414: {  	v20 =	vperm.xlane v18, v4;
	v19 =	vadd.s32 v3, v19;
	_ =	sdelay $0x1  }
0x415: {  	v21 =	vperm.xlane v18, v5;
	v20 =	vadd.s32 v3, v20;
	_ =	sdelay $0x1  }
0x416: {  	s31 =	simm.s32 $0xD400;
	v22 =	vperm.xlane v18, v6;
	v21 =	vadd.s32 v3, v21  }
0x417: {  	[tilespmem:s31], [sflag:$0x1] =	stream.indirect_vreg.gather [hbm4b:s8+s2], $0x80, v19, vm0, $0xb8;
	[tilespmem:$0x10480] =	vst v63  }
0x418: {  	s1 =	simm.s32 $0xD480;
	v19 =	vadd.s32 v3, v22;
	v22 =	vperm.xlane v18, v7  }
0x419: {  	[tilespmem:s1], [sflag:$0x1] =	stream.indirect_vreg.gather [hbm4b:s8+s2], $0x80, v20, vm0, $0xb8;
	[tilespmem:$0x10480] =	vst v63  }
0x41a: {  	s31 =	simm.s32 $0xD500;
	v20 =	vadd.s32 v3, v22;
	v22 =	vperm.xlane v18, v8  }
0x41b: {  	[tilespmem:s31], [sflag:$0x1] =	stream.indirect_vreg.gather [hbm4b:s8+s2], $0x80, v21, vm0, $0xb8;
	[tilespmem:$0x10480] =	vst v63  }
0x41c: {  	s1 =	simm.s32 $0xD580;
	v21 =	vadd.s32 v3, v22;
	v22 =	vperm.xlane v18, v9  }
0x41d: {  	[tilespmem:s1], [sflag:$0x1] =	stream.indirect_vreg.gather [hbm4b:s8+s2], $0x80, v19, vm0, $0xb8;
	[tilespmem:$0x10480] =	vst v63  }
0x41e: {  	s31 =	simm.s32 $0xD600;
	v19 =	vadd.s32 v3, v22;
	v22 =	vperm.xlane v18, v1  }
0x41f: {  	[tilespmem:s31], [sflag:$0x1] =	stream.indirect_vreg.gather [hbm4b:s8+s2], $0x80, v20, vm0, $0xb8;
	[tilespmem:$0x10480] =	vst v63  }
0x420: {  	s1 =	simm.s32 $0xD680;
	v20 =	vadd.s32 v3, v22;
	v22 =	vperm.xlane v18, v10  }
0x421: {  	[tilespmem:s1], [sflag:$0x1] =	stream.indirect_vreg.gather [hbm4b:s8+s2], $0x80, v21, vm0, $0xb8;
	[tilespmem:$0x10480] =	vst v63  }
0x422: {  	s31 =	simm.s32 $0xD700;
	v21 =	vadd.s32 v3, v22;
	v22 =	vperm.xlane v18, v11  }
0x423: {  	[tilespmem:s31], [sflag:$0x1] =	stream.indirect_vreg.gather [hbm4b:s8+s2], $0x80, v19, vm0, $0xb8;
	[tilespmem:$0x10480] =	vst v63  }
0x424: {  	s1 =	simm.s32 $0xD780;
	v19 =	vadd.s32 v3, v22;
	v22 =	vperm.xlane v18, v12  }
0x425: {  	[tilespmem:s1], [sflag:$0x1] =	stream.indirect_vreg.gather [hbm4b:s8+s2], $0x80, v20, vm0, $0xb8;
	[tilespmem:$0x10480] =	vst v63  }
0x426: {  	s31 =	simm.s32 $0xD800;
	v20 =	vadd.s32 v3, v22;
	v22 =	vperm.xlane v18, v13  }
0x427: {  	[tilespmem:s31], [sflag:$0x1] =	stream.indirect_vreg.gather [hbm4b:s8+s2], $0x80, v21, vm0, $0xb8;
	[tilespmem:$0x10480] =	vst v63  }
0x428: {  	s1 =	simm.s32 $0xD880;
	v21 =	vadd.s32 v3, v22;
	v22 =	vperm.xlane v18, v14  }
0x429: {  	[tilespmem:s1], [sflag:$0x1] =	stream.indirect_vreg.gather [hbm4b:s8+s2], $0x80, v19, vm0, $0xb8;
	[tilespmem:$0x10480] =	vst v63  }
0x42a: {  	s31 =	simm.s32 $0xD900;
	v19 =	vadd.s32 v3, v22;
	v22 =	vperm.xlane v18, v15  }
0x42b: {  	[tilespmem:s31], [sflag:$0x1] =	stream.indirect_vreg.gather [hbm4b:s8+s2], $0x80, v20, vm0, $0xb8;
	[tilespmem:$0x10480] =	vst v63  }
0x42c: {  	s1 =	simm.s32 $0xD980;
	v20 =	vadd.s32 v3, v22;
	v22 =	vperm.xlane v18, v16  }
0x42d: {  	[tilespmem:s1], [sflag:$0x1] =	stream.indirect_vreg.gather [hbm4b:s8+s2], $0x80, v21, vm0, $0xb8;
	[tilespmem:$0x10480] =	vst v63  }
0x42e: {  	v18 =	vperm.xlane v18, v17;
	s31 =	simm.s32 $0xDA00;
	v21 =	vadd.s32 v3, v22  }
0x42f: {  	[tilespmem:s31], [sflag:$0x1] =	stream.indirect_vreg.gather [hbm4b:s8+s2], $0x80, v19, vm0, $0xb8;
	[tilespmem:$0x10480] =	vst v63  }
0x430: {  	v18 =	vadd.s32 v3, v18;
	s1 =	simm.s32 $0xDA80  }
0x431: {  	[tilespmem:s1], [sflag:$0x1] =	stream.indirect_vreg.gather [hbm4b:s8+s2], $0x80, v20, vm0, $0xb8;
	[tilespmem:$0x10480] =	vst v63  }
0x432: {  	s31 =	simm.s32 $0xDB00  }
0x433: {  	[tilespmem:s31], [sflag:$0x1] =	stream.indirect_vreg.gather [hbm4b:s8+s2], $0x80, v21, vm0, $0xb8;
	[tilespmem:$0x10480] =	vst v63  }
0x434: {  	s1 =	simm.s32 $0xDB80  }
0x435: {  	[tilespmem:s1], [sflag:$0x1] =	stream.indirect_vreg.gather [hbm4b:s8+s2], $0x80, v18, vm0, $0xb8;
	[tilespmem:$0x10480] =	vst v63  }
0x436: {  	v18 =	vld [tilespmem:$0x1B0];
	_ =	sdelay $0x4  }
0x437: {  	v19 =	vshll.u32 v18, $0x7  }
0x438: {  	v18 =	vand.u32 $0x7, v18;
	v19 =	vand.u32 $0xFFFFFC00, v19  }
0x439: {  	v18 =	vor.u32 v18, v19  }
0x43a: {  	v19 =	vperm.xlane v18, v2;
	_ =	sdelay $0x1  }
0x43b: {  	v20 =	vperm.xlane v18, v4;
	v19 =	vadd.s32 v3, v19;
	_ =	sdelay $0x1  }
0x43c: {  	v21 =	vperm.xlane v18, v5;
	v20 =	vadd.s32 v3, v20;
	_ =	sdelay $0x1  }
0x43d: {  	s31 =	simm.s32 $0xDC00;
	v22 =	vperm.xlane v18, v6;
	v21 =	vadd.s32 v3, v21  }
0x43e: {  	[tilespmem:s31], [sflag:$0x1] =	stream.indirect_vreg.gather [hbm4b:s8+s2], $0x80, v19, vm0, $0xb8;
	[tilespmem:$0x10480] =	vst v63  }
0x43f: {  	s1 =	simm.s32 $0xDC80;
	v19 =	vadd.s32 v3, v22;
	v22 =	vperm.xlane v18, v7  }
0x440: {  	[tilespmem:s1], [sflag:$0x1] =	stream.indirect_vreg.gather [hbm4b:s8+s2], $0x80, v20, vm0, $0xb8;
	[tilespmem:$0x10480] =	vst v63  }
0x441: {  	s31 =	simm.s32 $0xDD00;
	v20 =	vadd.s32 v3, v22;
	v22 =	vperm.xlane v18, v8  }
0x442: {  	[tilespmem:s31], [sflag:$0x1] =	stream.indirect_vreg.gather [hbm4b:s8+s2], $0x80, v21, vm0, $0xb8;
	[tilespmem:$0x10480] =	vst v63  }
0x443: {  	s1 =	simm.s32 $0xDD80;
	v21 =	vadd.s32 v3, v22;
	v22 =	vperm.xlane v18, v9  }
0x444: {  	[tilespmem:s1], [sflag:$0x1] =	stream.indirect_vreg.gather [hbm4b:s8+s2], $0x80, v19, vm0, $0xb8;
	[tilespmem:$0x10480] =	vst v63  }
0x445: {  	s31 =	simm.s32 $0xDE00;
	v19 =	vadd.s32 v3, v22;
	v22 =	vperm.xlane v18, v1  }
0x446: {  	[tilespmem:s31], [sflag:$0x1] =	stream.indirect_vreg.gather [hbm4b:s8+s2], $0x80, v20, vm0, $0xb8;
	[tilespmem:$0x10480] =	vst v63  }
0x447: {  	s1 =	simm.s32 $0xDE80;
	v20 =	vadd.s32 v3, v22;
	v22 =	vperm.xlane v18, v10  }
0x448: {  	[tilespmem:s1], [sflag:$0x1] =	stream.indirect_vreg.gather [hbm4b:s8+s2], $0x80, v21, vm0, $0xb8;
	[tilespmem:$0x10480] =	vst v63  }
0x449: {  	s31 =	simm.s32 $0xDF00;
	v21 =	vadd.s32 v3, v22;
	v22 =	vperm.xlane v18, v11  }
0x44a: {  	[tilespmem:s31], [sflag:$0x1] =	stream.indirect_vreg.gather [hbm4b:s8+s2], $0x80, v19, vm0, $0xb8;
	[tilespmem:$0x10480] =	vst v63  }
0x44b: {  	s1 =	simm.s32 $0xDF80;
	v19 =	vadd.s32 v3, v22;
	v22 =	vperm.xlane v18, v12  }
0x44c: {  	[tilespmem:s1], [sflag:$0x1] =	stream.indirect_vreg.gather [hbm4b:s8+s2], $0x80, v20, vm0, $0xb8;
	[tilespmem:$0x10480] =	vst v63  }
0x44d: {  	s31 =	simm.s32 $0xE000;
	v20 =	vadd.s32 v3, v22;
	v22 =	vperm.xlane v18, v13  }
0x44e: {  	[tilespmem:s31], [sflag:$0x1] =	stream.indirect_vreg.gather [hbm4b:s8+s2], $0x80, v21, vm0, $0xb8;
	[tilespmem:$0x10480] =	vst v63  }
0x44f: {  	s1 =	simm.s32 $0xE080;
	v21 =	vadd.s32 v3, v22;
	v22 =	vperm.xlane v18, v14  }
0x450: {  	[tilespmem:s1], [sflag:$0x1] =	stream.indirect_vreg.gather [hbm4b:s8+s2], $0x80, v19, vm0, $0xb8;
	[tilespmem:$0x10480] =	vst v63  }
0x451: {  	s31 =	simm.s32 $0xE100;
	v19 =	vadd.s32 v3, v22;
	v22 =	vperm.xlane v18, v15  }
0x452: {  	[tilespmem:s31], [sflag:$0x1] =	stream.indirect_vreg.gather [hbm4b:s8+s2], $0x80, v20, vm0, $0xb8;
	[tilespmem:$0x10480] =	vst v63  }
0x453: {  	s1 =	simm.s32 $0xE180;
	v20 =	vadd.s32 v3, v22;
	v22 =	vperm.xlane v18, v16  }
0x454: {  	[tilespmem:s1], [sflag:$0x1] =	stream.indirect_vreg.gather [hbm4b:s8+s2], $0x80, v21, vm0, $0xb8;
	[tilespmem:$0x10480] =	vst v63  }
0x455: {  	v18 =	vperm.xlane v18, v17;
	s31 =	simm.s32 $0xE200;
	v21 =	vadd.s32 v3, v22  }
0x456: {  	[tilespmem:s31], [sflag:$0x1] =	stream.indirect_vreg.gather [hbm4b:s8+s2], $0x80, v19, vm0, $0xb8;
	[tilespmem:$0x10480] =	vst v63  }
0x457: {  	v18 =	vadd.s32 v3, v18;
	s1 =	simm.s32 $0xE280  }
0x458: {  	[tilespmem:s1], [sflag:$0x1] =	stream.indirect_vreg.gather [hbm4b:s8+s2], $0x80, v20, vm0, $0xb8;
	[tilespmem:$0x10480] =	vst v63  }
0x459: {  	s31 =	simm.s32 $0xE300  }
0x45a: {  	[tilespmem:s31], [sflag:$0x1] =	stream.indirect_vreg.gather [hbm4b:s8+s2], $0x80, v21, vm0, $0xb8;
	[tilespmem:$0x10480] =	vst v63  }
0x45b: {  	s1 =	simm.s32 $0xE380  }
0x45c: {  	[tilespmem:s1], [sflag:$0x1] =	stream.indirect_vreg.gather [hbm4b:s8+s2], $0x80, v18, vm0, $0xb8;
	[tilespmem:$0x10480] =	vst v63  }
0x45d: {  	v18 =	vld [tilespmem:$0x1C0];
	_ =	sdelay $0x4  }
0x45e: {  	v19 =	vshll.u32 v18, $0x7  }
0x45f: {  	v18 =	vand.u32 $0x7, v18;
	v19 =	vand.u32 $0xFFFFFC00, v19  }
0x460: {  	v18 =	vor.u32 v18, v19  }
0x461: {  	v19 =	vperm.xlane v18, v2;
	_ =	sdelay $0x1  }
0x462: {  	v20 =	vperm.xlane v18, v4;
	v19 =	vadd.s32 v3, v19;
	_ =	sdelay $0x1  }
0x463: {  	v21 =	vperm.xlane v18, v5;
	v20 =	vadd.s32 v3, v20;
	_ =	sdelay $0x1  }
0x464: {  	s31 =	simm.s32 $0xE400;
	v22 =	vperm.xlane v18, v6;
	v21 =	vadd.s32 v3, v21  }
0x465: {  	[tilespmem:s31], [sflag:$0x1] =	stream.indirect_vreg.gather [hbm4b:s8+s2], $0x80, v19, vm0, $0xb8;
	[tilespmem:$0x10480] =	vst v63  }
0x466: {  	s1 =	simm.s32 $0xE480;
	v19 =	vadd.s32 v3, v22;
	v22 =	vperm.xlane v18, v7  }
0x467: {  	[tilespmem:s1], [sflag:$0x1] =	stream.indirect_vreg.gather [hbm4b:s8+s2], $0x80, v20, vm0, $0xb8;
	[tilespmem:$0x10480] =	vst v63  }
0x468: {  	s31 =	simm.s32 $0xE500;
	v20 =	vadd.s32 v3, v22;
	v22 =	vperm.xlane v18, v8  }
0x469: {  	[tilespmem:s31], [sflag:$0x1] =	stream.indirect_vreg.gather [hbm4b:s8+s2], $0x80, v21, vm0, $0xb8;
	[tilespmem:$0x10480] =	vst v63  }
0x46a: {  	s1 =	simm.s32 $0xE580;
	v21 =	vadd.s32 v3, v22;
	v22 =	vperm.xlane v18, v9  }
0x46b: {  	[tilespmem:s1], [sflag:$0x1] =	stream.indirect_vreg.gather [hbm4b:s8+s2], $0x80, v19, vm0, $0xb8;
	[tilespmem:$0x10480] =	vst v63  }
0x46c: {  	s31 =	simm.s32 $0xE600;
	v19 =	vadd.s32 v3, v22;
	v22 =	vperm.xlane v18, v1  }
0x46d: {  	[tilespmem:s31], [sflag:$0x1] =	stream.indirect_vreg.gather [hbm4b:s8+s2], $0x80, v20, vm0, $0xb8;
	[tilespmem:$0x10480] =	vst v63  }
0x46e: {  	s1 =	simm.s32 $0xE680;
	v20 =	vadd.s32 v3, v22;
	v22 =	vperm.xlane v18, v10  }
0x46f: {  	[tilespmem:s1], [sflag:$0x1] =	stream.indirect_vreg.gather [hbm4b:s8+s2], $0x80, v21, vm0, $0xb8;
	[tilespmem:$0x10480] =	vst v63  }
0x470: {  	s31 =	simm.s32 $0xE700;
	v21 =	vadd.s32 v3, v22;
	v22 =	vperm.xlane v18, v11  }
0x471: {  	[tilespmem:s31], [sflag:$0x1] =	stream.indirect_vreg.gather [hbm4b:s8+s2], $0x80, v19, vm0, $0xb8;
	[tilespmem:$0x10480] =	vst v63  }
0x472: {  	s1 =	simm.s32 $0xE780;
	v19 =	vadd.s32 v3, v22;
	v22 =	vperm.xlane v18, v12  }
0x473: {  	[tilespmem:s1], [sflag:$0x1] =	stream.indirect_vreg.gather [hbm4b:s8+s2], $0x80, v20, vm0, $0xb8;
	[tilespmem:$0x10480] =	vst v63  }
0x474: {  	s31 =	simm.s32 $0xE800;
	v20 =	vadd.s32 v3, v22;
	v22 =	vperm.xlane v18, v13  }
0x475: {  	[tilespmem:s31], [sflag:$0x1] =	stream.indirect_vreg.gather [hbm4b:s8+s2], $0x80, v21, vm0, $0xb8;
	[tilespmem:$0x10480] =	vst v63  }
0x476: {  	s1 =	simm.s32 $0xE880;
	v21 =	vadd.s32 v3, v22;
	v22 =	vperm.xlane v18, v14  }
0x477: {  	[tilespmem:s1], [sflag:$0x1] =	stream.indirect_vreg.gather [hbm4b:s8+s2], $0x80, v19, vm0, $0xb8;
	[tilespmem:$0x10480] =	vst v63  }
0x478: {  	s31 =	simm.s32 $0xE900;
	v19 =	vadd.s32 v3, v22;
	v22 =	vperm.xlane v18, v15  }
0x479: {  	[tilespmem:s31], [sflag:$0x1] =	stream.indirect_vreg.gather [hbm4b:s8+s2], $0x80, v20, vm0, $0xb8;
	[tilespmem:$0x10480] =	vst v63  }
0x47a: {  	s1 =	simm.s32 $0xE980;
	v20 =	vadd.s32 v3, v22;
	v22 =	vperm.xlane v18, v16  }
0x47b: {  	[tilespmem:s1], [sflag:$0x1] =	stream.indirect_vreg.gather [hbm4b:s8+s2], $0x80, v21, vm0, $0xb8;
	[tilespmem:$0x10480] =	vst v63  }
0x47c: {  	v18 =	vperm.xlane v18, v17;
	s31 =	simm.s32 $0xEA00;
	v21 =	vadd.s32 v3, v22  }
0x47d: {  	[tilespmem:s31], [sflag:$0x1] =	stream.indirect_vreg.gather [hbm4b:s8+s2], $0x80, v19, vm0, $0xb8;
	[tilespmem:$0x10480] =	vst v63  }
0x47e: {  	v18 =	vadd.s32 v3, v18;
	s1 =	simm.s32 $0xEA80  }
0x47f: {  	[tilespmem:s1], [sflag:$0x1] =	stream.indirect_vreg.gather [hbm4b:s8+s2], $0x80, v20, vm0, $0xb8;
	[tilespmem:$0x10480] =	vst v63  }
0x480: {  	s31 =	simm.s32 $0xEB00  }
0x481: {  	[tilespmem:s31], [sflag:$0x1] =	stream.indirect_vreg.gather [hbm4b:s8+s2], $0x80, v21, vm0, $0xb8;
	[tilespmem:$0x10480] =	vst v63  }
0x482: {  	s1 =	simm.s32 $0xEB80  }
0x483: {  	[tilespmem:s1], [sflag:$0x1] =	stream.indirect_vreg.gather [hbm4b:s8+s2], $0x80, v18, vm0, $0xb8;
	[tilespmem:$0x10480] =	vst v63  }
0x484: {  	v18 =	vld [tilespmem:$0x1D0];
	_ =	sdelay $0x4  }
0x485: {  	v19 =	vshll.u32 v18, $0x7  }
0x486: {  	v18 =	vand.u32 $0x7, v18;
	v19 =	vand.u32 $0xFFFFFC00, v19  }
0x487: {  	v18 =	vor.u32 v18, v19  }
0x488: {  	v19 =	vperm.xlane v18, v2;
	_ =	sdelay $0x1  }
0x489: {  	v20 =	vperm.xlane v18, v4;
	v19 =	vadd.s32 v3, v19;
	_ =	sdelay $0x1  }
0x48a: {  	v21 =	vperm.xlane v18, v5;
	v20 =	vadd.s32 v3, v20;
	_ =	sdelay $0x1  }
0x48b: {  	s31 =	simm.s32 $0xEC00;
	v22 =	vperm.xlane v18, v6;
	v21 =	vadd.s32 v3, v21  }
0x48c: {  	[tilespmem:s31], [sflag:$0x1] =	stream.indirect_vreg.gather [hbm4b:s8+s2], $0x80, v19, vm0, $0xb8;
	[tilespmem:$0x10480] =	vst v63  }
0x48d: {  	s1 =	simm.s32 $0xEC80;
	v19 =	vadd.s32 v3, v22;
	v22 =	vperm.xlane v18, v7  }
0x48e: {  	[tilespmem:s1], [sflag:$0x1] =	stream.indirect_vreg.gather [hbm4b:s8+s2], $0x80, v20, vm0, $0xb8;
	[tilespmem:$0x10480] =	vst v63  }
0x48f: {  	s31 =	simm.s32 $0xED00;
	v20 =	vadd.s32 v3, v22;
	v22 =	vperm.xlane v18, v8  }
0x490: {  	[tilespmem:s31], [sflag:$0x1] =	stream.indirect_vreg.gather [hbm4b:s8+s2], $0x80, v21, vm0, $0xb8;
	[tilespmem:$0x10480] =	vst v63  }
0x491: {  	s1 =	simm.s32 $0xED80;
	v21 =	vadd.s32 v3, v22;
	v22 =	vperm.xlane v18, v9  }
0x492: {  	[tilespmem:s1], [sflag:$0x1] =	stream.indirect_vreg.gather [hbm4b:s8+s2], $0x80, v19, vm0, $0xb8;
	[tilespmem:$0x10480] =	vst v63  }
0x493: {  	s31 =	simm.s32 $0xEE00;
	v19 =	vadd.s32 v3, v22;
	v22 =	vperm.xlane v18, v1  }
0x494: {  	[tilespmem:s31], [sflag:$0x1] =	stream.indirect_vreg.gather [hbm4b:s8+s2], $0x80, v20, vm0, $0xb8;
	[tilespmem:$0x10480] =	vst v63  }
0x495: {  	s1 =	simm.s32 $0xEE80;
	v20 =	vadd.s32 v3, v22;
	v22 =	vperm.xlane v18, v10  }
0x496: {  	[tilespmem:s1], [sflag:$0x1] =	stream.indirect_vreg.gather [hbm4b:s8+s2], $0x80, v21, vm0, $0xb8;
	[tilespmem:$0x10480] =	vst v63  }
0x497: {  	s31 =	simm.s32 $0xEF00;
	v21 =	vadd.s32 v3, v22;
	v22 =	vperm.xlane v18, v11  }
0x498: {  	[tilespmem:s31], [sflag:$0x1] =	stream.indirect_vreg.gather [hbm4b:s8+s2], $0x80, v19, vm0, $0xb8;
	[tilespmem:$0x10480] =	vst v63  }
0x499: {  	s1 =	simm.s32 $0xEF80;
	v19 =	vadd.s32 v3, v22;
	v22 =	vperm.xlane v18, v12  }
0x49a: {  	[tilespmem:s1], [sflag:$0x1] =	stream.indirect_vreg.gather [hbm4b:s8+s2], $0x80, v20, vm0, $0xb8;
	[tilespmem:$0x10480] =	vst v63  }
0x49b: {  	s31 =	simm.s32 $0xF000;
	v20 =	vadd.s32 v3, v22;
	v22 =	vperm.xlane v18, v13  }
0x49c: {  	[tilespmem:s31], [sflag:$0x1] =	stream.indirect_vreg.gather [hbm4b:s8+s2], $0x80, v21, vm0, $0xb8;
	[tilespmem:$0x10480] =	vst v63  }
0x49d: {  	s1 =	simm.s32 $0xF080;
	v21 =	vadd.s32 v3, v22;
	v22 =	vperm.xlane v18, v14  }
0x49e: {  	[tilespmem:s1], [sflag:$0x1] =	stream.indirect_vreg.gather [hbm4b:s8+s2], $0x80, v19, vm0, $0xb8;
	[tilespmem:$0x10480] =	vst v63  }
0x49f: {  	s31 =	simm.s32 $0xF100;
	v19 =	vadd.s32 v3, v22;
	v22 =	vperm.xlane v18, v15  }
0x4a0: {  	[tilespmem:s31], [sflag:$0x1] =	stream.indirect_vreg.gather [hbm4b:s8+s2], $0x80, v20, vm0, $0xb8;
	[tilespmem:$0x10480] =	vst v63  }
0x4a1: {  	s1 =	simm.s32 $0xF180;
	v20 =	vadd.s32 v3, v22;
	v22 =	vperm.xlane v18, v16  }
0x4a2: {  	[tilespmem:s1], [sflag:$0x1] =	stream.indirect_vreg.gather [hbm4b:s8+s2], $0x80, v21, vm0, $0xb8;
	[tilespmem:$0x10480] =	vst v63  }
0x4a3: {  	v18 =	vperm.xlane v18, v17;
	s31 =	simm.s32 $0xF200;
	v21 =	vadd.s32 v3, v22  }
0x4a4: {  	[tilespmem:s31], [sflag:$0x1] =	stream.indirect_vreg.gather [hbm4b:s8+s2], $0x80, v19, vm0, $0xb8;
	[tilespmem:$0x10480] =	vst v63  }
0x4a5: {  	v18 =	vadd.s32 v3, v18;
	s1 =	simm.s32 $0xF280  }
0x4a6: {  	[tilespmem:s1], [sflag:$0x1] =	stream.indirect_vreg.gather [hbm4b:s8+s2], $0x80, v20, vm0, $0xb8;
	[tilespmem:$0x10480] =	vst v63  }
0x4a7: {  	s31 =	simm.s32 $0xF300  }
0x4a8: {  	[tilespmem:s31], [sflag:$0x1] =	stream.indirect_vreg.gather [hbm4b:s8+s2], $0x80, v21, vm0, $0xb8;
	[tilespmem:$0x10480] =	vst v63  }
0x4a9: {  	s1 =	simm.s32 $0xF380  }
0x4aa: {  	[tilespmem:s1], [sflag:$0x1] =	stream.indirect_vreg.gather [hbm4b:s8+s2], $0x80, v18, vm0, $0xb8;
	[tilespmem:$0x10480] =	vst v63  }
0x4ab: {  	v18 =	vld [tilespmem:$0x1E0];
	_ =	sdelay $0x4  }
0x4ac: {  	v19 =	vshll.u32 v18, $0x7  }
0x4ad: {  	v18 =	vand.u32 $0x7, v18;
	v19 =	vand.u32 $0xFFFFFC00, v19  }
0x4ae: {  	v18 =	vor.u32 v18, v19  }
0x4af: {  	v19 =	vperm.xlane v18, v2;
	_ =	sdelay $0x1  }
0x4b0: {  	v20 =	vperm.xlane v18, v4;
	v19 =	vadd.s32 v3, v19;
	_ =	sdelay $0x1  }
0x4b1: {  	v21 =	vperm.xlane v18, v5;
	v20 =	vadd.s32 v3, v20;
	_ =	sdelay $0x1  }
0x4b2: {  	s31 =	simm.s32 $0xF400;
	v22 =	vperm.xlane v18, v6;
	v21 =	vadd.s32 v3, v21  }
0x4b3: {  	[tilespmem:s31], [sflag:$0x1] =	stream.indirect_vreg.gather [hbm4b:s8+s2], $0x80, v19, vm0, $0xb8;
	[tilespmem:$0x10480] =	vst v63  }
0x4b4: {  	s1 =	simm.s32 $0xF480;
	v19 =	vadd.s32 v3, v22;
	v22 =	vperm.xlane v18, v7  }
0x4b5: {  	[tilespmem:s1], [sflag:$0x1] =	stream.indirect_vreg.gather [hbm4b:s8+s2], $0x80, v20, vm0, $0xb8;
	[tilespmem:$0x10480] =	vst v63  }
0x4b6: {  	s31 =	simm.s32 $0xF500;
	v20 =	vadd.s32 v3, v22;
	v22 =	vperm.xlane v18, v8  }
0x4b7: {  	[tilespmem:s31], [sflag:$0x1] =	stream.indirect_vreg.gather [hbm4b:s8+s2], $0x80, v21, vm0, $0xb8;
	[tilespmem:$0x10480] =	vst v63  }
0x4b8: {  	s1 =	simm.s32 $0xF580;
	v21 =	vadd.s32 v3, v22;
	v22 =	vperm.xlane v18, v9  }
0x4b9: {  	[tilespmem:s1], [sflag:$0x1] =	stream.indirect_vreg.gather [hbm4b:s8+s2], $0x80, v19, vm0, $0xb8;
	[tilespmem:$0x10480] =	vst v63  }
0x4ba: {  	s31 =	simm.s32 $0xF600;
	v19 =	vadd.s32 v3, v22;
	v22 =	vperm.xlane v18, v1  }
0x4bb: {  	[tilespmem:s31], [sflag:$0x1] =	stream.indirect_vreg.gather [hbm4b:s8+s2], $0x80, v20, vm0, $0xb8;
	[tilespmem:$0x10480] =	vst v63  }
0x4bc: {  	s1 =	simm.s32 $0xF680;
	v20 =	vadd.s32 v3, v22;
	v22 =	vperm.xlane v18, v10  }
0x4bd: {  	[tilespmem:s1], [sflag:$0x1] =	stream.indirect_vreg.gather [hbm4b:s8+s2], $0x80, v21, vm0, $0xb8;
	[tilespmem:$0x10480] =	vst v63  }
0x4be: {  	s31 =	simm.s32 $0xF700;
	v21 =	vadd.s32 v3, v22;
	v22 =	vperm.xlane v18, v11  }
0x4bf: {  	[tilespmem:s31], [sflag:$0x1] =	stream.indirect_vreg.gather [hbm4b:s8+s2], $0x80, v19, vm0, $0xb8;
	[tilespmem:$0x10480] =	vst v63  }
0x4c0: {  	s1 =	simm.s32 $0xF780;
	v19 =	vadd.s32 v3, v22;
	v22 =	vperm.xlane v18, v12  }
0x4c1: {  	[tilespmem:s1], [sflag:$0x1] =	stream.indirect_vreg.gather [hbm4b:s8+s2], $0x80, v20, vm0, $0xb8;
	[tilespmem:$0x10480] =	vst v63  }
0x4c2: {  	s31 =	simm.s32 $0xF800;
	v20 =	vadd.s32 v3, v22;
	v22 =	vperm.xlane v18, v13  }
0x4c3: {  	[tilespmem:s31], [sflag:$0x1] =	stream.indirect_vreg.gather [hbm4b:s8+s2], $0x80, v21, vm0, $0xb8;
	[tilespmem:$0x10480] =	vst v63  }
0x4c4: {  	s1 =	simm.s32 $0xF880;
	v21 =	vadd.s32 v3, v22;
	v22 =	vperm.xlane v18, v14  }
0x4c5: {  	[tilespmem:s1], [sflag:$0x1] =	stream.indirect_vreg.gather [hbm4b:s8+s2], $0x80, v19, vm0, $0xb8;
	[tilespmem:$0x10480] =	vst v63  }
0x4c6: {  	s31 =	simm.s32 $0xF900;
	v19 =	vadd.s32 v3, v22;
	v22 =	vperm.xlane v18, v15  }
0x4c7: {  	[tilespmem:s31], [sflag:$0x1] =	stream.indirect_vreg.gather [hbm4b:s8+s2], $0x80, v20, vm0, $0xb8;
	[tilespmem:$0x10480] =	vst v63  }
0x4c8: {  	s1 =	simm.s32 $0xF980;
	v20 =	vadd.s32 v3, v22;
	v22 =	vperm.xlane v18, v16  }
0x4c9: {  	[tilespmem:s1], [sflag:$0x1] =	stream.indirect_vreg.gather [hbm4b:s8+s2], $0x80, v21, vm0, $0xb8;
	[tilespmem:$0x10480] =	vst v63  }
0x4ca: {  	v18 =	vperm.xlane v18, v17;
	s31 =	simm.s32 $0xFA00;
	v21 =	vadd.s32 v3, v22  }
0x4cb: {  	[tilespmem:s31], [sflag:$0x1] =	stream.indirect_vreg.gather [hbm4b:s8+s2], $0x80, v19, vm0, $0xb8;
	[tilespmem:$0x10480] =	vst v63  }
0x4cc: {  	v18 =	vadd.s32 v3, v18;
	s1 =	simm.s32 $0xFA80  }
0x4cd: {  	[tilespmem:s1], [sflag:$0x1] =	stream.indirect_vreg.gather [hbm4b:s8+s2], $0x80, v20, vm0, $0xb8;
	[tilespmem:$0x10480] =	vst v63  }
0x4ce: {  	_ = 	snop  }
0x4cf: {  	[tilespmem:s22], [sflag:$0x1] =	stream.indirect_vreg.gather [hbm4b:s8+s2], $0x80, v21, vm0, $0xb8;
	[tilespmem:$0x10480] =	vst v63  }
0x4d0: {  	_ = 	snop  }
0x4d1: {  	[tilespmem:s23], [sflag:$0x1] =	stream.indirect_vreg.gather [hbm4b:s8+s2], $0x80, v18, vm0, $0xb8;
	[tilespmem:$0x10480] =	vst v63  }
0x4d2: {  	v18 =	vld [tilespmem:$0x1F0];
	_ =	sdelay $0x4  }
0x4d3: {  	v19 =	vshll.u32 v18, $0x7  }
0x4d4: {  	v18 =	vand.u32 $0x7, v18;
	v19 =	vand.u32 $0xFFFFFC00, v19  }
0x4d5: {  	v18 =	vor.u32 v18, v19  }
0x4d6: {  	v19 =	vperm.xlane v18, v2;
	_ =	sdelay $0x1  }
0x4d7: {  	v20 =	vperm.xlane v18, v4;
	v19 =	vadd.s32 v3, v19;
	_ =	sdelay $0x1  }
0x4d8: {  	v21 =	vperm.xlane v18, v5;
	v20 =	vadd.s32 v3, v20;
	_ =	sdelay $0x1  }
0x4d9: {  	v22 =	vperm.xlane v18, v6;
	v21 =	vadd.s32 v3, v21  }
0x4da: {  	[tilespmem:s24], [sflag:$0x1] =	stream.indirect_vreg.gather [hbm4b:s8+s2], $0x80, v19, vm0, $0xb8;
	[tilespmem:$0x10480] =	vst v63  }
0x4db: {  	s31 =	simm.s32 $0xFC80;
	v19 =	vadd.s32 v3, v22;
	v22 =	vperm.xlane v18, v7  }
0x4dc: {  	[tilespmem:s31], [sflag:$0x1] =	stream.indirect_vreg.gather [hbm4b:s8+s2], $0x80, v20, vm0, $0xb8;
	[tilespmem:$0x10480] =	vst v63  }
0x4dd: {  	v20 =	vadd.s32 v3, v22;
	v22 =	vperm.xlane v18, v8  }
0x4de: {  	[tilespmem:s21], [sflag:$0x1] =	stream.indirect_vreg.gather [hbm4b:s8+s2], $0x80, v21, vm0, $0xb8;
	[tilespmem:$0x10480] =	vst v63  }
0x4df: {  	v21 =	vadd.s32 v3, v22;
	v22 =	vperm.xlane v18, v9  }
0x4e0: {  	[tilespmem:s20], [sflag:$0x1] =	stream.indirect_vreg.gather [hbm4b:s8+s2], $0x80, v19, vm0, $0xb8;
	[tilespmem:$0x10480] =	vst v63  }
0x4e1: {  	v19 =	vadd.s32 v3, v22;
	v22 =	vperm.xlane v18, v1  }
0x4e2: {  	[tilespmem:s19], [sflag:$0x1] =	stream.indirect_vreg.gather [hbm4b:s8+s2], $0x80, v20, vm0, $0xb8;
	[tilespmem:$0x10480] =	vst v63  }
0x4e3: {  	v20 =	vadd.s32 v3, v22;
	v22 =	vperm.xlane v18, v10  }
0x4e4: {  	[tilespmem:s17], [sflag:$0x1] =	stream.indirect_vreg.gather [hbm4b:s8+s2], $0x80, v21, vm0, $0xb8;
	[tilespmem:$0x10480] =	vst v63  }
0x4e5: {  	v21 =	vadd.s32 v3, v22;
	v22 =	vperm.xlane v18, v11  }
0x4e6: {  	[tilespmem:s18], [sflag:$0x1] =	stream.indirect_vreg.gather [hbm4b:s8+s2], $0x80, v19, vm0, $0xb8;
	[tilespmem:$0x10480] =	vst v63  }
0x4e7: {  	v19 =	vadd.s32 v3, v22;
	v22 =	vperm.xlane v18, v12  }
0x4e8: {  	[tilespmem:s16], [sflag:$0x1] =	stream.indirect_vreg.gather [hbm4b:s8+s2], $0x80, v20, vm0, $0xb8;
	[tilespmem:$0x10480] =	vst v63  }
0x4e9: {  	v20 =	vadd.s32 v3, v22;
	v22 =	vperm.xlane v18, v13  }
0x4ea: {  	[tilespmem:s14], [sflag:$0x1] =	stream.indirect_vreg.gather [hbm4b:s8+s2], $0x80, v21, vm0, $0xb8;
	[tilespmem:$0x10480] =	vst v63  }
0x4eb: {  	v21 =	vadd.s32 v3, v22;
	v22 =	vperm.xlane v18, v14  }
0x4ec: {  	[tilespmem:s15], [sflag:$0x1] =	stream.indirect_vreg.gather [hbm4b:s8+s2], $0x80, v19, vm0, $0xb8;
	[tilespmem:$0x10480] =	vst v63  }
0x4ed: {  	v19 =	vadd.s32 v3, v22;
	v22 =	vperm.xlane v18, v15  }
0x4ee: {  	[tilespmem:s13], [sflag:$0x1] =	stream.indirect_vreg.gather [hbm4b:s8+s2], $0x80, v20, vm0, $0xb8;
	[tilespmem:$0x10480] =	vst v63  }
0x4ef: {  	s1 =	simm.s32 $0x10180;
	v20 =	vadd.s32 v3, v22;
	v22 =	vperm.xlane v18, v16  }
0x4f0: {  	[tilespmem:s1], [sflag:$0x1] =	stream.indirect_vreg.gather [hbm4b:s8+s2], $0x80, v21, vm0, $0xb8;
	[tilespmem:$0x10480] =	vst v63  }
0x4f1: {  	s31 =	simm.s32 $0x10200;
	v18 =	vperm.xlane v18, v17;
	v21 =	vadd.s32 v3, v22  }
0x4f2: {  	[tilespmem:s31], [sflag:$0x1] =	stream.indirect_vreg.gather [hbm4b:s8+s2], $0x80, v19, vm0, $0xb8;
	[tilespmem:$0x10480] =	vst v63  }
0x4f3: {  	v18 =	vadd.s32 v3, v18;
	s1 =	simm.s32 $0x10280  }
0x4f4: {  	[tilespmem:s1], [sflag:$0x1] =	stream.indirect_vreg.gather [hbm4b:s8+s2], $0x80, v20, vm0, $0xb8;
	[tilespmem:$0x10480] =	vst v63  }
0x4f5: {  	s31 =	simm.s32 $0x10300  }
0x4f6: {  	[tilespmem:s31], [sflag:$0x1] =	stream.indirect_vreg.gather [hbm4b:s8+s2], $0x80, v21, vm0, $0xb8;
	[tilespmem:$0x10480] =	vst v63  }
0x4f7: {  	s1 =	simm.s32 $0x10380  }
0x4f8: {  	[tilespmem:s1], [sflag:$0x1] =	stream.indirect_vreg.gather [hbm4b:s8+s2], $0x80, v18, vm0, $0xb8;
	[tilespmem:$0x10480] =	vst v63  }
0x4f9: {  	_ =	swait.ge [sflag:s26], $0x200  }
0x4fa: {  	[sflag:s26] =	ssyncset.done $0x0  }
0x4fb: {  	[sflag:s26] =	ssyncadd.s32 $0xFFFFFE00  }
0x4fc: {  	_ =	swait.ge [sflag:s25], $0x4000  }
0x4fd: {  	[sflag:s25] =	ssyncset.done $0x0  }
0x4fe: {  	[sflag:s25] =	ssyncadd.s32 $0xFFFFC000  }
0x4ff: {  	v22 =	vld [tilespmem:s30+$0x0];
	_ =	sdelay $0x4  }
0x500: {  	v18 =	vmul.f32 $-5.000000000e-01, v22;
	_ =	sdelay $0x1  }
0x501: {  	v19 =	vmov s2;
	v18 =	vmul.f32 v18, v22  }
0x502: {  	v19 =	vmul.u32 $0x81, v19;
	s31 =	simm.s32 $0x210  }
0x503: {  	v20 =	vmul.f32 $1.442695020e+00, v18;
	v18 =	vld [tilespmem:s31+$0x0]  }
0x504: {  	v19 =	vbroadcast v19, $0x0;
	v21 =	vmul.u32 $0x81, v0  }
0x505: {  	s1 =	simm.s32 $0x220;
	(erf) = vpow2.f32 v20  }
0x506: {  	v20 =	vadd.s32 v21, v19;
	v19 =	vld [tilespmem:s1+$0x0];
	_ =	sdelay $0x1  }
0x507: {  	v24 =	vmul.f32 $-5.000000000e-01, v18  }
0x508: {  	s30 =	simm.s32 $0x10  }
0x509: {  	v23 =	vmov s30;
	v24 =	vmul.f32 v24, v18  }
0x50a: {  	v23 =	vmul.u32 $0x81, v23;
	v26 =	vmul.f32 $-5.000000000e-01, v19  }
0x50b: {  	v24 =	vmul.f32 $1.442695020e+00, v24  }
0x50c: {  	v23 =	vbroadcast v23, $0x0;
	vm1 =	vlt.f32 v22, $0.0e+00;
	s31 =	simm.s32 $0x20;
	v26 =	vmul.f32 v26, v19  }
0x50d: {  	vm2 =	vgt.f32 v22, $0.0e+00;
	v25 =	vmov s31;
	s1 =	simm.s32 $0x230;
	v27 =	vld.idx.msk [tilespmem:v20+s12+$0x0], $0xffff;
	v22 =	vpop (erf);
	(erf) = vpow2.f32 v24  }
0x50e: {  	v23 =	vadd.s32 v21, v23;
	v25 =	vmul.u32 $0x81, v25;
	v20 =	vld [tilespmem:s1+$0x0];
	v29 =	vmul.f32 $1.442695020e+00, v26;
	_ =	sdelay $0x1  }
0x50f: {  	vm1 =	vmor vm2, vm1;
	v25 =	vbroadcast v25, $0x0;
	(erf) = vpow2.f32 v29  }
0x510: {  	v28 =	vnsel vm1, $0x0, v22  }
0x511: {  	s31 =	simm.s32 $0x30;
	v25 =	vadd.s32 v21, v25;
	v24 =	vmul.f32 v28, v27  }
0x512: {  	s0 =	simm.s32 $0x240;
	s30 =	simm.s32 $0x40;
	v23 =	vld.idx.msk [tilespmem:v23+s12+$0x0], $0xffff;
	v26 =	vmov s31;
	v22 =	vimm.f32 $0.0e+00;
	v27 =	vmul.f32 $-5.000000000e-01, v20  }
.LBB2_2:
0x513: {  	v28 =	vld [tilespmem:s0+$0x0];
	p0 =	sne.s32 s30, $0x70;
	v26 =	vmul.u32 $0x81, v26;
	v22 =	vadd.f32 v24, v22;
	s31 =	smov.u32 s30;
	s30 =	sadd.s32 $0x10, s30  }
.Ltmp0:
0x514: {  	vm1 =	vlt.f32 v18, $0.0e+00;
	vm2 =	vgt.f32 v18, $0.0e+00;
	v18 =	vmovc v19;
	v19 =	vmovc v20;
	v24 =	vmul.f32 v27, v20;
	(pc) =	sbr.rel @p0 .LBB2_2-.Ltmp0, $4  }
0x515: {  	vm1 =	vmor vm2, vm1;
	v20 =	vpop (erf)  }
0x516: {  	v29 =	vbroadcast v26, $0x0;
	v30 =	vmul.f32 $1.442695020e+00, v24;
	v31 =	vnsel vm1, $0x0, v20  }
0x517: {  	v26 =	vmov s31;
	v24 =	vmul.f32 v31, v23;
	v23 =	vld.idx.msk [tilespmem:v25+s12+$0x0], $0xffff  }
0x518: {  	s0 =	sadd.s32 $0x10, s0;
	v25 =	vadd.s32 v21, v29;
	v27 =	vmul.f32 $-5.000000000e-01, v28;
	(erf) = vpow2.f32 v30;
	v20 =	vmovc v28  }
0x519: {  	_ = 	snop  }
0x51a: {  	v27 =	vmul.f32 v27, v20;
	_ =	sdelay $0x1  }
0x51b: {  	v27 =	vmul.f32 $1.442695020e+00, v27;
	_ =	sdelay $0x1  }
0x51c: {  	(erf) = vpow2.f32 v27  }
0x51d: {  	v26 =	vmul.u32 $0x81, v26;
	_ =	sdelay $0x1  }
0x51e: {  	v26 =	vbroadcast v26, $0x0;
	_ =	sdelay $0x1  }
0x51f: {  	v21 =	vadd.s32 v21, v26;
	_ =	sdelay $0x1  }
0x520: {  	v26 =	vpop (erf)  }
0x521: {  	v27 =	vpop (erf)  }
0x522: {  	v25 =	vld.idx.msk [tilespmem:v25+s12+$0x0], $0xffff;
	v28 =	vpop (erf)  }
0x523: {  	v21 =	vld.idx.msk [tilespmem:v21+s12+$0x0], $0xffff;
	_ =	swait.ge [sflag:s25], $0x4000  }
0x524: {  	[sflag:s25] =	ssyncset.done $0x0  }
0x525: {  	s0 =	simm.s32 $0x280;
	[sflag:s25] =	ssyncadd.s32 $0xFFFFC000  }
0x526: {  	v29 =	vld [tilespmem:s0+$0x0];
	_ =	sdelay $0x4  }
0x527: {  	v30 =	vmul.f32 $-5.000000000e-01, v29;
	_ =	sdelay $0x1  }
0x528: {  	vm1 =	vlt.f32 v18, $0.0e+00;
	vm2 =	vgt.f32 v18, $0.0e+00;
	v30 =	vmul.f32 v30, v29  }
0x529: {  	v22 =	vadd.f32 v24, v22;
	s1 =	simm.s32 $0x290;
	vm1 =	vmor vm2, vm1;
	vm2 =	vgt.f32 v19, $0.0e+00  }
0x52a: {  	s30 =	simm.s32 $0x80;
	v24 =	vnsel vm1, $0x0, v26;
	vm1 =	vlt.f32 v19, $0.0e+00;
	v18 =	vld [tilespmem:s1+$0x0];
	v19 =	vmul.f32 $1.442695020e+00, v30  }
0x52b: {  	v23 =	vmul.f32 v24, v23;
	v24 =	vor.u32 s30, v0  }
0x52c: {  	s1 =	simm.s32 $0x2A0;
	(erf) = vpow2.f32 v19;
	v19 =	vand.u32 $0x7F, v24;
	v24 =	vshll.u32 v24, $0x7  }
0x52d: {  	vm1 =	vmor vm2, vm1;
	v24 =	vor.u32 v19, v24;
	v19 =	vld [tilespmem:s1+$0x0]  }
0x52e: {  	vm2 =	vgt.f32 v20, $0.0e+00;
	v26 =	vnsel vm1, $0x0, v27;
	vm1 =	vlt.f32 v20, $0.0e+00  }
0x52f: {  	v22 =	vadd.f32 v23, v22;
	v23 =	vmul.f32 v26, v25;
	v20 =	vmul.f32 $-5.000000000e-01, v18  }
0x530: {  	vm1 =	vmor vm2, vm1  }
0x531: {  	v22 =	vadd.f32 v23, v22;
	v23 =	vnsel vm1, $0x0, v28;
	v20 =	vmul.f32 v20, v18;
	s1 =	simm.s32 $0x90  }
0x532: {  	v21 =	vmul.f32 v23, v21;
	v25 =	vor.u32 s1, v0;
	v27 =	vmul.f32 $-5.000000000e-01, v19  }
0x533: {  	v23 =	vmul.f32 $1.442695020e+00, v20;
	v26 =	vand.u32 $0x7F, v25;
	v25 =	vshll.u32 v25, $0x7  }
0x534: {  	v25 =	vor.u32 v26, v25;
	v26 =	vmul.f32 v27, v19  }
0x535: {  	(erf) = vpow2.f32 v23;
	s1 =	simm.s32 $0x2B0;
	v24 =	vld.idx.msk [tilespmem:v24+s12+$0x0], $0xffff  }
0x536: {  	v20 =	vld [tilespmem:s1+$0x0];
	v26 =	vmul.f32 $1.442695020e+00, v26  }
0x537: {  	vm1 =	vlt.f32 v29, $0.0e+00;
	vm2 =	vgt.f32 v29, $0.0e+00  }
0x538: {  	v21 =	vadd.f32 v21, v22;
	vm1 =	vmor vm2, vm1;
	s1 =	simm.s32 $0xA0;
	v22 =	vpop (erf);
	(erf) = vpow2.f32 v26  }
0x539: {  	v23 =	vor.u32 s1, v0;
	v22 =	vnsel vm1, $0x0, v22  }
0x53a: {  	v63 =	vshll.u32 v23, $0x7;
	v27 =	vand.u32 $0x7F, v23;
	v23 =	vmul.f32 v22, v24  }
0x53b: {  	s31 =	simm.s32 $0xC0;
	s30 =	simm.s32 $0xB0;
	s0 =	simm.s32 $0x2C0;
	v22 =	vld.idx.msk [tilespmem:v25+s12+$0x0], $0xffff;
	v25 =	vmul.f32 $-5.000000000e-01, v20;
	v24 =	vor.u32 v27, v63  }
.LBB2_4:
0x53c: {  	v26 =	vld [tilespmem:s0+$0x0];
	p0 =	sne.s32 s31, $0xF0;
	v21 =	vadd.f32 v23, v21;
	s1 =	smov.u32 s31;
	s31 =	sadd.s32 $0x10, s31  }
.Ltmp1:
0x53d: {  	vm1 =	vlt.f32 v18, $0.0e+00;
	vm2 =	vgt.f32 v18, $0.0e+00;
	v18 =	vmovc v19;
	v19 =	vmovc v20;
	v23 =	vmul.f32 v25, v20;
	(pc) =	sbr.rel @p0 .LBB2_4-.Ltmp1, $4  }
0x53e: {  	vm1 =	vmor vm2, vm1;
	v20 =	vpop (erf)  }
0x53f: {  	v25 =	vor.u32 s30, v0;
	s30 =	smov.u32 s1;
	v27 =	vmul.f32 $1.442695020e+00, v23;
	v30 =	vnsel vm1, $0x0, v20  }
0x540: {  	v28 =	vand.u32 $0x7F, v25;
	v29 =	vshll.u32 v25, $0x7;
	v23 =	vmul.f32 v30, v22;
	v22 =	vld.idx.msk [tilespmem:v24+s12+$0x0], $0xffff  }
0x541: {  	s0 =	sadd.s32 $0x10, s0;
	v24 =	vor.u32 v28, v29;
	v25 =	vmul.f32 $-5.000000000e-01, v26;
	(erf) = vpow2.f32 v27;
	v20 =	vmovc v26  }
0x542: {  	_ = 	snop  }
0x543: {  	v25 =	vmul.f32 v25, v20;
	_ =	sdelay $0x1  }
0x544: {  	v25 =	vmul.f32 $1.442695020e+00, v25;
	_ =	sdelay $0x1  }
0x545: {  	(erf) = vpow2.f32 v25;
	_ =	sdelay $0x2  }
0x546: {  	v25 =	vor.u32 s30, v0  }
0x547: {  	v26 =	vand.u32 $0x7F, v25;
	v25 =	vshll.u32 v25, $0x7  }
0x548: {  	v25 =	vor.u32 v26, v25;
	_ =	sdelay $0x1  }
0x549: {  	v26 =	vpop (erf)  }
0x54a: {  	v27 =	vpop (erf)  }
0x54b: {  	v24 =	vld.idx.msk [tilespmem:v24+s12+$0x0], $0xffff;
	v28 =	vpop (erf)  }
0x54c: {  	v25 =	vld.idx.msk [tilespmem:v25+s12+$0x0], $0xffff;
	_ =	swait.ge [sflag:s25], $0x4000  }
0x54d: {  	[sflag:s25] =	ssyncset.done $0x0  }
0x54e: {  	s0 =	simm.s32 $0x300;
	[sflag:s25] =	ssyncadd.s32 $0xFFFFC000  }
0x54f: {  	v29 =	vld [tilespmem:s0+$0x0];
	_ =	sdelay $0x4  }
0x550: {  	v30 =	vmul.f32 $-5.000000000e-01, v29;
	_ =	sdelay $0x1  }
0x551: {  	vm1 =	vlt.f32 v18, $0.0e+00;
	vm2 =	vgt.f32 v18, $0.0e+00;
	v30 =	vmul.f32 v30, v29  }
0x552: {  	v21 =	vadd.f32 v23, v21;
	vm1 =	vmor vm2, vm1;
	vm2 =	vgt.f32 v19, $0.0e+00;
	s0 =	simm.s32 $0x310  }
0x553: {  	s1 =	simm.s32 $0x100;
	v23 =	vnsel vm1, $0x0, v26;
	vm1 =	vlt.f32 v19, $0.0e+00;
	v18 =	vld [tilespmem:s0+$0x0];
	v19 =	vmul.f32 $1.442695020e+00, v30  }
0x554: {  	v22 =	vmul.f32 v23, v22;
	v23 =	vor.u32 s1, v0  }
0x555: {  	s1 =	simm.s32 $0x320;
	(erf) = vpow2.f32 v19;
	v19 =	vand.u32 $0x7F, v23;
	v23 =	vshll.u32 v23, $0x7  }
0x556: {  	vm1 =	vmor vm2, vm1;
	v23 =	vor.u32 v19, v23;
	v19 =	vld [tilespmem:s1+$0x0]  }
0x557: {  	vm2 =	vgt.f32 v20, $0.0e+00;
	v26 =	vnsel vm1, $0x0, v27;
	vm1 =	vlt.f32 v20, $0.0e+00  }
0x558: {  	v21 =	vadd.f32 v22, v21;
	v22 =	vmul.f32 v26, v24;
	v20 =	vmul.f32 $-5.000000000e-01, v18  }
0x559: {  	vm1 =	vmor vm2, vm1  }
0x55a: {  	v21 =	vadd.f32 v22, v21;
	v22 =	vnsel vm1, $0x0, v28;
	v20 =	vmul.f32 v20, v18;
	s1 =	simm.s32 $0x110  }
0x55b: {  	v22 =	vmul.f32 v22, v25;
	v24 =	vor.u32 s1, v0;
	v27 =	vmul.f32 $-5.000000000e-01, v19  }
0x55c: {  	v25 =	vmul.f32 $1.442695020e+00, v20;
	v26 =	vand.u32 $0x7F, v24;
	v24 =	vshll.u32 v24, $0x7  }
0x55d: {  	v24 =	vor.u32 v26, v24;
	v26 =	vmul.f32 v27, v19  }
0x55e: {  	(erf) = vpow2.f32 v25;
	s1 =	simm.s32 $0x330;
	v23 =	vld.idx.msk [tilespmem:v23+s12+$0x0], $0xffff  }
0x55f: {  	v20 =	vld [tilespmem:s1+$0x0];
	v26 =	vmul.f32 $1.442695020e+00, v26  }
0x560: {  	vm1 =	vlt.f32 v29, $0.0e+00;
	vm2 =	vgt.f32 v29, $0.0e+00  }
0x561: {  	v21 =	vadd.f32 v22, v21;
	vm1 =	vmor vm2, vm1;
	s1 =	simm.s32 $0x120;
	v22 =	vpop (erf);
	(erf) = vpow2.f32 v26  }
0x562: {  	v25 =	vor.u32 s1, v0;
	v22 =	vnsel vm1, $0x0, v22  }
0x563: {  	v63 =	vshll.u32 v25, $0x7;
	v27 =	vand.u32 $0x7F, v25;
	v23 =	vmul.f32 v22, v23  }
0x564: {  	s31 =	simm.s32 $0x140;
	s30 =	simm.s32 $0x130;
	s0 =	simm.s32 $0x340;
	v25 =	vmul.f32 $-5.000000000e-01, v20;
	v22 =	vld.idx.msk [tilespmem:v24+s12+$0x0], $0xffff;
	v24 =	vor.u32 v27, v63  }
.LBB2_6:
0x565: {  	v26 =	vld [tilespmem:s0+$0x0];
	p0 =	sne.s32 s31, $0x170;
	v21 =	vadd.f32 v23, v21;
	s1 =	smov.u32 s31;
	s31 =	sadd.s32 $0x10, s31  }
.Ltmp2:
0x566: {  	vm1 =	vlt.f32 v18, $0.0e+00;
	vm2 =	vgt.f32 v18, $0.0e+00;
	v18 =	vmovc v19;
	v19 =	vmovc v20;
	v23 =	vmul.f32 v25, v20;
	(pc) =	sbr.rel @p0 .LBB2_6-.Ltmp2, $4  }
0x567: {  	vm1 =	vmor vm2, vm1;
	v20 =	vpop (erf)  }
0x568: {  	v25 =	vor.u32 s30, v0;
	s30 =	smov.u32 s1;
	v27 =	vmul.f32 $1.442695020e+00, v23;
	v30 =	vnsel vm1, $0x0, v20  }
0x569: {  	v28 =	vand.u32 $0x7F, v25;
	v29 =	vshll.u32 v25, $0x7;
	v23 =	vmul.f32 v30, v22;
	v22 =	vld.idx.msk [tilespmem:v24+s12+$0x0], $0xffff  }
0x56a: {  	s0 =	sadd.s32 $0x10, s0;
	v24 =	vor.u32 v28, v29;
	v25 =	vmul.f32 $-5.000000000e-01, v26;
	(erf) = vpow2.f32 v27;
	v20 =	vmovc v26  }
0x56b: {  	_ = 	snop  }
0x56c: {  	v25 =	vmul.f32 v25, v20;
	_ =	sdelay $0x1  }
0x56d: {  	v25 =	vmul.f32 $1.442695020e+00, v25;
	_ =	sdelay $0x1  }
0x56e: {  	(erf) = vpow2.f32 v25;
	_ =	sdelay $0x2  }
0x56f: {  	v25 =	vor.u32 s30, v0  }
0x570: {  	v26 =	vand.u32 $0x7F, v25;
	v25 =	vshll.u32 v25, $0x7  }
0x571: {  	v25 =	vor.u32 v26, v25;
	_ =	sdelay $0x1  }
0x572: {  	v26 =	vpop (erf)  }
0x573: {  	v27 =	vpop (erf)  }
0x574: {  	v24 =	vld.idx.msk [tilespmem:v24+s12+$0x0], $0xffff;
	v28 =	vpop (erf)  }
0x575: {  	v25 =	vld.idx.msk [tilespmem:v25+s12+$0x0], $0xffff;
	_ =	swait.ge [sflag:s25], $0x4000  }
0x576: {  	[sflag:s25] =	ssyncset.done $0x0  }
0x577: {  	s0 =	simm.s32 $0x380;
	[sflag:s25] =	ssyncadd.s32 $0xFFFFC000  }
0x578: {  	v29 =	vld [tilespmem:s0+$0x0];
	_ =	sdelay $0x4  }
0x579: {  	v30 =	vmul.f32 $-5.000000000e-01, v29;
	_ =	sdelay $0x1  }
0x57a: {  	vm1 =	vlt.f32 v18, $0.0e+00;
	vm2 =	vgt.f32 v18, $0.0e+00;
	v30 =	vmul.f32 v30, v29  }
0x57b: {  	v21 =	vadd.f32 v23, v21;
	vm1 =	vmor vm2, vm1;
	vm2 =	vgt.f32 v19, $0.0e+00;
	s0 =	simm.s32 $0x390  }
0x57c: {  	s1 =	simm.s32 $0x180;
	v23 =	vnsel vm1, $0x0, v26;
	vm1 =	vlt.f32 v19, $0.0e+00;
	v18 =	vld [tilespmem:s0+$0x0];
	v19 =	vmul.f32 $1.442695020e+00, v30  }
0x57d: {  	v22 =	vmul.f32 v23, v22;
	v23 =	vor.u32 s1, v0  }
0x57e: {  	s1 =	simm.s32 $0x3A0;
	(erf) = vpow2.f32 v19;
	v19 =	vand.u32 $0x7F, v23;
	v23 =	vshll.u32 v23, $0x7  }
0x57f: {  	v23 =	vor.u32 v19, v23;
	v19 =	vld [tilespmem:s1+$0x0]  }
0x580: {  	vm1 =	vmor vm2, vm1;
	vm2 =	vgt.f32 v20, $0.0e+00  }
0x581: {  	v26 =	vnsel vm1, $0x0, v27;
	vm1 =	vlt.f32 v20, $0.0e+00;
	v20 =	vmul.f32 $-5.000000000e-01, v18;
	_ =	sdelay $0x1  }
0x582: {  	v21 =	vadd.f32 v22, v21;
	v22 =	vmul.f32 v26, v24;
	v20 =	vmul.f32 v20, v18;
	s1 =	simm.s32 $0x190  }
0x583: {  	vm1 =	vmor vm2, vm1;
	v24 =	vor.u32 s1, v0;
	v27 =	vmul.f32 $-5.000000000e-01, v19  }
0x584: {  	v61 =	vmul.f32 $1.442695020e+00, v20;
	v26 =	vand.u32 $0x7F, v24;
	v24 =	vshll.u32 v24, $0x7  }
0x585: {  	v22 =	vadd.f32 v22, v21;
	v26 =	vor.u32 v26, v24;
	v24 =	vmul.f32 v27, v19  }
0x586: {  	v21 =	vnsel vm1, $0x0, v28;
	(erf) = vpow2.f32 v61;
	s1 =	simm.s32 $0x3B0;
	v23 =	vld.idx.msk [tilespmem:v23+s12+$0x0], $0xffff  }
0x587: {  	v25 =	vmul.f32 v21, v25;
	v21 =	vld [tilespmem:s1+$0x0];
	v27 =	vmul.f32 $1.442695020e+00, v24  }
0x588: {  	vm1 =	vlt.f32 v29, $0.0e+00;
	vm2 =	vgt.f32 v29, $0.0e+00  }
0x589: {  	vm1 =	vmor vm2, vm1;
	v20 =	vadd.f32 v25, v22;
	s1 =	simm.s32 $0x1A0;
	v22 =	vpop (erf);
	(erf) = vpow2.f32 v27  }
0x58a: {  	v25 =	vor.u32 s1, v0;
	v22 =	vnsel vm1, $0x0, v22  }
0x58b: {  	v62 =	vand.u32 $0x7F, v25;
	v63 =	vshll.u32 v25, $0x7;
	v24 =	vmul.f32 v22, v23  }
0x58c: {  	s31 =	simm.s32 $0x1C0;
	s30 =	simm.s32 $0x1B0;
	s0 =	simm.s32 $0x3C0;
	v25 =	vmul.f32 $-5.000000000e-01, v21;
	v22 =	vld.idx.msk [tilespmem:v26+s12+$0x0], $0xffff;
	v23 =	vor.u32 v62, v63  }
.LBB2_8:
0x58d: {  	v26 =	vld [tilespmem:s0+$0x0];
	p0 =	sne.s32 s31, $0x1F0;
	v20 =	vadd.f32 v24, v20;
	s1 =	smov.u32 s31;
	s31 =	sadd.s32 $0x10, s31  }
.Ltmp3:
0x58e: {  	vm1 =	vlt.f32 v18, $0.0e+00;
	vm2 =	vgt.f32 v18, $0.0e+00;
	v18 =	vmovc v19;
	v19 =	vmovc v21;
	v24 =	vmul.f32 v25, v21;
	(pc) =	sbr.rel @p0 .LBB2_8-.Ltmp3, $4  }
0x58f: {  	vm1 =	vmor vm2, vm1;
	v21 =	vpop (erf)  }
0x590: {  	v25 =	vor.u32 s30, v0;
	s30 =	smov.u32 s1;
	v27 =	vmul.f32 $1.442695020e+00, v24;
	v30 =	vnsel vm1, $0x0, v21  }
0x591: {  	v28 =	vand.u32 $0x7F, v25;
	v29 =	vshll.u32 v25, $0x7;
	v24 =	vmul.f32 v30, v22;
	v22 =	vld.idx.msk [tilespmem:v23+s12+$0x0], $0xffff  }
0x592: {  	s0 =	sadd.s32 $0x10, s0;
	v23 =	vor.u32 v28, v29;
	v25 =	vmul.f32 $-5.000000000e-01, v26;
	(erf) = vpow2.f32 v27;
	v21 =	vmovc v26  }
0x593: {  	_ = 	snop  }
0x594: {  	v25 =	vmul.f32 v25, v21;
	_ =	sdelay $0x1  }
0x595: {  	v25 =	vmul.f32 $1.442695020e+00, v25  }
0x596: {  	v26 =	vor.u32 s30, v0  }
0x597: {  	v60 =	vand.u32 $0x7F, v26;
	v26 =	vshll.u32 v26, $0x7;
	(erf) = vpow2.f32 v25  }
0x598: {  	v25 =	vor.u32 v60, v26;
	_ =	sdelay $0x2  }
0x599: {  	vm1 =	vlt.f32 v18, $0.0e+00;
	vm2 =	vgt.f32 v18, $0.0e+00;
	v18 =	vld.idx.msk [tilespmem:v23+s12+$0x0], $0xffff  }
0x59a: {  	v61 =	vpop (erf);
	vm1 =	vmor vm2, vm1  }
0x59b: {  	vm2 =	vgt.f32 v19, $0.0e+00;
	v23 =	vnsel vm1, $0x0, v61;
	vm1 =	vlt.f32 v19, $0.0e+00;
	v19 =	vld.idx.msk [tilespmem:v25+s12+$0x0], $0xffff  }
0x59c: {  	v20 =	vadd.f32 v24, v20;
	v22 =	vmul.f32 v23, v22;
	vm1 =	vmor vm2, vm1;
	v62 =	vpop (erf)  }
0x59d: {  	vm2 =	vgt.f32 v21, $0.0e+00;
	v23 =	vnsel vm1, $0x0, v62;
	vm1 =	vlt.f32 v21, $0.0e+00  }
0x59e: {  	v20 =	vadd.f32 v22, v20;
	v18 =	vmul.f32 v23, v18;
	vm1 =	vmor vm2, vm1;
	v63 =	vpop (erf)  }
0x59f: {  	v21 =	vnsel vm1, $0x0, v63  }
0x5a0: {  	v18 =	vadd.f32 v18, v20;
	v19 =	vmul.f32 v21, v19;
	_ =	sdelay $0x1  }
0x5a1: {  	s29 =	sadd.s32 $0x1, s29;
	v18 =	vadd.f32 v19, v18  }
0x5a2: {  	p0 =	sne.s32 s29, s10  }
.Ltmp4:
0x5a3: {  	[tilespmem:$0x10400] =	vst v18;
	(pc) =	sbr.rel @p0 .LBB2_1-.Ltmp4, $4  }
0x5a4: {  	[hbm4b:s9+s2] =	stream.linear.scatter [tilespmem:s28], [sflag:$0x3], $0x80, $0x38;
	[tilespmem:$0x10480] =	vst v63  }
0x5a5: {  	_ =	swait.ge [sflag:s11], $0x80  }
0x5a6: {  	[sflag:s11] =	ssyncset.done $0x0  }
0x5a7: {  	[sflag:s11] =	ssyncadd.s32 $0xFFFFFF80  }
0x5a8: {  	_ =	sfence.sel $0x180000  }
0x5a9: {  	[bflag:$0x0] =	sbarrier.arrive $0xFFFF  }
0x5aa: {  	_ =	strace $0x90000047  }
0x5ab: {  	s0 =	stileid.u32;
	[bflag:$0x2] =	sbarrier.arrive $0xFFFF  }
0x5ac: {  	p0 =	sne.s32 s0, $0x0;
	s0 =	rddreg [dreg:$0x4]  }
0x5ad: {  	s0 =	sadd.s32 @!p0 $0x100000, s0  }
0x5ae: {  	[sflag:s0] =	ssyncadd.tile.s32 @!p0 $0x1;
	_ =	shalt  }
.Lfunc_end2:
_tile_overlayer_lowered:
.L_overlay_start_2:
0x5af: {  	(tag) =	ssettag $0x2  }
0x5b0: {  	s0 =	rddreg [dreg:$0x0];
	s2 =	stileid.u32  }
0x5b1: {  	s1 =	rddreg [dreg:$0x1];
	p0 =	sne.s32 s2, $0x0  }
0x5b2: {  	s3 =	rddreg [dreg:$0x2];
	[bflag:$0x3] =	sbarrier.arrive $0xFFFF;
	s2 =	simm.s32 @!p0 $0x1C03  }
0x5b3: {  	[timem:s3], [sflag:s2] =	dma.local @!p0 [hbm:s0], s1  }
0x5b4: {  	s0 =	simm.s32 @!p0 $0x3  }
0x5b5: {  	_ =	swait.ge @!p0 [sflag:s0], s1  }
0x5b6: {  	s1 =	ssub.s32 @!p0 $0x0, s1;
	[sflag:s0] =	ssyncset.done @!p0 $0x0  }
0x5b7: {  	[sflag:s0] =	ssyncadd.s32 @!p0 s1  }
0x5b8: {  	[bflag:$0x3] =	sbarrier.arrive $0xFFFF  }
0x5b9: {  	_ =	shalt  }

</sc_bundles>
